<compile_context>
chip_gen: v7x
topology: tpu7x:2x2x1
jax: 0.10.2.dev20260603
libtpu: 0.0.44.dev20260713+nightly
codegen_flags: <defaults>
</compile_context>

<pallas_src>
import functools

import jax
import jax.numpy as jnp
from jax import lax
from jax.experimental import pallas as pl
from jax.experimental.pallas import tpu as pltpu
from jax.experimental.pallas import tpu_sc as plsc

N = 10000
D = 128
NUM_REL = 2
NC = 2
NS = 16
L = 16

CHUNK = 128
N_PAD = 10240
ROWS_PER_TILE = N_PAD // NS
E_PAD = 16 * CHUNK * 157
EPT = E_PAD // NS
NCHUNKS = EPT // CHUNK


def _sc_agg_body(x_hbm, src_hbm, dst_hbm, et_hbm, out_hbm,
                 agg_sh, src_v, dst_v, et_v, sidx_v, rows_v, sem):
    c = lax.axis_index("c")
    s = lax.axis_index("s")
    row0 = s * ROWS_PER_TILE

    zero16 = jnp.zeros((L,), jnp.float32)

    def zrow(i, carry):
        for j in range(D // L):
            rows_v[0, i, pl.ds(j * L, L)] = zero16
        return carry

    lax.fori_loop(0, CHUNK, zrow, 0)
    for k in range(ROWS_PER_TILE // CHUNK):
        pltpu.sync_copy(rows_v.at[0], agg_sh.at[pl.ds(row0 + k * CHUNK, CHUNK)])
    plsc.subcore_barrier()

    iota16 = lax.iota(jnp.int32, L)
    dump_vec = N + s * 8 + (iota16 & 7)
    ebase = s * EPT

    def step(i, carry):
        off = ebase + i * CHUNK
        pltpu.sync_copy(src_hbm.at[pl.ds(off, CHUNK)], src_v.at[0])
        pltpu.sync_copy(dst_hbm.at[pl.ds(off, CHUNK)], dst_v.at[0])
        pltpu.sync_copy(et_hbm.at[pl.ds(off, CHUNK)], et_v.at[0])
        for j in range(CHUNK // L):
            t16 = et_v[0, pl.ds(j * L, L)]
            d16 = dst_v[0, pl.ds(j * L, L)]
            sidx_v[0, pl.ds(j * L, L)] = jnp.where(t16 == c, d16, dump_vec)
        pltpu.async_copy(x_hbm.at[src_v.at[0]], rows_v.at[0], sem).wait()
        pltpu.sync_copy(rows_v.at[0], agg_sh.at[sidx_v.at[0]], add=True)
        return carry

    lax.fori_loop(0, NCHUNKS, step, 0)
    plsc.subcore_barrier()
    pltpu.sync_copy(agg_sh.at[pl.ds(row0, ROWS_PER_TILE)],
                    out_hbm.at[c, pl.ds(row0, ROWS_PER_TILE)])


def _sc_counts_body(dst_hbm, et_hbm, out_hbm,
                    cnt_sh, dst_v, et_v, sidx_v, val_v):
    c = lax.axis_index("c")
    s = lax.axis_index("s")
    row0 = s * ROWS_PER_TILE
    zero16 = jnp.zeros((L,), jnp.float32)
    one16 = jnp.ones((L,), jnp.float32)

    def fill(vec):
        def frow(i, carry):
            for j in range(D // L):
                val_v[i, pl.ds(j * L, L)] = vec
            return carry
        lax.fori_loop(0, CHUNK, frow, 0)

    fill(zero16)
    for k in range(ROWS_PER_TILE // CHUNK):
        pltpu.sync_copy(val_v, cnt_sh.at[pl.ds(row0 + k * CHUNK, CHUNK)])
    plsc.subcore_barrier()
    fill(one16)

    iota16 = lax.iota(jnp.int32, L)
    dump_vec = N + s * 8 + (iota16 & 7)
    ebase = s * EPT

    def step(i, carry):
        off = ebase + i * CHUNK
        pltpu.sync_copy(dst_hbm.at[pl.ds(off, CHUNK)], dst_v.at[0])
        pltpu.sync_copy(et_hbm.at[pl.ds(off, CHUNK)], et_v.at[0])
        for j in range(CHUNK // L):
            t16 = et_v[0, pl.ds(j * L, L)]
            d16 = dst_v[0, pl.ds(j * L, L)]
            sidx_v[0, pl.ds(j * L, L)] = jnp.where(t16 == c, d16, dump_vec)
        pltpu.sync_copy(val_v, cnt_sh.at[sidx_v.at[0]], add=True)
        return carry

    lax.fori_loop(0, NCHUNKS, step, 0)
    plsc.subcore_barrier()
    pltpu.sync_copy(cnt_sh.at[pl.ds(row0, ROWS_PER_TILE)],
                    out_hbm.at[c, pl.ds(row0, ROWS_PER_TILE)])


def _sc_mesh():
    return plsc.VectorSubcoreMesh(core_axis_name="c", subcore_axis_name="s",
                                  num_cores=NC, num_subcores=NS)


def _sc_agg(x, src_p, dst_p, et_p):
    return pl.kernel(
        _sc_agg_body,
        out_type=jax.ShapeDtypeStruct((NUM_REL, N_PAD, D), jnp.float32),
        mesh=_sc_mesh(),
        scratch_types=[
            pltpu.VMEM_SHARED((N_PAD, D), jnp.float32),
            pltpu.VMEM((1, CHUNK), jnp.int32),
            pltpu.VMEM((1, CHUNK), jnp.int32),
            pltpu.VMEM((1, CHUNK), jnp.int32),
            pltpu.VMEM((1, CHUNK), jnp.int32),
            pltpu.VMEM((1, CHUNK, D), jnp.float32),
            pltpu.SemaphoreType.DMA,
        ],
    )(x, src_p, dst_p, et_p)


def _sc_counts(dst_p, et_p):
    return pl.kernel(
        _sc_counts_body,
        out_type=jax.ShapeDtypeStruct((NUM_REL, N_PAD, D), jnp.float32),
        mesh=_sc_mesh(),
        scratch_types=[
            pltpu.VMEM_SHARED((N_PAD, D), jnp.float32),
            pltpu.VMEM((1, CHUNK), jnp.int32),
            pltpu.VMEM((1, CHUNK), jnp.int32),
            pltpu.VMEM((1, CHUNK), jnp.int32),
            pltpu.VMEM((CHUNK, D), jnp.float32),
        ],
    )(dst_p, et_p)


BN = 1000


def _tc_in_body(x0_ref, w_ref, b_ref, o_ref):
    h = lax.dot_general(x0_ref[...], w_ref[...], (((1,), (1,)), ((), ())),
                        preferred_element_type=jnp.float32) + b_ref[...]
    o_ref[...] = jnp.where(h >= 0, h, 0.01 * h)


def _tc_in(x0, W1, b1):
    return pl.pallas_call(
        _tc_in_body,
        grid=(N // BN,),
        in_specs=[
            pl.BlockSpec((BN, D), lambda i: (i, 0)),
            pl.BlockSpec((D, D), lambda i: (0, 0)),
            pl.BlockSpec((1, D), lambda i: (0, 0)),
        ],
        out_specs=pl.BlockSpec((BN, D), lambda i: (i, 0)),
        out_shape=jax.ShapeDtypeStruct((N, D), jnp.float32),
    )(x0, W1, b1.reshape(1, D))


def _tc_combine_body(x_ref, a0_ref, a1_ref, c0_ref, c1_ref,
                     root_ref, w0_ref, w1_ref, b_ref, o_ref):
    inv0 = 1.0 / jnp.maximum(c0_ref[0, :, 0:1], 1.0)
    inv1 = 1.0 / jnp.maximum(c1_ref[0, :, 0:1], 1.0)
    acc = jnp.dot(x_ref[...], root_ref[...], preferred_element_type=jnp.float32)
    acc = acc + jnp.dot(a0_ref[0] * inv0, w0_ref[...],
                        preferred_element_type=jnp.float32)
    acc = acc + jnp.dot(a1_ref[0] * inv1, w1_ref[...],
                        preferred_element_type=jnp.float32)
    o_ref[...] = acc + b_ref[...]


def _tc_combine(x, agg, cnt, root, weight, bias):
    return pl.pallas_call(
        _tc_combine_body,
        grid=(N // BN,),
        in_specs=[
            pl.BlockSpec((BN, D), lambda i: (i, 0)),
            pl.BlockSpec((1, BN, D), lambda i: (0, i, 0)),
            pl.BlockSpec((1, BN, D), lambda i: (1, i, 0)),
            pl.BlockSpec((1, BN, D), lambda i: (0, i, 0)),
            pl.BlockSpec((1, BN, D), lambda i: (1, i, 0)),
            pl.BlockSpec((D, D), lambda i: (0, 0)),
            pl.BlockSpec((D, D), lambda i: (0, 0)),
            pl.BlockSpec((D, D), lambda i: (0, 0)),
            pl.BlockSpec((1, D), lambda i: (0, 0)),
        ],
        out_specs=pl.BlockSpec((BN, D), lambda i: (i, 0)),
        out_shape=jax.ShapeDtypeStruct((N, D), jnp.float32),
    )(x, agg, agg, cnt, cnt, root, weight[0], weight[1], bias.reshape(1, D))


def kernel(d, t, n, c, edge_index, edge_type, W1, b1, weight, root, bias):
    x0 = jnp.concatenate((d, t, n, c), axis=1)
    pad = E_PAD - edge_index.shape[1]
    src_p = jnp.concatenate([edge_index[0], jnp.zeros((pad,), jnp.int32)])
    dst_p = jnp.concatenate([edge_index[1], jnp.zeros((pad,), jnp.int32)])
    et_p = jnp.concatenate([edge_type, jnp.full((pad,), NUM_REL, jnp.int32)])

    x = _tc_in(x0, W1, b1)
    cnt = _sc_counts(dst_p, et_p)
    agg1 = _sc_agg(x, src_p, dst_p, et_p)
    h = _tc_combine(x, agg1, cnt, root, weight, bias)
    agg2 = _sc_agg(h, src_p, dst_p, et_p)
    return _tc_combine(h, agg2, cnt, root, weight, bias)

# --- scband reference (transcript-rebuilt; emitter-appended) ---
"""Pipeline reference for scband-bot-rgcn-backbone-52518860095663 (READ-ONLY COPY).

The authoritative reference and input builder live on the scoring server;
editing this copy changes nothing except your own understanding.
"""

import jax, jax.numpy as jnp
import numpy as np

N = 10000
E = 320000
D = 128
NUM_REL = 2


def setup_inputs(seed: int = 0) -> dict:
    key = jax.random.key(seed)
    ks = jax.random.split(key, 12)
    d = jax.random.normal(ks[0], (N, D // 4), dtype=jnp.float32)
    t = jax.random.normal(ks[1], (N, D // 4), dtype=jnp.float32)
    n = jax.random.normal(ks[2], (N, D // 4), dtype=jnp.float32)
    c = jax.random.normal(ks[3], (N, D // 4), dtype=jnp.float32)
    edge_index = jax.random.randint(ks[4], (2, E), 0, N, dtype=jnp.int32)
    edge_type = jax.random.randint(ks[5], (E,), 0, NUM_REL, dtype=jnp.int32)
    W1 = jax.random.normal(ks[6], (D, D), dtype=jnp.float32) * 0.05
    b1 = jnp.zeros((D,), dtype=jnp.float32)
    weight = jax.random.normal(ks[7], (NUM_REL, D, D), dtype=jnp.float32) * 0.05
    root = jax.random.normal(ks[8], (D, D), dtype=jnp.float32) * 0.05
    bias = jnp.zeros((D,), dtype=jnp.float32)
    return {"d": d, "t": t, "n": n, "c": c, "edge_index": edge_index,
            "edge_type": edge_type, "W1": W1, "b1": b1, "weight": weight,
            "root": root, "bias": bias}


def _leaky_relu(x, slope=0.01):
    return jnp.where(x >= 0, x, slope * x)


def _rgcn_layer(x, edge_index, edge_type, weight, root, bias):
    # PyG-style RGCNConv with mean aggregation per relation + root weight + bias
    src = edge_index[0]
    dst = edge_index[1]
    out = x @ root + bias
    num_nodes = x.shape[0]
    for r in range(NUM_REL):
        mask = (edge_type == r).astype(x.dtype)
        xr = x @ weight[r]
        msg = jnp.take(xr, src, axis=0) * mask[:, None]
        agg = jax.ops.segment_sum(msg, dst, num_segments=num_nodes)
        cnt = jax.ops.segment_sum(mask, dst, num_segments=num_nodes)
        out = out + agg / jnp.clip(cnt, 1.0)[:, None]
    return out


def reference(d, t, n, c, edge_index, edge_type, W1, b1, weight, root, bias):
    x = jnp.concatenate((d, t, n, c), axis=1)
    x = _leaky_relu(x @ W1.T + b1)
    x = _rgcn_layer(x, edge_index, edge_type, weight, root, bias)
    # dropout is identity in eval mode
    x = _rgcn_layer(x, edge_index, edge_type, weight, root, bias)
    return x

if __name__ == "__main__":
    import jax
    _d = setup_inputs()
    print(jax.jit(kernel)(*tuple(_d.values())))

</pallas_src>

<mosaic_0001>
#map = affine_map<(d0, d1) -> (0, 0)>
#map1 = affine_map<(d0, d1) -> (0)>
#map2 = affine_map<(d0, d1) -> (0, 0, 0)>
module attributes {stable_mosaic.version = 14 : i64} {
  func.func @_sc_agg_body(%arg0: i32, %arg1: i32, %arg2: memref<10000x128xf32, #tpu.memory_space<hbm>>, %arg3: memref<321536xi32, #tpu.memory_space<hbm>>, %arg4: memref<321536xi32, #tpu.memory_space<hbm>>, %arg5: memref<321536xi32, #tpu.memory_space<hbm>>, %arg6: memref<2x10240x128xf32, #tpu.memory_space<hbm>>, %arg7: memref<10240x128xf32, #tpu.memory_space<vmem_shared>>, %arg8: memref<1x128xi32, #tpu.memory_space<vmem>>, %arg9: memref<1x128xi32, #tpu.memory_space<vmem>>, %arg10: memref<1x128xi32, #tpu.memory_space<vmem>>, %arg11: memref<1x128xi32, #tpu.memory_space<vmem>>, %arg12: memref<1x128x128xf32, #tpu.memory_space<vmem>>, %arg13: memref<!tpu.dma_semaphore, #tpu.memory_space<semaphore_mem>>) attributes {dimension_semantics = [#tpu.dimension_semantics<core_parallel>, #tpu.dimension_semantics<subcore_parallel>], iteration_bounds = array<i64: 2, 16>, scalar_prefetch = 0 : i64, scratch_operands = 7 : i64, tpu.core_type = #tpu.core_type<sc_vector_subcore>, window_params = [{transform_indices = #map}, {transform_indices = #map1}, {transform_indices = #map1}, {transform_indices = #map1}, {transform_indices = #map2}]} {
    %mul3A = arith.constant 640 : i32
    %mul3A_0 = arith.muli %arg1, %mul3A : i32
    %broadcast_in_dim3A = arith.constant 0.000000e+00 : f32
    %broadcast_in_dim3A_1 = vector.broadcast %broadcast_in_dim3A : f32 to vector<16xf32>
    %scan3A = arith.constant 0 : i32
    %scan3A_2 = arith.constant 0 : i32
    %scan3A_3 = arith.constant 128 : i32
    %scan3A_4 = arith.addi %scan3A_2, %scan3A_3 : i32
    %scan3A_5 = arith.constant 1 : i32
    scf.for %scan3A_37 = %scan3A_2 to %scan3A_4 step %scan3A_5  : i32 {
      %swap3A = arith.constant 0 : i32
      %swap3A_38 = arith.index_cast %swap3A : i32 to index
      %swap3A_39 = arith.index_cast %scan3A_37 : i32 to index
      %swap3A_40 = arith.constant 0 : index
      %swap3A_41 = tpu.vector_load %arg12[%swap3A_38, %swap3A_39, %swap3A_40] {strides = array<i32>} : memref<1x128x128xf32, #tpu.memory_space<vmem>>, vector<1x1x16xf32>,
      %swap3A_42 = vector.shape_cast %swap3A_41 : vector<1x1x16xf32> to vector<16xf32>
      %swap3A_43 = vector.shape_cast %broadcast_in_dim3A_1 : vector<16xf32> to vector<1x1x16xf32>
      tpu.vector_store %arg12[%swap3A_38, %swap3A_39, %swap3A_40], %swap3A_43 {strides = array<i32>} : memref<1x128x128xf32, #tpu.memory_space<vmem>>, vector<1x1x16xf32>,
      %swap3A_44 = arith.constant 0 : i32
      %swap3A_45 = arith.index_cast %swap3A_44 : i32 to index
      %swap3A_46 = arith.index_cast %scan3A_37 : i32 to index
      %swap3A_47 = arith.constant 16 : index
      %swap3A_48 = tpu.vector_load %arg12[%swap3A_45, %swap3A_46, %swap3A_47] {strides = array<i32>} : memref<1x128x128xf32, #tpu.memory_space<vmem>>, vector<1x1x16xf32>,
      %swap3A_49 = vector.shape_cast %swap3A_48 : vector<1x1x16xf32> to vector<16xf32>
      %swap3A_50 = vector.shape_cast %broadcast_in_dim3A_1 : vector<16xf32> to vector<1x1x16xf32>
      tpu.vector_store %arg12[%swap3A_45, %swap3A_46, %swap3A_47], %swap3A_50 {strides = array<i32>} : memref<1x128x128xf32, #tpu.memory_space<vmem>>, vector<1x1x16xf32>,
      %swap3A_51 = arith.constant 0 : i32
      %swap3A_52 = arith.index_cast %swap3A_51 : i32 to index
      %swap3A_53 = arith.index_cast %scan3A_37 : i32 to index
      %swap3A_54 = arith.constant 32 : index
      %swap3A_55 = tpu.vector_load %arg12[%swap3A_52, %swap3A_53, %swap3A_54] {strides = array<i32>} : memref<1x128x128xf32, #tpu.memory_space<vmem>>, vector<1x1x16xf32>,
      %swap3A_56 = vector.shape_cast %swap3A_55 : vector<1x1x16xf32> to vector<16xf32>
      %swap3A_57 = vector.shape_cast %broadcast_in_dim3A_1 : vector<16xf32> to vector<1x1x16xf32>
      tpu.vector_store %arg12[%swap3A_52, %swap3A_53, %swap3A_54], %swap3A_57 {strides = array<i32>} : memref<1x128x128xf32, #tpu.memory_space<vmem>>, vector<1x1x16xf32>,
      %swap3A_58 = arith.constant 0 : i32
      %swap3A_59 = arith.index_cast %swap3A_58 : i32 to index
      %swap3A_60 = arith.index_cast %scan3A_37 : i32 to index
      %swap3A_61 = arith.constant 48 : index
      %swap3A_62 = tpu.vector_load %arg12[%swap3A_59, %swap3A_60, %swap3A_61] {strides = array<i32>} : memref<1x128x128xf32, #tpu.memory_space<vmem>>, vector<1x1x16xf32>,
      %swap3A_63 = vector.shape_cast %swap3A_62 : vector<1x1x16xf32> to vector<16xf32>
      %swap3A_64 = vector.shape_cast %broadcast_in_dim3A_1 : vector<16xf32> to vector<1x1x16xf32>
      tpu.vector_store %arg12[%swap3A_59, %swap3A_60, %swap3A_61], %swap3A_64 {strides = array<i32>} : memref<1x128x128xf32, #tpu.memory_space<vmem>>, vector<1x1x16xf32>,
      %swap3A_65 = arith.constant 0 : i32
      %swap3A_66 = arith.index_cast %swap3A_65 : i32 to index
      %swap3A_67 = arith.index_cast %scan3A_37 : i32 to index
      %swap3A_68 = arith.constant 64 : index
      %swap3A_69 = tpu.vector_load %arg12[%swap3A_66, %swap3A_67, %swap3A_68] {strides = array<i32>} : memref<1x128x128xf32, #tpu.memory_space<vmem>>, vector<1x1x16xf32>,
      %swap3A_70 = vector.shape_cast %swap3A_69 : vector<1x1x16xf32> to vector<16xf32>
      %swap3A_71 = vector.shape_cast %broadcast_in_dim3A_1 : vector<16xf32> to vector<1x1x16xf32>
      tpu.vector_store %arg12[%swap3A_66, %swap3A_67, %swap3A_68], %swap3A_71 {strides = array<i32>} : memref<1x128x128xf32, #tpu.memory_space<vmem>>, vector<1x1x16xf32>,
      %swap3A_72 = arith.constant 0 : i32
      %swap3A_73 = arith.index_cast %swap3A_72 : i32 to index
      %swap3A_74 = arith.index_cast %scan3A_37 : i32 to index
      %swap3A_75 = arith.constant 80 : index
      %swap3A_76 = tpu.vector_load %arg12[%swap3A_73, %swap3A_74, %swap3A_75] {strides = array<i32>} : memref<1x128x128xf32, #tpu.memory_space<vmem>>, vector<1x1x16xf32>,
      %swap3A_77 = vector.shape_cast %swap3A_76 : vector<1x1x16xf32> to vector<16xf32>
      %swap3A_78 = vector.shape_cast %broadcast_in_dim3A_1 : vector<16xf32> to vector<1x1x16xf32>
      tpu.vector_store %arg12[%swap3A_73, %swap3A_74, %swap3A_75], %swap3A_78 {strides = array<i32>} : memref<1x128x128xf32, #tpu.memory_space<vmem>>, vector<1x1x16xf32>,
      %swap3A_79 = arith.constant 0 : i32
      %swap3A_80 = arith.index_cast %swap3A_79 : i32 to index
      %swap3A_81 = arith.index_cast %scan3A_37 : i32 to index
      %swap3A_82 = arith.constant 96 : index
      %swap3A_83 = tpu.vector_load %arg12[%swap3A_80, %swap3A_81, %swap3A_82] {strides = array<i32>} : memref<1x128x128xf32, #tpu.memory_space<vmem>>, vector<1x1x16xf32>,
      %swap3A_84 = vector.shape_cast %swap3A_83 : vector<1x1x16xf32> to vector<16xf32>
      %swap3A_85 = vector.shape_cast %broadcast_in_dim3A_1 : vector<16xf32> to vector<1x1x16xf32>
      tpu.vector_store %arg12[%swap3A_80, %swap3A_81, %swap3A_82], %swap3A_85 {strides = array<i32>} : memref<1x128x128xf32, #tpu.memory_space<vmem>>, vector<1x1x16xf32>,
      %swap3A_86 = arith.constant 0 : i32
      %swap3A_87 = arith.index_cast %swap3A_86 : i32 to index
      %swap3A_88 = arith.index_cast %scan3A_37 : i32 to index
      %swap3A_89 = arith.constant 112 : index
      %swap3A_90 = tpu.vector_load %arg12[%swap3A_87, %swap3A_88, %swap3A_89] {strides = array<i32>} : memref<1x128x128xf32, #tpu.memory_space<vmem>>, vector<1x1x16xf32>,
      %swap3A_91 = vector.shape_cast %swap3A_90 : vector<1x1x16xf32> to vector<16xf32>
      %swap3A_92 = vector.shape_cast %broadcast_in_dim3A_1 : vector<16xf32> to vector<1x1x16xf32>
      tpu.vector_store %arg12[%swap3A_87, %swap3A_88, %swap3A_89], %swap3A_92 {strides = array<i32>} : memref<1x128x128xf32, #tpu.memory_space<vmem>>, vector<1x1x16xf32>,
    }
    %scan3A_6 = arith.constant 128 : i32
    %add3A = arith.constant 0 : i32
    %add3A_7 = arith.addi %mul3A_0, %add3A : i32
    %run_scoped3A = arith.constant 0 : i32
    "tpu.region"() ({
      %run_scoped3A_37 = tpu.sem_alloc : memref<!tpu.dma_semaphore, #tpu.memory_space<semaphore_mem>>
      %dma_start3A = arith.constant 0 : i32
      %dma_start3A_38 = arith.constant 0 : i32
      %dma_start3A_39 = tpu.memref_slice %arg12[%run_scoped3A, %dma_start3A, %dma_start3A_38] : memref<1x128x128xf32, #tpu.memory_space<vmem>> -> memref<1x128x128xf32, #tpu.memory_space<vmem>>
      %dma_start3A_40 = tpu.memref_squeeze %dma_start3A_39 : memref<1x128x128xf32, #tpu.memory_space<vmem>> -> memref<128x128xf32, #tpu.memory_space<vmem>>
      %dma_start3A_41 = arith.constant 0 : i32
      %dma_start3A_42 = tpu.memref_slice %arg7[%add3A_7, %dma_start3A_41] : memref<10240x128xf32, #tpu.memory_space<vmem_shared>> -> memref<128x128xf32, #tpu.memory_space<vmem_shared>>
      %dma_start3A_43 = arith.constant 0 : i32
      %dma_start3A_44 = tpu.memref_slice %arg7[%add3A_7, %dma_start3A_43] : memref<10240x128xf32, #tpu.memory_space<vmem_shared>> -> memref<128x128xf32, #tpu.memory_space<vmem_shared>>
      %dma_start3A_45 = arith.constant 0 : i32
      %dma_start3A_46 = arith.constant 0 : i32
      %dma_start3A_47 = tpu.memref_slice %arg12[%run_scoped3A, %dma_start3A_45, %dma_start3A_46] : memref<1x128x128xf32, #tpu.memory_space<vmem>> -> memref<1x128x128xf32, #tpu.memory_space<vmem>>
      %dma_start3A_48 = tpu.memref_squeeze %dma_start3A_47 : memref<1x128x128xf32, #tpu.memory_space<vmem>> -> memref<128x128xf32, #tpu.memory_space<vmem>>
      tpu.enqueue_dma source(%dma_start3A_48 : memref<128x128xf32, #tpu.memory_space<vmem>>) target(%dma_start3A_44 : memref<128x128xf32, #tpu.memory_space<vmem_shared>>) target_semaphore(%run_scoped3A_37 : memref<!tpu.dma_semaphore, #tpu.memory_space<semaphore_mem>>)
      %dma_wait3A = arith.constant 0 : i32
      %dma_wait3A_49 = arith.constant 0 : i32
      %dma_wait3A_50 = tpu.memref_slice %arg12[%run_scoped3A, %dma_wait3A, %dma_wait3A_49] : memref<1x128x128xf32, #tpu.memory_space<vmem>> -> memref<1x128x128xf32, #tpu.memory_space<vmem>>
      %dma_wait3A_51 = tpu.memref_squeeze %dma_wait3A_50 : memref<1x128x128xf32, #tpu.memory_space<vmem>> -> memref<128x128xf32, #tpu.memory_space<vmem>>
      %dma_wait3A_52 = arith.constant 0 : i32
      %dma_wait3A_53 = tpu.memref_slice %arg7[%add3A_7, %dma_wait3A_52] : memref<10240x128xf32, #tpu.memory_space<vmem_shared>> -> memref<128x128xf32, #tpu.memory_space<vmem_shared>>
      %dma_wait3A_54 = arith.constant 0 : i32
      %dma_wait3A_55 = tpu.memref_slice %arg7[%add3A_7, %dma_wait3A_54] : memref<10240x128xf32, #tpu.memory_space<vmem_shared>> -> memref<128x128xf32, #tpu.memory_space<vmem_shared>>
      %dma_wait3A_56 = arith.constant 0 : i32
      %dma_wait3A_57 = arith.constant 0 : i32
      %dma_wait3A_58 = tpu.memref_slice %arg12[%run_scoped3A, %dma_wait3A_56, %dma_wait3A_57] : memref<1x128x128xf32, #tpu.memory_space<vmem>> -> memref<1x128x128xf32, #tpu.memory_space<vmem>>
      %dma_wait3A_59 = tpu.memref_squeeze %dma_wait3A_58 : memref<1x128x128xf32, #tpu.memory_space<vmem>> -> memref<128x128xf32, #tpu.memory_space<vmem>>
      tpu.wait_dma2 semaphore(%run_scoped3A_37 : memref<!tpu.dma_semaphore, #tpu.memory_space<semaphore_mem>>) src(%dma_wait3A_59 : memref<128x128xf32, #tpu.memory_space<vmem>>) dst(%dma_wait3A_55 : memref<128x128xf32, #tpu.memory_space<vmem_shared>>)
      tpu.yield
    }) : () -> ()
    %add3A_8 = arith.constant 128 : i32
    %add3A_9 = arith.addi %mul3A_0, %add3A_8 : i32
    %run_scoped3A_10 = arith.constant 0 : i32
    "tpu.region"() ({
      %run_scoped3A_37 = tpu.sem_alloc : memref<!tpu.dma_semaphore, #tpu.memory_space<semaphore_mem>>
      %dma_start3A = arith.constant 0 : i32
      %dma_start3A_38 = arith.constant 0 : i32
      %dma_start3A_39 = tpu.memref_slice %arg12[%run_scoped3A_10, %dma_start3A, %dma_start3A_38] : memref<1x128x128xf32, #tpu.memory_space<vmem>> -> memref<1x128x128xf32, #tpu.memory_space<vmem>>
      %dma_start3A_40 = tpu.memref_squeeze %dma_start3A_39 : memref<1x128x128xf32, #tpu.memory_space<vmem>> -> memref<128x128xf32, #tpu.memory_space<vmem>>
      %dma_start3A_41 = arith.constant 0 : i32
      %dma_start3A_42 = tpu.memref_slice %arg7[%add3A_9, %dma_start3A_41] : memref<10240x128xf32, #tpu.memory_space<vmem_shared>> -> memref<128x128xf32, #tpu.memory_space<vmem_shared>>
      %dma_start3A_43 = arith.constant 0 : i32
      %dma_start3A_44 = tpu.memref_slice %arg7[%add3A_9, %dma_start3A_43] : memref<10240x128xf32, #tpu.memory_space<vmem_shared>> -> memref<128x128xf32, #tpu.memory_space<vmem_shared>>
      %dma_start3A_45 = arith.constant 0 : i32
      %dma_start3A_46 = arith.constant 0 : i32
      %dma_start3A_47 = tpu.memref_slice %arg12[%run_scoped3A_10, %dma_start3A_45, %dma_start3A_46] : memref<1x128x128xf32, #tpu.memory_space<vmem>> -> memref<1x128x128xf32, #tpu.memory_space<vmem>>
      %dma_start3A_48 = tpu.memref_squeeze %dma_start3A_47 : memref<1x128x128xf32, #tpu.memory_space<vmem>> -> memref<128x128xf32, #tpu.memory_space<vmem>>
      tpu.enqueue_dma source(%dma_start3A_48 : memref<128x128xf32, #tpu.memory_space<vmem>>) target(%dma_start3A_44 : memref<128x128xf32, #tpu.memory_space<vmem_shared>>) target_semaphore(%run_scoped3A_37 : memref<!tpu.dma_semaphore, #tpu.memory_space<semaphore_mem>>)
      %dma_wait3A = arith.constant 0 : i32
      %dma_wait3A_49 = arith.constant 0 : i32
      %dma_wait3A_50 = tpu.memref_slice %arg12[%run_scoped3A_10, %dma_wait3A, %dma_wait3A_49] : memref<1x128x128xf32, #tpu.memory_space<vmem>> -> memref<1x128x128xf32, #tpu.memory_space<vmem>>
      %dma_wait3A_51 = tpu.memref_squeeze %dma_wait3A_50 : memref<1x128x128xf32, #tpu.memory_space<vmem>> -> memref<128x128xf32, #tpu.memory_space<vmem>>
      %dma_wait3A_52 = arith.constant 0 : i32
      %dma_wait3A_53 = tpu.memref_slice %arg7[%add3A_9, %dma_wait3A_52] : memref<10240x128xf32, #tpu.memory_space<vmem_shared>> -> memref<128x128xf32, #tpu.memory_space<vmem_shared>>
      %dma_wait3A_54 = arith.constant 0 : i32
      %dma_wait3A_55 = tpu.memref_slice %arg7[%add3A_9, %dma_wait3A_54] : memref<10240x128xf32, #tpu.memory_space<vmem_shared>> -> memref<128x128xf32, #tpu.memory_space<vmem_shared>>
      %dma_wait3A_56 = arith.constant 0 : i32
      %dma_wait3A_57 = arith.constant 0 : i32
      %dma_wait3A_58 = tpu.memref_slice %arg12[%run_scoped3A_10, %dma_wait3A_56, %dma_wait3A_57] : memref<1x128x128xf32, #tpu.memory_space<vmem>> -> memref<1x128x128xf32, #tpu.memory_space<vmem>>
      %dma_wait3A_59 = tpu.memref_squeeze %dma_wait3A_58 : memref<1x128x128xf32, #tpu.memory_space<vmem>> -> memref<128x128xf32, #tpu.memory_space<vmem>>
      tpu.wait_dma2 semaphore(%run_scoped3A_37 : memref<!tpu.dma_semaphore, #tpu.memory_space<semaphore_mem>>) src(%dma_wait3A_59 : memref<128x128xf32, #tpu.memory_space<vmem>>) dst(%dma_wait3A_55 : memref<128x128xf32, #tpu.memory_space<vmem_shared>>)
      tpu.yield
    }) : () -> ()
    %add3A_11 = arith.constant 256 : i32
    %add3A_12 = arith.addi %mul3A_0, %add3A_11 : i32
    %run_scoped3A_13 = arith.constant 0 : i32
    "tpu.region"() ({
      %run_scoped3A_37 = tpu.sem_alloc : memref<!tpu.dma_semaphore, #tpu.memory_space<semaphore_mem>>
      %dma_start3A = arith.constant 0 : i32
      %dma_start3A_38 = arith.constant 0 : i32
      %dma_start3A_39 = tpu.memref_slice %arg12[%run_scoped3A_13, %dma_start3A, %dma_start3A_38] : memref<1x128x128xf32, #tpu.memory_space<vmem>> -> memref<1x128x128xf32, #tpu.memory_space<vmem>>
      %dma_start3A_40 = tpu.memref_squeeze %dma_start3A_39 : memref<1x128x128xf32, #tpu.memory_space<vmem>> -> memref<128x128xf32, #tpu.memory_space<vmem>>
      %dma_start3A_41 = arith.constant 0 : i32
      %dma_start3A_42 = tpu.memref_slice %arg7[%add3A_12, %dma_start3A_41] : memref<10240x128xf32, #tpu.memory_space<vmem_shared>> -> memref<128x128xf32, #tpu.memory_space<vmem_shared>>
      %dma_start3A_43 = arith.constant 0 : i32
      %dma_start3A_44 = tpu.memref_slice %arg7[%add3A_12, %dma_start3A_43] : memref<10240x128xf32, #tpu.memory_space<vmem_shared>> -> memref<128x128xf32, #tpu.memory_space<vmem_shared>>
      %dma_start3A_45 = arith.constant 0 : i32
      %dma_start3A_46 = arith.constant 0 : i32
      %dma_start3A_47 = tpu.memref_slice %arg12[%run_scoped3A_13, %dma_start3A_45, %dma_start3A_46] : memref<1x128x128xf32, #tpu.memory_space<vmem>> -> memref<1x128x128xf32, #tpu.memory_space<vmem>>
      %dma_start3A_48 = tpu.memref_squeeze %dma_start3A_47 : memref<1x128x128xf32, #tpu.memory_space<vmem>> -> memref<128x128xf32, #tpu.memory_space<vmem>>
      tpu.enqueue_dma source(%dma_start3A_48 : memref<128x128xf32, #tpu.memory_space<vmem>>) target(%dma_start3A_44 : memref<128x128xf32, #tpu.memory_space<vmem_shared>>) target_semaphore(%run_scoped3A_37 : memref<!tpu.dma_semaphore, #tpu.memory_space<semaphore_mem>>)
      %dma_wait3A = arith.constant 0 : i32
      %dma_wait3A_49 = arith.constant 0 : i32
      %dma_wait3A_50 = tpu.memref_slice %arg12[%run_scoped3A_13, %dma_wait3A, %dma_wait3A_49] : memref<1x128x128xf32, #tpu.memory_space<vmem>> -> memref<1x128x128xf32, #tpu.memory_space<vmem>>
      %dma_wait3A_51 = tpu.memref_squeeze %dma_wait3A_50 : memref<1x128x128xf32, #tpu.memory_space<vmem>> -> memref<128x128xf32, #tpu.memory_space<vmem>>
      %dma_wait3A_52 = arith.constant 0 : i32
      %dma_wait3A_53 = tpu.memref_slice %arg7[%add3A_12, %dma_wait3A_52] : memref<10240x128xf32, #tpu.memory_space<vmem_shared>> -> memref<128x128xf32, #tpu.memory_space<vmem_shared>>
      %dma_wait3A_54 = arith.constant 0 : i32
      %dma_wait3A_55 = tpu.memref_slice %arg7[%add3A_12, %dma_wait3A_54] : memref<10240x128xf32, #tpu.memory_space<vmem_shared>> -> memref<128x128xf32, #tpu.memory_space<vmem_shared>>
      %dma_wait3A_56 = arith.constant 0 : i32
      %dma_wait3A_57 = arith.constant 0 : i32
      %dma_wait3A_58 = tpu.memref_slice %arg12[%run_scoped3A_13, %dma_wait3A_56, %dma_wait3A_57] : memref<1x128x128xf32, #tpu.memory_space<vmem>> -> memref<1x128x128xf32, #tpu.memory_space<vmem>>
      %dma_wait3A_59 = tpu.memref_squeeze %dma_wait3A_58 : memref<1x128x128xf32, #tpu.memory_space<vmem>> -> memref<128x128xf32, #tpu.memory_space<vmem>>
      tpu.wait_dma2 semaphore(%run_scoped3A_37 : memref<!tpu.dma_semaphore, #tpu.memory_space<semaphore_mem>>) src(%dma_wait3A_59 : memref<128x128xf32, #tpu.memory_space<vmem>>) dst(%dma_wait3A_55 : memref<128x128xf32, #tpu.memory_space<vmem_shared>>)
      tpu.yield
    }) : () -> ()
    %add3A_14 = arith.constant 384 : i32
    %add3A_15 = arith.addi %mul3A_0, %add3A_14 : i32
    %run_scoped3A_16 = arith.constant 0 : i32
    "tpu.region"() ({
      %run_scoped3A_37 = tpu.sem_alloc : memref<!tpu.dma_semaphore, #tpu.memory_space<semaphore_mem>>
      %dma_start3A = arith.constant 0 : i32
      %dma_start3A_38 = arith.constant 0 : i32
      %dma_start3A_39 = tpu.memref_slice %arg12[%run_scoped3A_16, %dma_start3A, %dma_start3A_38] : memref<1x128x128xf32, #tpu.memory_space<vmem>> -> memref<1x128x128xf32, #tpu.memory_space<vmem>>
      %dma_start3A_40 = tpu.memref_squeeze %dma_start3A_39 : memref<1x128x128xf32, #tpu.memory_space<vmem>> -> memref<128x128xf32, #tpu.memory_space<vmem>>
      %dma_start3A_41 = arith.constant 0 : i32
      %dma_start3A_42 = tpu.memref_slice %arg7[%add3A_15, %dma_start3A_41] : memref<10240x128xf32, #tpu.memory_space<vmem_shared>> -> memref<128x128xf32, #tpu.memory_space<vmem_shared>>
      %dma_start3A_43 = arith.constant 0 : i32
      %dma_start3A_44 = tpu.memref_slice %arg7[%add3A_15, %dma_start3A_43] : memref<10240x128xf32, #tpu.memory_space<vmem_shared>> -> memref<128x128xf32, #tpu.memory_space<vmem_shared>>
      %dma_start3A_45 = arith.constant 0 : i32
      %dma_start3A_46 = arith.constant 0 : i32
      %dma_start3A_47 = tpu.memref_slice %arg12[%run_scoped3A_16, %dma_start3A_45, %dma_start3A_46] : memref<1x128x128xf32, #tpu.memory_space<vmem>> -> memref<1x128x128xf32, #tpu.memory_space<vmem>>
      %dma_start3A_48 = tpu.memref_squeeze %dma_start3A_47 : memref<1x128x128xf32, #tpu.memory_space<vmem>> -> memref<128x128xf32, #tpu.memory_space<vmem>>
      tpu.enqueue_dma source(%dma_start3A_48 : memref<128x128xf32, #tpu.memory_space<vmem>>) target(%dma_start3A_44 : memref<128x128xf32, #tpu.memory_space<vmem_shared>>) target_semaphore(%run_scoped3A_37 : memref<!tpu.dma_semaphore, #tpu.memory_space<semaphore_mem>>)
      %dma_wait3A = arith.constant 0 : i32
      %dma_wait3A_49 = arith.constant 0 : i32
      %dma_wait3A_50 = tpu.memref_slice %arg12[%run_scoped3A_16, %dma_wait3A, %dma_wait3A_49] : memref<1x128x128xf32, #tpu.memory_space<vmem>> -> memref<1x128x128xf32, #tpu.memory_space<vmem>>
      %dma_wait3A_51 = tpu.memref_squeeze %dma_wait3A_50 : memref<1x128x128xf32, #tpu.memory_space<vmem>> -> memref<128x128xf32, #tpu.memory_space<vmem>>
      %dma_wait3A_52 = arith.constant 0 : i32
      %dma_wait3A_53 = tpu.memref_slice %arg7[%add3A_15, %dma_wait3A_52] : memref<10240x128xf32, #tpu.memory_space<vmem_shared>> -> memref<128x128xf32, #tpu.memory_space<vmem_shared>>
      %dma_wait3A_54 = arith.constant 0 : i32
      %dma_wait3A_55 = tpu.memref_slice %arg7[%add3A_15, %dma_wait3A_54] : memref<10240x128xf32, #tpu.memory_space<vmem_shared>> -> memref<128x128xf32, #tpu.memory_space<vmem_shared>>
      %dma_wait3A_56 = arith.constant 0 : i32
      %dma_wait3A_57 = arith.constant 0 : i32
      %dma_wait3A_58 = tpu.memref_slice %arg12[%run_scoped3A_16, %dma_wait3A_56, %dma_wait3A_57] : memref<1x128x128xf32, #tpu.memory_space<vmem>> -> memref<1x128x128xf32, #tpu.memory_space<vmem>>
      %dma_wait3A_59 = tpu.memref_squeeze %dma_wait3A_58 : memref<1x128x128xf32, #tpu.memory_space<vmem>> -> memref<128x128xf32, #tpu.memory_space<vmem>>
      tpu.wait_dma2 semaphore(%run_scoped3A_37 : memref<!tpu.dma_semaphore, #tpu.memory_space<semaphore_mem>>) src(%dma_wait3A_59 : memref<128x128xf32, #tpu.memory_space<vmem>>) dst(%dma_wait3A_55 : memref<128x128xf32, #tpu.memory_space<vmem_shared>>)
      tpu.yield
    }) : () -> ()
    %add3A_17 = arith.constant 512 : i32
    %add3A_18 = arith.addi %mul3A_0, %add3A_17 : i32
    %run_scoped3A_19 = arith.constant 0 : i32
    "tpu.region"() ({
      %run_scoped3A_37 = tpu.sem_alloc : memref<!tpu.dma_semaphore, #tpu.memory_space<semaphore_mem>>
      %dma_start3A = arith.constant 0 : i32
      %dma_start3A_38 = arith.constant 0 : i32
      %dma_start3A_39 = tpu.memref_slice %arg12[%run_scoped3A_19, %dma_start3A, %dma_start3A_38] : memref<1x128x128xf32, #tpu.memory_space<vmem>> -> memref<1x128x128xf32, #tpu.memory_space<vmem>>
      %dma_start3A_40 = tpu.memref_squeeze %dma_start3A_39 : memref<1x128x128xf32, #tpu.memory_space<vmem>> -> memref<128x128xf32, #tpu.memory_space<vmem>>
      %dma_start3A_41 = arith.constant 0 : i32
      %dma_start3A_42 = tpu.memref_slice %arg7[%add3A_18, %dma_start3A_41] : memref<10240x128xf32, #tpu.memory_space<vmem_shared>> -> memref<128x128xf32, #tpu.memory_space<vmem_shared>>
      %dma_start3A_43 = arith.constant 0 : i32
      %dma_start3A_44 = tpu.memref_slice %arg7[%add3A_18, %dma_start3A_43] : memref<10240x128xf32, #tpu.memory_space<vmem_shared>> -> memref<128x128xf32, #tpu.memory_space<vmem_shared>>
      %dma_start3A_45 = arith.constant 0 : i32
      %dma_start3A_46 = arith.constant 0 : i32
      %dma_start3A_47 = tpu.memref_slice %arg12[%run_scoped3A_19, %dma_start3A_45, %dma_start3A_46] : memref<1x128x128xf32, #tpu.memory_space<vmem>> -> memref<1x128x128xf32, #tpu.memory_space<vmem>>
      %dma_start3A_48 = tpu.memref_squeeze %dma_start3A_47 : memref<1x128x128xf32, #tpu.memory_space<vmem>> -> memref<128x128xf32, #tpu.memory_space<vmem>>
      tpu.enqueue_dma source(%dma_start3A_48 : memref<128x128xf32, #tpu.memory_space<vmem>>) target(%dma_start3A_44 : memref<128x128xf32, #tpu.memory_space<vmem_shared>>) target_semaphore(%run_scoped3A_37 : memref<!tpu.dma_semaphore, #tpu.memory_space<semaphore_mem>>)
      %dma_wait3A = arith.constant 0 : i32
      %dma_wait3A_49 = arith.constant 0 : i32
      %dma_wait3A_50 = tpu.memref_slice %arg12[%run_scoped3A_19, %dma_wait3A, %dma_wait3A_49] : memref<1x128x128xf32, #tpu.memory_space<vmem>> -> memref<1x128x128xf32, #tpu.memory_space<vmem>>
      %dma_wait3A_51 = tpu.memref_squeeze %dma_wait3A_50 : memref<1x128x128xf32, #tpu.memory_space<vmem>> -> memref<128x128xf32, #tpu.memory_space<vmem>>
      %dma_wait3A_52 = arith.constant 0 : i32
      %dma_wait3A_53 = tpu.memref_slice %arg7[%add3A_18, %dma_wait3A_52] : memref<10240x128xf32, #tpu.memory_space<vmem_shared>> -> memref<128x128xf32, #tpu.memory_space<vmem_shared>>
      %dma_wait3A_54 = arith.constant 0 : i32
      %dma_wait3A_55 = tpu.memref_slice %arg7[%add3A_18, %dma_wait3A_54] : memref<10240x128xf32, #tpu.memory_space<vmem_shared>> -> memref<128x128xf32, #tpu.memory_space<vmem_shared>>
      %dma_wait3A_56 = arith.constant 0 : i32
      %dma_wait3A_57 = arith.constant 0 : i32
      %dma_wait3A_58 = tpu.memref_slice %arg12[%run_scoped3A_19, %dma_wait3A_56, %dma_wait3A_57] : memref<1x128x128xf32, #tpu.memory_space<vmem>> -> memref<1x128x128xf32, #tpu.memory_space<vmem>>
      %dma_wait3A_59 = tpu.memref_squeeze %dma_wait3A_58 : memref<1x128x128xf32, #tpu.memory_space<vmem>> -> memref<128x128xf32, #tpu.memory_space<vmem>>
      tpu.wait_dma2 semaphore(%run_scoped3A_37 : memref<!tpu.dma_semaphore, #tpu.memory_space<semaphore_mem>>) src(%dma_wait3A_59 : memref<128x128xf32, #tpu.memory_space<vmem>>) dst(%dma_wait3A_55 : memref<128x128xf32, #tpu.memory_space<vmem_shared>>)
      tpu.yield
    }) : () -> ()
    %barrier3A = arith.constant 0 : index
    tpu.barrier barrier_id(%barrier3A)
    %iota3A = tpu.iota {dimensions = array<i32: 0>} : vector<16xi32>
    %mul3A_20 = arith.constant 8 : i32
    %mul3A_21 = arith.muli %arg1, %mul3A_20 : i32
    %add3A_22 = arith.constant 10000 : i32
    %add3A_23 = arith.addi %add3A_22, %mul3A_21 : i32
    %and3A = arith.constant 7 : i32
    %and3A_24 = vector.broadcast %and3A : i32 to vector<16xi32>
    %and3A_25 = arith.andi %iota3A, %and3A_24 : vector<16xi32>
    %add3A_26 = vector.broadcast %add3A_23 : i32 to vector<16xi32>
    %add3A_27 = arith.addi %add3A_26, %and3A_25 : vector<16xi32>
    %mul3A_28 = arith.constant 20096 : i32
    %mul3A_29 = arith.muli %arg1, %mul3A_28 : i32
    %scan3A_30 = arith.constant 0 : i32
    %scan3A_31 = arith.constant 0 : i32
    %scan3A_32 = arith.constant 157 : i32
    %scan3A_33 = arith.addi %scan3A_31, %scan3A_32 : i32
    %scan3A_34 = arith.constant 1 : i32
    scf.for %scan3A_37 = %scan3A_31 to %scan3A_33 step %scan3A_34  : i32 {
      %mul3A_38 = arith.constant 128 : i32
      %mul3A_39 = arith.muli %scan3A_37, %mul3A_38 : i32
      %add3A_40 = arith.addi %mul3A_29, %mul3A_39 : i32
      %run_scoped3A_41 = arith.constant 0 : i32
      "tpu.region"() ({
        %run_scoped3A_216 = tpu.sem_alloc : memref<!tpu.dma_semaphore, #tpu.memory_space<semaphore_mem>>
        %dma_start3A_217 = arith.constant 0 : i32
        %dma_start3A_218 = tpu.memref_slice %arg8[%run_scoped3A_41, %dma_start3A_217] : memref<1x128xi32, #tpu.memory_space<vmem>> -> memref<1x128xi32, #tpu.memory_space<vmem>>
        %dma_start3A_219 = tpu.memref_squeeze %dma_start3A_218 : memref<1x128xi32, #tpu.memory_space<vmem>> -> memref<128xi32, #tpu.memory_space<vmem>>
        %dma_start3A_220 = tpu.memref_slice %arg3[%add3A_40] : memref<321536xi32, #tpu.memory_space<hbm>> -> memref<128xi32, #tpu.memory_space<hbm>>
        %dma_start3A_221 = arith.constant 0 : i32
        %dma_start3A_222 = tpu.memref_slice %arg8[%run_scoped3A_41, %dma_start3A_221] : memref<1x128xi32, #tpu.memory_space<vmem>> -> memref<1x128xi32, #tpu.memory_space<vmem>>
        %dma_start3A_223 = tpu.memref_squeeze %dma_start3A_222 : memref<1x128xi32, #tpu.memory_space<vmem>> -> memref<128xi32, #tpu.memory_space<vmem>>
        %dma_start3A_224 = tpu.memref_slice %arg3[%add3A_40] : memref<321536xi32, #tpu.memory_space<hbm>> -> memref<128xi32, #tpu.memory_space<hbm>>
        tpu.enqueue_dma source(%dma_start3A_224 : memref<128xi32, #tpu.memory_space<hbm>>) target(%dma_start3A_223 : memref<128xi32, #tpu.memory_space<vmem>>) target_semaphore(%run_scoped3A_216 : memref<!tpu.dma_semaphore, #tpu.memory_space<semaphore_mem>>)
        %dma_wait3A_225 = arith.constant 0 : i32
        %dma_wait3A_226 = tpu.memref_slice %arg8[%run_scoped3A_41, %dma_wait3A_225] : memref<1x128xi32, #tpu.memory_space<vmem>> -> memref<1x128xi32, #tpu.memory_space<vmem>>
        %dma_wait3A_227 = tpu.memref_squeeze %dma_wait3A_226 : memref<1x128xi32, #tpu.memory_space<vmem>> -> memref<128xi32, #tpu.memory_space<vmem>>
        %dma_wait3A_228 = tpu.memref_slice %arg3[%add3A_40] : memref<321536xi32, #tpu.memory_space<hbm>> -> memref<128xi32, #tpu.memory_space<hbm>>
        %dma_wait3A_229 = arith.constant 0 : i32
        %dma_wait3A_230 = tpu.memref_slice %arg8[%run_scoped3A_41, %dma_wait3A_229] : memref<1x128xi32, #tpu.memory_space<vmem>> -> memref<1x128xi32, #tpu.memory_space<vmem>>
        %dma_wait3A_231 = tpu.memref_squeeze %dma_wait3A_230 : memref<1x128xi32, #tpu.memory_space<vmem>> -> memref<128xi32, #tpu.memory_space<vmem>>
        %dma_wait3A_232 = tpu.memref_slice %arg3[%add3A_40] : memref<321536xi32, #tpu.memory_space<hbm>> -> memref<128xi32, #tpu.memory_space<hbm>>
        tpu.wait_dma2 semaphore(%run_scoped3A_216 : memref<!tpu.dma_semaphore, #tpu.memory_space<semaphore_mem>>) src(%dma_wait3A_232 : memref<128xi32, #tpu.memory_space<hbm>>) dst(%dma_wait3A_231 : memref<128xi32, #tpu.memory_space<vmem>>)
        tpu.yield
      }) : () -> ()
      %run_scoped3A_42 = arith.constant 0 : i32
      "tpu.region"() ({
        %run_scoped3A_216 = tpu.sem_alloc : memref<!tpu.dma_semaphore, #tpu.memory_space<semaphore_mem>>
        %dma_start3A_217 = arith.constant 0 : i32
        %dma_start3A_218 = tpu.memref_slice %arg9[%run_scoped3A_42, %dma_start3A_217] : memref<1x128xi32, #tpu.memory_space<vmem>> -> memref<1x128xi32, #tpu.memory_space<vmem>>
        %dma_start3A_219 = tpu.memref_squeeze %dma_start3A_218 : memref<1x128xi32, #tpu.memory_space<vmem>> -> memref<128xi32, #tpu.memory_space<vmem>>
        %dma_start3A_220 = tpu.memref_slice %arg4[%add3A_40] : memref<321536xi32, #tpu.memory_space<hbm>> -> memref<128xi32, #tpu.memory_space<hbm>>
        %dma_start3A_221 = arith.constant 0 : i32
        %dma_start3A_222 = tpu.memref_slice %arg9[%run_scoped3A_42, %dma_start3A_221] : memref<1x128xi32, #tpu.memory_space<vmem>> -> memref<1x128xi32, #tpu.memory_space<vmem>>
        %dma_start3A_223 = tpu.memref_squeeze %dma_start3A_222 : memref<1x128xi32, #tpu.memory_space<vmem>> -> memref<128xi32, #tpu.memory_space<vmem>>
        %dma_start3A_224 = tpu.memref_slice %arg4[%add3A_40] : memref<321536xi32, #tpu.memory_space<hbm>> -> memref<128xi32, #tpu.memory_space<hbm>>
        tpu.enqueue_dma source(%dma_start3A_224 : memref<128xi32, #tpu.memory_space<hbm>>) target(%dma_start3A_223 : memref<128xi32, #tpu.memory_space<vmem>>) target_semaphore(%run_scoped3A_216 : memref<!tpu.dma_semaphore, #tpu.memory_space<semaphore_mem>>)
        %dma_wait3A_225 = arith.constant 0 : i32
        %dma_wait3A_226 = tpu.memref_slice %arg9[%run_scoped3A_42, %dma_wait3A_225] : memref<1x128xi32, #tpu.memory_space<vmem>> -> memref<1x128xi32, #tpu.memory_space<vmem>>
        %dma_wait3A_227 = tpu.memref_squeeze %dma_wait3A_226 : memref<1x128xi32, #tpu.memory_space<vmem>> -> memref<128xi32, #tpu.memory_space<vmem>>
        %dma_wait3A_228 = tpu.memref_slice %arg4[%add3A_40] : memref<321536xi32, #tpu.memory_space<hbm>> -> memref<128xi32, #tpu.memory_space<hbm>>
        %dma_wait3A_229 = arith.constant 0 : i32
        %dma_wait3A_230 = tpu.memref_slice %arg9[%run_scoped3A_42, %dma_wait3A_229] : memref<1x128xi32, #tpu.memory_space<vmem>> -> memref<1x128xi32, #tpu.memory_space<vmem>>
        %dma_wait3A_231 = tpu.memref_squeeze %dma_wait3A_230 : memref<1x128xi32, #tpu.memory_space<vmem>> -> memref<128xi32, #tpu.memory_space<vmem>>
        %dma_wait3A_232 = tpu.memref_slice %arg4[%add3A_40] : memref<321536xi32, #tpu.memory_space<hbm>> -> memref<128xi32, #tpu.memory_space<hbm>>
        tpu.wait_dma2 semaphore(%run_scoped3A_216 : memref<!tpu.dma_semaphore, #tpu.memory_space<semaphore_mem>>) src(%dma_wait3A_232 : memref<128xi32, #tpu.memory_space<hbm>>) dst(%dma_wait3A_231 : memref<128xi32, #tpu.memory_space<vmem>>)
        tpu.yield
      }) : () -> ()
      %run_scoped3A_43 = arith.constant 0 : i32
      "tpu.region"() ({
        %run_scoped3A_216 = tpu.sem_alloc : memref<!tpu.dma_semaphore, #tpu.memory_space<semaphore_mem>>
        %dma_start3A_217 = arith.constant 0 : i32
        %dma_start3A_218 = tpu.memref_slice %arg10[%run_scoped3A_43, %dma_start3A_217] : memref<1x128xi32, #tpu.memory_space<vmem>> -> memref<1x128xi32, #tpu.memory_space<vmem>>
        %dma_start3A_219 = tpu.memref_squeeze %dma_start3A_218 : memref<1x128xi32, #tpu.memory_space<vmem>> -> memref<128xi32, #tpu.memory_space<vmem>>
        %dma_start3A_220 = tpu.memref_slice %arg5[%add3A_40] : memref<321536xi32, #tpu.memory_space<hbm>> -> memref<128xi32, #tpu.memory_space<hbm>>
        %dma_start3A_221 = arith.constant 0 : i32
        %dma_start3A_222 = tpu.memref_slice %arg10[%run_scoped3A_43, %dma_start3A_221] : memref<1x128xi32, #tpu.memory_space<vmem>> -> memref<1x128xi32, #tpu.memory_space<vmem>>
        %dma_start3A_223 = tpu.memref_squeeze %dma_start3A_222 : memref<1x128xi32, #tpu.memory_space<vmem>> -> memref<128xi32, #tpu.memory_space<vmem>>
        %dma_start3A_224 = tpu.memref_slice %arg5[%add3A_40] : memref<321536xi32, #tpu.memory_space<hbm>> -> memref<128xi32, #tpu.memory_space<hbm>>
        tpu.enqueue_dma source(%dma_start3A_224 : memref<128xi32, #tpu.memory_space<hbm>>) target(%dma_start3A_223 : memref<128xi32, #tpu.memory_space<vmem>>) target_semaphore(%run_scoped3A_216 : memref<!tpu.dma_semaphore, #tpu.memory_space<semaphore_mem>>)
        %dma_wait3A_225 = arith.constant 0 : i32
        %dma_wait3A_226 = tpu.memref_slice %arg10[%run_scoped3A_43, %dma_wait3A_225] : memref<1x128xi32, #tpu.memory_space<vmem>> -> memref<1x128xi32, #tpu.memory_space<vmem>>
        %dma_wait3A_227 = tpu.memref_squeeze %dma_wait3A_226 : memref<1x128xi32, #tpu.memory_space<vmem>> -> memref<128xi32, #tpu.memory_space<vmem>>
        %dma_wait3A_228 = tpu.memref_slice %arg5[%add3A_40] : memref<321536xi32, #tpu.memory_space<hbm>> -> memref<128xi32, #tpu.memory_space<hbm>>
        %dma_wait3A_229 = arith.constant 0 : i32
        %dma_wait3A_230 = tpu.memref_slice %arg10[%run_scoped3A_43, %dma_wait3A_229] : memref<1x128xi32, #tpu.memory_space<vmem>> -> memref<1x128xi32, #tpu.memory_space<vmem>>
        %dma_wait3A_231 = tpu.memref_squeeze %dma_wait3A_230 : memref<1x128xi32, #tpu.memory_space<vmem>> -> memref<128xi32, #tpu.memory_space<vmem>>
        %dma_wait3A_232 = tpu.memref_slice %arg5[%add3A_40] : memref<321536xi32, #tpu.memory_space<hbm>> -> memref<128xi32, #tpu.memory_space<hbm>>
        tpu.wait_dma2 semaphore(%run_scoped3A_216 : memref<!tpu.dma_semaphore, #tpu.memory_space<semaphore_mem>>) src(%dma_wait3A_232 : memref<128xi32, #tpu.memory_space<hbm>>) dst(%dma_wait3A_231 : memref<128xi32, #tpu.memory_space<vmem>>)
        tpu.yield
      }) : () -> ()
      %get3A = arith.constant 0 : i32
      %get3A_44 = arith.index_cast %get3A : i32 to index
      %get3A_45 = arith.constant 0 : index
      %get3A_46 = tpu.vector_load %arg10[%get3A_44, %get3A_45] {strides = array<i32>} : memref<1x128xi32, #tpu.memory_space<vmem>>, vector<1x16xi32>,
      %get3A_47 = vector.shape_cast %get3A_46 : vector<1x16xi32> to vector<16xi32>
      %get3A_48 = arith.constant 0 : i32
      %get3A_49 = arith.index_cast %get3A_48 : i32 to index
      %get3A_50 = arith.constant 0 : index
      %get3A_51 = tpu.vector_load %arg9[%get3A_49, %get3A_50] {strides = array<i32>} : memref<1x128xi32, #tpu.memory_space<vmem>>, vector<1x16xi32>,
      %get3A_52 = vector.shape_cast %get3A_51 : vector<1x16xi32> to vector<16xi32>
      %eq3A = vector.broadcast %arg0 : i32 to vector<16xi32>
      %eq3A_53 = arith.cmpi eq, %get3A_47, %eq3A : vector<16xi32>
      %select_n3A = arith.select %eq3A_53, %get3A_52, %add3A_27 : vector<16xi1>, vector<16xi32>
      %swap3A = arith.constant 0 : i32
      %swap3A_54 = arith.index_cast %swap3A : i32 to index
      %swap3A_55 = arith.constant 0 : index
      %swap3A_56 = tpu.vector_load %arg11[%swap3A_54, %swap3A_55] {strides = array<i32>} : memref<1x128xi32, #tpu.memory_space<vmem>>, vector<1x16xi32>,
      %swap3A_57 = vector.shape_cast %swap3A_56 : vector<1x16xi32> to vector<16xi32>
      %swap3A_58 = vector.shape_cast %select_n3A : vector<16xi32> to vector<1x16xi32>
      tpu.vector_store %arg11[%swap3A_54, %swap3A_55], %swap3A_58 {strides = array<i32>} : memref<1x128xi32, #tpu.memory_space<vmem>>, vector<1x16xi32>,
      %get3A_59 = arith.constant 0 : i32
      %get3A_60 = arith.index_cast %get3A_59 : i32 to index
      %get3A_61 = arith.constant 16 : index
      %get3A_62 = tpu.vector_load %arg10[%get3A_60, %get3A_61] {strides = array<i32>} : memref<1x128xi32, #tpu.memory_space<vmem>>, vector<1x16xi32>,
      %get3A_63 = vector.shape_cast %get3A_62 : vector<1x16xi32> to vector<16xi32>
      %get3A_64 = arith.constant 0 : i32
      %get3A_65 = arith.index_cast %get3A_64 : i32 to index
      %get3A_66 = arith.constant 16 : index
      %get3A_67 = tpu.vector_load %arg9[%get3A_65, %get3A_66] {strides = array<i32>} : memref<1x128xi32, #tpu.memory_space<vmem>>, vector<1x16xi32>,
      %get3A_68 = vector.shape_cast %get3A_67 : vector<1x16xi32> to vector<16xi32>
      %eq3A_69 = vector.broadcast %arg0 : i32 to vector<16xi32>
      %eq3A_70 = arith.cmpi eq, %get3A_63, %eq3A_69 : vector<16xi32>
      %select_n3A_71 = arith.select %eq3A_70, %get3A_68, %add3A_27 : vector<16xi1>, vector<16xi32>
      %swap3A_72 = arith.constant 0 : i32
      %swap3A_73 = arith.index_cast %swap3A_72 : i32 to index
      %swap3A_74 = arith.constant 16 : index
      %swap3A_75 = tpu.vector_load %arg11[%swap3A_73, %swap3A_74] {strides = array<i32>} : memref<1x128xi32, #tpu.memory_space<vmem>>, vector<1x16xi32>,
      %swap3A_76 = vector.shape_cast %swap3A_75 : vector<1x16xi32> to vector<16xi32>
      %swap3A_77 = vector.shape_cast %select_n3A_71 : vector<16xi32> to vector<1x16xi32>
      tpu.vector_store %arg11[%swap3A_73, %swap3A_74], %swap3A_77 {strides = array<i32>} : memref<1x128xi32, #tpu.memory_space<vmem>>, vector<1x16xi32>,
      %get3A_78 = arith.constant 0 : i32
      %get3A_79 = arith.index_cast %get3A_78 : i32 to index
      %get3A_80 = arith.constant 32 : index
      %get3A_81 = tpu.vector_load %arg10[%get3A_79, %get3A_80] {strides = array<i32>} : memref<1x128xi32, #tpu.memory_space<vmem>>, vector<1x16xi32>,
      %get3A_82 = vector.shape_cast %get3A_81 : vector<1x16xi32> to vector<16xi32>
      %get3A_83 = arith.constant 0 : i32
      %get3A_84 = arith.index_cast %get3A_83 : i32 to index
      %get3A_85 = arith.constant 32 : index
      %get3A_86 = tpu.vector_load %arg9[%get3A_84, %get3A_85] {strides = array<i32>} : memref<1x128xi32, #tpu.memory_space<vmem>>, vector<1x16xi32>,
      %get3A_87 = vector.shape_cast %get3A_86 : vector<1x16xi32> to vector<16xi32>
      %eq3A_88 = vector.broadcast %arg0 : i32 to vector<16xi32>
      %eq3A_89 = arith.cmpi eq, %get3A_82, %eq3A_88 : vector<16xi32>
      %select_n3A_90 = arith.select %eq3A_89, %get3A_87, %add3A_27 : vector<16xi1>, vector<16xi32>
      %swap3A_91 = arith.constant 0 : i32
      %swap3A_92 = arith.index_cast %swap3A_91 : i32 to index
      %swap3A_93 = arith.constant 32 : index
      %swap3A_94 = tpu.vector_load %arg11[%swap3A_92, %swap3A_93] {strides = array<i32>} : memref<1x128xi32, #tpu.memory_space<vmem>>, vector<1x16xi32>,
      %swap3A_95 = vector.shape_cast %swap3A_94 : vector<1x16xi32> to vector<16xi32>
      %swap3A_96 = vector.shape_cast %select_n3A_90 : vector<16xi32> to vector<1x16xi32>
      tpu.vector_store %arg11[%swap3A_92, %swap3A_93], %swap3A_96 {strides = array<i32>} : memref<1x128xi32, #tpu.memory_space<vmem>>, vector<1x16xi32>,
      %get3A_97 = arith.constant 0 : i32
      %get3A_98 = arith.index_cast %get3A_97 : i32 to index
      %get3A_99 = arith.constant 48 : index
      %get3A_100 = tpu.vector_load %arg10[%get3A_98, %get3A_99] {strides = array<i32>} : memref<1x128xi32, #tpu.memory_space<vmem>>, vector<1x16xi32>,
      %get3A_101 = vector.shape_cast %get3A_100 : vector<1x16xi32> to vector<16xi32>
      %get3A_102 = arith.constant 0 : i32
      %get3A_103 = arith.index_cast %get3A_102 : i32 to index
      %get3A_104 = arith.constant 48 : index
      %get3A_105 = tpu.vector_load %arg9[%get3A_103, %get3A_104] {strides = array<i32>} : memref<1x128xi32, #tpu.memory_space<vmem>>, vector<1x16xi32>,
      %get3A_106 = vector.shape_cast %get3A_105 : vector<1x16xi32> to vector<16xi32>
      %eq3A_107 = vector.broadcast %arg0 : i32 to vector<16xi32>
      %eq3A_108 = arith.cmpi eq, %get3A_101, %eq3A_107 : vector<16xi32>
      %select_n3A_109 = arith.select %eq3A_108, %get3A_106, %add3A_27 : vector<16xi1>, vector<16xi32>
      %swap3A_110 = arith.constant 0 : i32
      %swap3A_111 = arith.index_cast %swap3A_110 : i32 to index
      %swap3A_112 = arith.constant 48 : index
      %swap3A_113 = tpu.vector_load %arg11[%swap3A_111, %swap3A_112] {strides = array<i32>} : memref<1x128xi32, #tpu.memory_space<vmem>>, vector<1x16xi32>,
      %swap3A_114 = vector.shape_cast %swap3A_113 : vector<1x16xi32> to vector<16xi32>
      %swap3A_115 = vector.shape_cast %select_n3A_109 : vector<16xi32> to vector<1x16xi32>
      tpu.vector_store %arg11[%swap3A_111, %swap3A_112], %swap3A_115 {strides = array<i32>} : memref<1x128xi32, #tpu.memory_space<vmem>>, vector<1x16xi32>,
      %get3A_116 = arith.constant 0 : i32
      %get3A_117 = arith.index_cast %get3A_116 : i32 to index
      %get3A_118 = arith.constant 64 : index
      %get3A_119 = tpu.vector_load %arg10[%get3A_117, %get3A_118] {strides = array<i32>} : memref<1x128xi32, #tpu.memory_space<vmem>>, vector<1x16xi32>,
      %get3A_120 = vector.shape_cast %get3A_119 : vector<1x16xi32> to vector<16xi32>
      %get3A_121 = arith.constant 0 : i32
      %get3A_122 = arith.index_cast %get3A_121 : i32 to index
      %get3A_123 = arith.constant 64 : index
      %get3A_124 = tpu.vector_load %arg9[%get3A_122, %get3A_123] {strides = array<i32>} : memref<1x128xi32, #tpu.memory_space<vmem>>, vector<1x16xi32>,
      %get3A_125 = vector.shape_cast %get3A_124 : vector<1x16xi32> to vector<16xi32>
      %eq3A_126 = vector.broadcast %arg0 : i32 to vector<16xi32>
      %eq3A_127 = arith.cmpi eq, %get3A_120, %eq3A_126 : vector<16xi32>
      %select_n3A_128 = arith.select %eq3A_127, %get3A_125, %add3A_27 : vector<16xi1>, vector<16xi32>
      %swap3A_129 = arith.constant 0 : i32
      %swap3A_130 = arith.index_cast %swap3A_129 : i32 to index
      %swap3A_131 = arith.constant 64 : index
      %swap3A_132 = tpu.vector_load %arg11[%swap3A_130, %swap3A_131] {strides = array<i32>} : memref<1x128xi32, #tpu.memory_space<vmem>>, vector<1x16xi32>,
      %swap3A_133 = vector.shape_cast %swap3A_132 : vector<1x16xi32> to vector<16xi32>
      %swap3A_134 = vector.shape_cast %select_n3A_128 : vector<16xi32> to vector<1x16xi32>
      tpu.vector_store %arg11[%swap3A_130, %swap3A_131], %swap3A_134 {strides = array<i32>} : memref<1x128xi32, #tpu.memory_space<vmem>>, vector<1x16xi32>,
      %get3A_135 = arith.constant 0 : i32
      %get3A_136 = arith.index_cast %get3A_135 : i32 to index
      %get3A_137 = arith.constant 80 : index
      %get3A_138 = tpu.vector_load %arg10[%get3A_136, %get3A_137] {strides = array<i32>} : memref<1x128xi32, #tpu.memory_space<vmem>>, vector<1x16xi32>,
      %get3A_139 = vector.shape_cast %get3A_138 : vector<1x16xi32> to vector<16xi32>
      %get3A_140 = arith.constant 0 : i32
      %get3A_141 = arith.index_cast %get3A_140 : i32 to index
      %get3A_142 = arith.constant 80 : index
      %get3A_143 = tpu.vector_load %arg9[%get3A_141, %get3A_142] {strides = array<i32>} : memref<1x128xi32, #tpu.memory_space<vmem>>, vector<1x16xi32>,
      %get3A_144 = vector.shape_cast %get3A_143 : vector<1x16xi32> to vector<16xi32>
      %eq3A_145 = vector.broadcast %arg0 : i32 to vector<16xi32>
      %eq3A_146 = arith.cmpi eq, %get3A_139, %eq3A_145 : vector<16xi32>
      %select_n3A_147 = arith.select %eq3A_146, %get3A_144, %add3A_27 : vector<16xi1>, vector<16xi32>
      %swap3A_148 = arith.constant 0 : i32
      %swap3A_149 = arith.index_cast %swap3A_148 : i32 to index
      %swap3A_150 = arith.constant 80 : index
      %swap3A_151 = tpu.vector_load %arg11[%swap3A_149, %swap3A_150] {strides = array<i32>} : memref<1x128xi32, #tpu.memory_space<vmem>>, vector<1x16xi32>,
      %swap3A_152 = vector.shape_cast %swap3A_151 : vector<1x16xi32> to vector<16xi32>
      %swap3A_153 = vector.shape_cast %select_n3A_147 : vector<16xi32> to vector<1x16xi32>
      tpu.vector_store %arg11[%swap3A_149, %swap3A_150], %swap3A_153 {strides = array<i32>} : memref<1x128xi32, #tpu.memory_space<vmem>>, vector<1x16xi32>,
      %get3A_154 = arith.constant 0 : i32
      %get3A_155 = arith.index_cast %get3A_154 : i32 to index
      %get3A_156 = arith.constant 96 : index
      %get3A_157 = tpu.vector_load %arg10[%get3A_155, %get3A_156] {strides = array<i32>} : memref<1x128xi32, #tpu.memory_space<vmem>>, vector<1x16xi32>,
      %get3A_158 = vector.shape_cast %get3A_157 : vector<1x16xi32> to vector<16xi32>
      %get3A_159 = arith.constant 0 : i32
      %get3A_160 = arith.index_cast %get3A_159 : i32 to index
      %get3A_161 = arith.constant 96 : index
      %get3A_162 = tpu.vector_load %arg9[%get3A_160, %get3A_161] {strides = array<i32>} : memref<1x128xi32, #tpu.memory_space<vmem>>, vector<1x16xi32>,
      %get3A_163 = vector.shape_cast %get3A_162 : vector<1x16xi32> to vector<16xi32>
      %eq3A_164 = vector.broadcast %arg0 : i32 to vector<16xi32>
      %eq3A_165 = arith.cmpi eq, %get3A_158, %eq3A_164 : vector<16xi32>
      %select_n3A_166 = arith.select %eq3A_165, %get3A_163, %add3A_27 : vector<16xi1>, vector<16xi32>
      %swap3A_167 = arith.constant 0 : i32
      %swap3A_168 = arith.index_cast %swap3A_167 : i32 to index
      %swap3A_169 = arith.constant 96 : index
      %swap3A_170 = tpu.vector_load %arg11[%swap3A_168, %swap3A_169] {strides = array<i32>} : memref<1x128xi32, #tpu.memory_space<vmem>>, vector<1x16xi32>,
      %swap3A_171 = vector.shape_cast %swap3A_170 : vector<1x16xi32> to vector<16xi32>
      %swap3A_172 = vector.shape_cast %select_n3A_166 : vector<16xi32> to vector<1x16xi32>
      tpu.vector_store %arg11[%swap3A_168, %swap3A_169], %swap3A_172 {strides = array<i32>} : memref<1x128xi32, #tpu.memory_space<vmem>>, vector<1x16xi32>,
      %get3A_173 = arith.constant 0 : i32
      %get3A_174 = arith.index_cast %get3A_173 : i32 to index
      %get3A_175 = arith.constant 112 : index
      %get3A_176 = tpu.vector_load %arg10[%get3A_174, %get3A_175] {strides = array<i32>} : memref<1x128xi32, #tpu.memory_space<vmem>>, vector<1x16xi32>,
      %get3A_177 = vector.shape_cast %get3A_176 : vector<1x16xi32> to vector<16xi32>
      %get3A_178 = arith.constant 0 : i32
      %get3A_179 = arith.index_cast %get3A_178 : i32 to index
      %get3A_180 = arith.constant 112 : index
      %get3A_181 = tpu.vector_load %arg9[%get3A_179, %get3A_180] {strides = array<i32>} : memref<1x128xi32, #tpu.memory_space<vmem>>, vector<1x16xi32>,
      %get3A_182 = vector.shape_cast %get3A_181 : vector<1x16xi32> to vector<16xi32>
      %eq3A_183 = vector.broadcast %arg0 : i32 to vector<16xi32>
      %eq3A_184 = arith.cmpi eq, %get3A_177, %eq3A_183 : vector<16xi32>
      %select_n3A_185 = arith.select %eq3A_184, %get3A_182, %add3A_27 : vector<16xi1>, vector<16xi32>
      %swap3A_186 = arith.constant 0 : i32
      %swap3A_187 = arith.index_cast %swap3A_186 : i32 to index
      %swap3A_188 = arith.constant 112 : index
      %swap3A_189 = tpu.vector_load %arg11[%swap3A_187, %swap3A_188] {strides = array<i32>} : memref<1x128xi32, #tpu.memory_space<vmem>>, vector<1x16xi32>,
      %swap3A_190 = vector.shape_cast %swap3A_189 : vector<1x16xi32> to vector<16xi32>
      %swap3A_191 = vector.shape_cast %select_n3A_185 : vector<16xi32> to vector<1x16xi32>
      tpu.vector_store %arg11[%swap3A_187, %swap3A_188], %swap3A_191 {strides = array<i32>} : memref<1x128xi32, #tpu.memory_space<vmem>>, vector<1x16xi32>,
      %dma_start3A = arith.constant 0 : i32
      %dma_start3A_192 = arith.constant 0 : i32
      %dma_start3A_193 = arith.constant 0 : i32
      %dma_start3A_194 = arith.constant 0 : i32
      %dma_start3A_195 = tpu.memref_slice %arg12[%dma_start3A_192, %dma_start3A_193, %dma_start3A_194] : memref<1x128x128xf32, #tpu.memory_space<vmem>> -> memref<1x128x128xf32, #tpu.memory_space<vmem>>
      %dma_start3A_196 = tpu.memref_squeeze %dma_start3A_195 : memref<1x128x128xf32, #tpu.memory_space<vmem>> -> memref<128x128xf32, #tpu.memory_space<vmem>>
      %dma_start3A_197 = arith.constant 0 : i32
      %dma_start3A_198 = tpu.memref_slice %arg8[%dma_start3A, %dma_start3A_197] : memref<1x128xi32, #tpu.memory_space<vmem>> -> memref<1x128xi32, #tpu.memory_space<vmem>>
      %dma_start3A_199 = tpu.memref_squeeze %dma_start3A_198 : memref<1x128xi32, #tpu.memory_space<vmem>> -> memref<128xi32, #tpu.memory_space<vmem>>
      %dma_start3A_200 = arith.constant 0 : i32
      %dma_start3A_201 = arith.constant 0 : i32
      %dma_start3A_202 = tpu.memref_slice %arg2[%dma_start3A_200, %dma_start3A_201] : memref<10000x128xf32, #tpu.memory_space<hbm>> -> memref<10000x128xf32, #tpu.memory_space<hbm>>
      tpu.enqueue_indirect_dma source(%dma_start3A_202 : memref<10000x128xf32, #tpu.memory_space<hbm>>) target(%dma_start3A_196 : memref<128x128xf32, #tpu.memory_space<vmem>>) offsets(%dma_start3A_199 : memref<128xi32, #tpu.memory_space<vmem>>) semaphore(%arg13 : memref<!tpu.dma_semaphore, #tpu.memory_space<semaphore_mem>>)
      %dma_wait3A = arith.constant 0 : i32
      %dma_wait3A_203 = arith.constant 0 : i32
      %dma_wait3A_204 = arith.constant 0 : i32
      %dma_wait3A_205 = arith.constant 0 : i32
      %dma_wait3A_206 = tpu.memref_slice %arg12[%dma_wait3A_203, %dma_wait3A_204, %dma_wait3A_205] : memref<1x128x128xf32, #tpu.memory_space<vmem>> -> memref<1x128x128xf32, #tpu.memory_space<vmem>>
      %dma_wait3A_207 = tpu.memref_squeeze %dma_wait3A_206 : memref<1x128x128xf32, #tpu.memory_space<vmem>> -> memref<128x128xf32, #tpu.memory_space<vmem>>
      %dma_wait3A_208 = arith.constant 0 : i32
      %dma_wait3A_209 = tpu.memref_slice %arg8[%dma_wait3A, %dma_wait3A_208] : memref<1x128xi32, #tpu.memory_space<vmem>> -> memref<1x128xi32, #tpu.memory_space<vmem>>
      %dma_wait3A_210 = tpu.memref_squeeze %dma_wait3A_209 : memref<1x128xi32, #tpu.memory_space<vmem>> -> memref<128xi32, #tpu.memory_space<vmem>>
      %dma_wait3A_211 = arith.constant 0 : i32
      %dma_wait3A_212 = arith.constant 0 : i32
      %dma_wait3A_213 = tpu.memref_slice %arg2[%dma_wait3A_211, %dma_wait3A_212] : memref<10000x128xf32, #tpu.memory_space<hbm>> -> memref<10000x128xf32, #tpu.memory_space<hbm>>
      tpu.wait_indirect_dma semaphore(%arg13 : memref<!tpu.dma_semaphore, #tpu.memory_space<semaphore_mem>>) src(%dma_wait3A_213 : memref<10000x128xf32, #tpu.memory_space<hbm>>) dst(%dma_wait3A_207 : memref<128x128xf32, #tpu.memory_space<vmem>>)
      %run_scoped3A_214 = arith.constant 0 : i32
      %run_scoped3A_215 = arith.constant 0 : i32
      "tpu.region"() ({
        %run_scoped3A_216 = tpu.sem_alloc : memref<!tpu.dma_semaphore, #tpu.memory_space<semaphore_mem>>
        %dma_start3A_217 = arith.constant 0 : i32
        %dma_start3A_218 = arith.constant 0 : i32
        %dma_start3A_219 = tpu.memref_slice %arg12[%run_scoped3A_214, %dma_start3A_217, %dma_start3A_218] : memref<1x128x128xf32, #tpu.memory_space<vmem>> -> memref<1x128x128xf32, #tpu.memory_space<vmem>>
        %dma_start3A_220 = tpu.memref_squeeze %dma_start3A_219 : memref<1x128x128xf32, #tpu.memory_space<vmem>> -> memref<128x128xf32, #tpu.memory_space<vmem>>
        %dma_start3A_221 = arith.constant 0 : i32
        %dma_start3A_222 = tpu.memref_slice %arg11[%run_scoped3A_215, %dma_start3A_221] : memref<1x128xi32, #tpu.memory_space<vmem>> -> memref<1x128xi32, #tpu.memory_space<vmem>>
        %dma_start3A_223 = tpu.memref_squeeze %dma_start3A_222 : memref<1x128xi32, #tpu.memory_space<vmem>> -> memref<128xi32, #tpu.memory_space<vmem>>
        %dma_start3A_224 = arith.constant 0 : i32
        %dma_start3A_225 = arith.constant 0 : i32
        %dma_start3A_226 = tpu.memref_slice %arg7[%dma_start3A_224, %dma_start3A_225] : memref<10240x128xf32, #tpu.memory_space<vmem_shared>> -> memref<10240x128xf32, #tpu.memory_space<vmem_shared>>
        tpu.enqueue_indirect_dma source(%dma_start3A_220 : memref<128x128xf32, #tpu.memory_space<vmem>>) target(%dma_start3A_226 : memref<10240x128xf32, #tpu.memory_space<vmem_shared>>) offsets(%dma_start3A_223 : memref<128xi32, #tpu.memory_space<vmem>>) semaphore(%run_scoped3A_216 : memref<!tpu.dma_semaphore, #tpu.memory_space<semaphore_mem>>) {add = true}
        %dma_wait3A_227 = arith.constant 0 : i32
        %dma_wait3A_228 = arith.constant 0 : i32
        %dma_wait3A_229 = tpu.memref_slice %arg12[%run_scoped3A_214, %dma_wait3A_227, %dma_wait3A_228] : memref<1x128x128xf32, #tpu.memory_space<vmem>> -> memref<1x128x128xf32, #tpu.memory_space<vmem>>
        %dma_wait3A_230 = tpu.memref_squeeze %dma_wait3A_229 : memref<1x128x128xf32, #tpu.memory_space<vmem>> -> memref<128x128xf32, #tpu.memory_space<vmem>>
        %dma_wait3A_231 = arith.constant 0 : i32
        %dma_wait3A_232 = tpu.memref_slice %arg11[%run_scoped3A_215, %dma_wait3A_231] : memref<1x128xi32, #tpu.memory_space<vmem>> -> memref<1x128xi32, #tpu.memory_space<vmem>>
        %dma_wait3A_233 = tpu.memref_squeeze %dma_wait3A_232 : memref<1x128xi32, #tpu.memory_space<vmem>> -> memref<128xi32, #tpu.memory_space<vmem>>
        %dma_wait3A_234 = arith.constant 0 : i32
        %dma_wait3A_235 = arith.constant 0 : i32
        %dma_wait3A_236 = tpu.memref_slice %arg7[%dma_wait3A_234, %dma_wait3A_235] : memref<10240x128xf32, #tpu.memory_space<vmem_shared>> -> memref<10240x128xf32, #tpu.memory_space<vmem_shared>>
        tpu.wait_indirect_dma semaphore(%run_scoped3A_216 : memref<!tpu.dma_semaphore, #tpu.memory_space<semaphore_mem>>) src(%dma_wait3A_230 : memref<128x128xf32, #tpu.memory_space<vmem>>) dst(%dma_wait3A_236 : memref<10240x128xf32, #tpu.memory_space<vmem_shared>>)
        tpu.yield
      }) : () -> ()
    }
    %scan3A_35 = arith.constant 157 : i32
    %barrier3A_36 = arith.constant 0 : index
    tpu.barrier barrier_id(%barrier3A_36)
    "tpu.region"() ({
      %run_scoped3A_37 = tpu.sem_alloc : memref<!tpu.dma_semaphore, #tpu.memory_space<semaphore_mem>>
      %dma_start3A = arith.constant 0 : i32
      %dma_start3A_38 = tpu.memref_slice %arg6[%arg0, %mul3A_0, %dma_start3A] : memref<2x10240x128xf32, #tpu.memory_space<hbm>> -> memref<1x640x128xf32, #tpu.memory_space<hbm>>
      %dma_start3A_39 = tpu.memref_squeeze %dma_start3A_38 : memref<1x640x128xf32, #tpu.memory_space<hbm>> -> memref<640x128xf32, #tpu.memory_space<hbm>>
      %dma_start3A_40 = arith.constant 0 : i32
      %dma_start3A_41 = tpu.memref_slice %arg7[%mul3A_0, %dma_start3A_40] : memref<10240x128xf32, #tpu.memory_space<vmem_shared>> -> memref<640x128xf32, #tpu.memory_space<vmem_shared>>
      tpu.enqueue_dma source(%dma_start3A_41 : memref<640x128xf32, #tpu.memory_space<vmem_shared>>) target(%dma_start3A_39 : memref<640x128xf32, #tpu.memory_space<hbm>>) target_semaphore(%run_scoped3A_37 : memref<!tpu.dma_semaphore, #tpu.memory_space<semaphore_mem>>)
      %dma_wait3A = arith.constant 0 : i32
      %dma_wait3A_42 = tpu.memref_slice %arg6[%arg0, %mul3A_0, %dma_wait3A] : memref<2x10240x128xf32, #tpu.memory_space<hbm>> -> memref<1x640x128xf32, #tpu.memory_space<hbm>>
      %dma_wait3A_43 = tpu.memref_squeeze %dma_wait3A_42 : memref<1x640x128xf32, #tpu.memory_space<hbm>> -> memref<640x128xf32, #tpu.memory_space<hbm>>
      %dma_wait3A_44 = arith.constant 0 : i32
      %dma_wait3A_45 = tpu.memref_slice %arg7[%mul3A_0, %dma_wait3A_44] : memref<10240x128xf32, #tpu.memory_space<vmem_shared>> -> memref<640x128xf32, #tpu.memory_space<vmem_shared>>
      tpu.wait_dma2 semaphore(%run_scoped3A_37 : memref<!tpu.dma_semaphore, #tpu.memory_space<semaphore_mem>>) src(%dma_wait3A_45 : memref<640x128xf32, #tpu.memory_space<vmem_shared>>) dst(%dma_wait3A_43 : memref<640x128xf32, #tpu.memory_space<hbm>>)
      tpu.yield
    }) : () -> ()
    return
  }
}

#map = affine_map<(d0, d1) -> (0, 0)>
#map1 = affine_map<(d0, d1) -> (0)>
#map2 = affine_map<(d0, d1) -> (0, 0, 0)>
module attributes {stable_mosaic.version = 14 : i64} {
  func.func @_sc_agg_body(%arg0: i32, %arg1: i32, %arg2: memref<10000x128xf32, #tpu.memory_space<hbm>>, %arg3: memref<321536xi32, #tpu.memory_space<hbm>>, %arg4: memref<321536xi32, #tpu.memory_space<hbm>>, %arg5: memref<321536xi32, #tpu.memory_space<hbm>>, %arg6: memref<2x10240x128xf32, #tpu.memory_space<hbm>>, %arg7: memref<10240x128xf32, #tpu.memory_space<vmem_shared>>, %arg8: memref<1x128xi32, #tpu.memory_space<vmem>>, %arg9: memref<1x128xi32, #tpu.memory_space<vmem>>, %arg10: memref<1x128xi32, #tpu.memory_space<vmem>>, %arg11: memref<1x128xi32, #tpu.memory_space<vmem>>, %arg12: memref<1x128x128xf32, #tpu.memory_space<vmem>>, %arg13: memref<!tpu.dma_semaphore, #tpu.memory_space<semaphore_mem>>) attributes {dimension_semantics = [#tpu.dimension_semantics<core_parallel>, #tpu.dimension_semantics<subcore_parallel>], iteration_bounds = array<i64: 2, 16>, scalar_prefetch = 0 : i64, scratch_operands = 7 : i64, tpu.core_type = #tpu.core_type<sc_vector_subcore>, window_params = [{transform_indices = #map}, {transform_indices = #map1}, {transform_indices = #map1}, {transform_indices = #map1}, {transform_indices = #map2}]} {
    %mul3A = arith.constant 640 : i32
    %mul3A_0 = arith.muli %arg1, %mul3A : i32
    %broadcast_in_dim3A = arith.constant 0.000000e+00 : f32
    %broadcast_in_dim3A_1 = vector.broadcast %broadcast_in_dim3A : f32 to vector<16xf32>
    %scan3A = arith.constant 0 : i32
    %scan3A_2 = arith.constant 0 : i32
    %scan3A_3 = arith.constant 128 : i32
    %scan3A_4 = arith.addi %scan3A_2, %scan3A_3 : i32
    %scan3A_5 = arith.constant 1 : i32
    scf.for %scan3A_37 = %scan3A_2 to %scan3A_4 step %scan3A_5  : i32 {
      %swap3A = arith.constant 0 : i32
      %swap3A_38 = arith.index_cast %swap3A : i32 to index
      %swap3A_39 = arith.index_cast %scan3A_37 : i32 to index
      %swap3A_40 = arith.constant 0 : index
      %swap3A_41 = tpu.vector_load %arg12[%swap3A_38, %swap3A_39, %swap3A_40] {strides = array<i32>} : memref<1x128x128xf32, #tpu.memory_space<vmem>>, vector<1x1x16xf32>,
      %swap3A_42 = vector.shape_cast %swap3A_41 : vector<1x1x16xf32> to vector<16xf32>
      %swap3A_43 = vector.shape_cast %broadcast_in_dim3A_1 : vector<16xf32> to vector<1x1x16xf32>
      tpu.vector_store %arg12[%swap3A_38, %swap3A_39, %swap3A_40], %swap3A_43 {strides = array<i32>} : memref<1x128x128xf32, #tpu.memory_space<vmem>>, vector<1x1x16xf32>,
      %swap3A_44 = arith.constant 0 : i32
      %swap3A_45 = arith.index_cast %swap3A_44 : i32 to index
      %swap3A_46 = arith.index_cast %scan3A_37 : i32 to index
      %swap3A_47 = arith.constant 16 : index
      %swap3A_48 = tpu.vector_load %arg12[%swap3A_45, %swap3A_46, %swap3A_47] {strides = array<i32>} : memref<1x128x128xf32, #tpu.memory_space<vmem>>, vector<1x1x16xf32>,
      %swap3A_49 = vector.shape_cast %swap3A_48 : vector<1x1x16xf32> to vector<16xf32>
      %swap3A_50 = vector.shape_cast %broadcast_in_dim3A_1 : vector<16xf32> to vector<1x1x16xf32>
      tpu.vector_store %arg12[%swap3A_45, %swap3A_46, %swap3A_47], %swap3A_50 {strides = array<i32>} : memref<1x128x128xf32, #tpu.memory_space<vmem>>, vector<1x1x16xf32>,
      %swap3A_51 = arith.constant 0 : i32
      %swap3A_52 = arith.index_cast %swap3A_51 : i32 to index
      %swap3A_53 = arith.index_cast %scan3A_37 : i32 to index
      %swap3A_54 = arith.constant 32 : index
      %swap3A_55 = tpu.vector_load %arg12[%swap3A_52, %swap3A_53, %swap3A_54] {strides = array<i32>} : memref<1x128x128xf32, #tpu.memory_space<vmem>>, vector<1x1x16xf32>,
      %swap3A_56 = vector.shape_cast %swap3A_55 : vector<1x1x16xf32> to vector<16xf32>
      %swap3A_57 = vector.shape_cast %broadcast_in_dim3A_1 : vector<16xf32> to vector<1x1x16xf32>
      tpu.vector_store %arg12[%swap3A_52, %swap3A_53, %swap3A_54], %swap3A_57 {strides = array<i32>} : memref<1x128x128xf32, #tpu.memory_space<vmem>>, vector<1x1x16xf32>,
      %swap3A_58 = arith.constant 0 : i32
      %swap3A_59 = arith.index_cast %swap3A_58 : i32 to index
      %swap3A_60 = arith.index_cast %scan3A_37 : i32 to index
      %swap3A_61 = arith.constant 48 : index
      %swap3A_62 = tpu.vector_load %arg12[%swap3A_59, %swap3A_60, %swap3A_61] {strides = array<i32>} : memref<1x128x128xf32, #tpu.memory_space<vmem>>, vector<1x1x16xf32>,
      %swap3A_63 = vector.shape_cast %swap3A_62 : vector<1x1x16xf32> to vector<16xf32>
      %swap3A_64 = vector.shape_cast %broadcast_in_dim3A_1 : vector<16xf32> to vector<1x1x16xf32>
      tpu.vector_store %arg12[%swap3A_59, %swap3A_60, %swap3A_61], %swap3A_64 {strides = array<i32>} : memref<1x128x128xf32, #tpu.memory_space<vmem>>, vector<1x1x16xf32>,
      %swap3A_65 = arith.constant 0 : i32
      %swap3A_66 = arith.index_cast %swap3A_65 : i32 to index
      %swap3A_67 = arith.index_cast %scan3A_37 : i32 to index
      %swap3A_68 = arith.constant 64 : index
      %swap3A_69 = tpu.vector_load %arg12[%swap3A_66, %swap3A_67, %swap3A_68] {strides = array<i32>} : memref<1x128x128xf32, #tpu.memory_space<vmem>>, vector<1x1x16xf32>,
      %swap3A_70 = vector.shape_cast %swap3A_69 : vector<1x1x16xf32> to vector<16xf32>
      %swap3A_71 = vector.shape_cast %broadcast_in_dim3A_1 : vector<16xf32> to vector<1x1x16xf32>
      tpu.vector_store %arg12[%swap3A_66, %swap3A_67, %swap3A_68], %swap3A_71 {strides = array<i32>} : memref<1x128x128xf32, #tpu.memory_space<vmem>>, vector<1x1x16xf32>,
      %swap3A_72 = arith.constant 0 : i32
      %swap3A_73 = arith.index_cast %swap3A_72 : i32 to index
      %swap3A_74 = arith.index_cast %scan3A_37 : i32 to index
      %swap3A_75 = arith.constant 80 : index
      %swap3A_76 = tpu.vector_load %arg12[%swap3A_73, %swap3A_74, %swap3A_75] {strides = array<i32>} : memref<1x128x128xf32, #tpu.memory_space<vmem>>, vector<1x1x16xf32>,
      %swap3A_77 = vector.shape_cast %swap3A_76 : vector<1x1x16xf32> to vector<16xf32>
      %swap3A_78 = vector.shape_cast %broadcast_in_dim3A_1 : vector<16xf32> to vector<1x1x16xf32>
      tpu.vector_store %arg12[%swap3A_73, %swap3A_74, %swap3A_75], %swap3A_78 {strides = array<i32>} : memref<1x128x128xf32, #tpu.memory_space<vmem>>, vector<1x1x16xf32>,
      %swap3A_79 = arith.constant 0 : i32
      %swap3A_80 = arith.index_cast %swap3A_79 : i32 to index
      %swap3A_81 = arith.index_cast %scan3A_37 : i32 to index
      %swap3A_82 = arith.constant 96 : index
      %swap3A_83 = tpu.vector_load %arg12[%swap3A_80, %swap3A_81, %swap3A_82] {strides = array<i32>} : memref<1x128x128xf32, #tpu.memory_space<vmem>>, vector<1x1x16xf32>,
      %swap3A_84 = vector.shape_cast %swap3A_83 : vector<1x1x16xf32> to vector<16xf32>
      %swap3A_85 = vector.shape_cast %broadcast_in_dim3A_1 : vector<16xf32> to vector<1x1x16xf32>
      tpu.vector_store %arg12[%swap3A_80, %swap3A_81, %swap3A_82], %swap3A_85 {strides = array<i32>} : memref<1x128x128xf32, #tpu.memory_space<vmem>>, vector<1x1x16xf32>,
      %swap3A_86 = arith.constant 0 : i32
      %swap3A_87 = arith.index_cast %swap3A_86 : i32 to index
      %swap3A_88 = arith.index_cast %scan3A_37 : i32 to index
      %swap3A_89 = arith.constant 112 : index
      %swap3A_90 = tpu.vector_load %arg12[%swap3A_87, %swap3A_88, %swap3A_89] {strides = array<i32>} : memref<1x128x128xf32, #tpu.memory_space<vmem>>, vector<1x1x16xf32>,
      %swap3A_91 = vector.shape_cast %swap3A_90 : vector<1x1x16xf32> to vector<16xf32>
      %swap3A_92 = vector.shape_cast %broadcast_in_dim3A_1 : vector<16xf32> to vector<1x1x16xf32>
      tpu.vector_store %arg12[%swap3A_87, %swap3A_88, %swap3A_89], %swap3A_92 {strides = array<i32>} : memref<1x128x128xf32, #tpu.memory_space<vmem>>, vector<1x1x16xf32>,
    }
    %scan3A_6 = arith.constant 128 : i32
    %add3A = arith.constant 0 : i32
    %add3A_7 = arith.addi %mul3A_0, %add3A : i32
    %run_scoped3A = arith.constant 0 : i32
    "tpu.region"() ({
      %run_scoped3A_37 = tpu.sem_alloc : memref<!tpu.dma_semaphore, #tpu.memory_space<semaphore_mem>>
      %dma_start3A = arith.constant 0 : i32
      %dma_start3A_38 = arith.constant 0 : i32
      %dma_start3A_39 = tpu.memref_slice %arg12[%run_scoped3A, %dma_start3A, %dma_start3A_38] : memref<1x128x128xf32, #tpu.memory_space<vmem>> -> memref<1x128x128xf32, #tpu.memory_space<vmem>>
      %dma_start3A_40 = tpu.memref_squeeze %dma_start3A_39 : memref<1x128x128xf32, #tpu.memory_space<vmem>> -> memref<128x128xf32, #tpu.memory_space<vmem>>
      %dma_start3A_41 = arith.constant 0 : i32
      %dma_start3A_42 = tpu.memref_slice %arg7[%add3A_7, %dma_start3A_41] : memref<10240x128xf32, #tpu.memory_space<vmem_shared>> -> memref<128x128xf32, #tpu.memory_space<vmem_shared>>
      %dma_start3A_43 = arith.constant 0 : i32
      %dma_start3A_44 = tpu.memref_slice %arg7[%add3A_7, %dma_start3A_43] : memref<10240x128xf32, #tpu.memory_space<vmem_shared>> -> memref<128x128xf32, #tpu.memory_space<vmem_shared>>
      %dma_start3A_45 = arith.constant 0 : i32
      %dma_start3A_46 = arith.constant 0 : i32
      %dma_start3A_47 = tpu.memref_slice %arg12[%run_scoped3A, %dma_start3A_45, %dma_start3A_46] : memref<1x128x128xf32, #tpu.memory_space<vmem>> -> memref<1x128x128xf32, #tpu.memory_space<vmem>>
      %dma_start3A_48 = tpu.memref_squeeze %dma_start3A_47 : memref<1x128x128xf32, #tpu.memory_space<vmem>> -> memref<128x128xf32, #tpu.memory_space<vmem>>
      tpu.enqueue_dma source(%dma_start3A_48 : memref<128x128xf32, #tpu.memory_space<vmem>>) target(%dma_start3A_44 : memref<128x128xf32, #tpu.memory_space<vmem_shared>>) target_semaphore(%run_scoped3A_37 : memref<!tpu.dma_semaphore, #tpu.memory_space<semaphore_mem>>)
      %dma_wait3A = arith.constant 0 : i32
      %dma_wait3A_49 = arith.constant 0 : i32
      %dma_wait3A_50 = tpu.memref_slice %arg12[%run_scoped3A, %dma_wait3A, %dma_wait3A_49] : memref<1x128x128xf32, #tpu.memory_space<vmem>> -> memref<1x128x128xf32, #tpu.memory_space<vmem>>
      %dma_wait3A_51 = tpu.memref_squeeze %dma_wait3A_50 : memref<1x128x128xf32, #tpu.memory_space<vmem>> -> memref<128x128xf32, #tpu.memory_space<vmem>>
      %dma_wait3A_52 = arith.constant 0 : i32
      %dma_wait3A_53 = tpu.memref_slice %arg7[%add3A_7, %dma_wait3A_52] : memref<10240x128xf32, #tpu.memory_space<vmem_shared>> -> memref<128x128xf32, #tpu.memory_space<vmem_shared>>
      %dma_wait3A_54 = arith.constant 0 : i32
      %dma_wait3A_55 = tpu.memref_slice %arg7[%add3A_7, %dma_wait3A_54] : memref<10240x128xf32, #tpu.memory_space<vmem_shared>> -> memref<128x128xf32, #tpu.memory_space<vmem_shared>>
      %dma_wait3A_56 = arith.constant 0 : i32
      %dma_wait3A_57 = arith.constant 0 : i32
      %dma_wait3A_58 = tpu.memref_slice %arg12[%run_scoped3A, %dma_wait3A_56, %dma_wait3A_57] : memref<1x128x128xf32, #tpu.memory_space<vmem>> -> memref<1x128x128xf32, #tpu.memory_space<vmem>>
      %dma_wait3A_59 = tpu.memref_squeeze %dma_wait3A_58 : memref<1x128x128xf32, #tpu.memory_space<vmem>> -> memref<128x128xf32, #tpu.memory_space<vmem>>
      tpu.wait_dma2 semaphore(%run_scoped3A_37 : memref<!tpu.dma_semaphore, #tpu.memory_space<semaphore_mem>>) src(%dma_wait3A_59 : memref<128x128xf32, #tpu.memory_space<vmem>>) dst(%dma_wait3A_55 : memref<128x128xf32, #tpu.memory_space<vmem_shared>>)
      tpu.yield
    }) : () -> ()
    %add3A_8 = arith.constant 128 : i32
    %add3A_9 = arith.addi %mul3A_0, %add3A_8 : i32
    %run_scoped3A_10 = arith.constant 0 : i32
    "tpu.region"() ({
      %run_scoped3A_37 = tpu.sem_alloc : memref<!tpu.dma_semaphore, #tpu.memory_space<semaphore_mem>>
      %dma_start3A = arith.constant 0 : i32
      %dma_start3A_38 = arith.constant 0 : i32
      %dma_start3A_39 = tpu.memref_slice %arg12[%run_scoped3A_10, %dma_start3A, %dma_start3A_38] : memref<1x128x128xf32, #tpu.memory_space<vmem>> -> memref<1x128x128xf32, #tpu.memory_space<vmem>>
      %dma_start3A_40 = tpu.memref_squeeze %dma_start3A_39 : memref<1x128x128xf32, #tpu.memory_space<vmem>> -> memref<128x128xf32, #tpu.memory_space<vmem>>
      %dma_start3A_41 = arith.constant 0 : i32
      %dma_start3A_42 = tpu.memref_slice %arg7[%add3A_9, %dma_start3A_41] : memref<10240x128xf32, #tpu.memory_space<vmem_shared>> -> memref<128x128xf32, #tpu.memory_space<vmem_shared>>
      %dma_start3A_43 = arith.constant 0 : i32
      %dma_start3A_44 = tpu.memref_slice %arg7[%add3A_9, %dma_start3A_43] : memref<10240x128xf32, #tpu.memory_space<vmem_shared>> -> memref<128x128xf32, #tpu.memory_space<vmem_shared>>
      %dma_start3A_45 = arith.constant 0 : i32
      %dma_start3A_46 = arith.constant 0 : i32
      %dma_start3A_47 = tpu.memref_slice %arg12[%run_scoped3A_10, %dma_start3A_45, %dma_start3A_46] : memref<1x128x128xf32, #tpu.memory_space<vmem>> -> memref<1x128x128xf32, #tpu.memory_space<vmem>>
      %dma_start3A_48 = tpu.memref_squeeze %dma_start3A_47 : memref<1x128x128xf32, #tpu.memory_space<vmem>> -> memref<128x128xf32, #tpu.memory_space<vmem>>
      tpu.enqueue_dma source(%dma_start3A_48 : memref<128x128xf32, #tpu.memory_space<vmem>>) target(%dma_start3A_44 : memref<128x128xf32, #tpu.memory_space<vmem_shared>>) target_semaphore(%run_scoped3A_37 : memref<!tpu.dma_semaphore, #tpu.memory_space<semaphore_mem>>)
      %dma_wait3A = arith.constant 0 : i32
      %dma_wait3A_49 = arith.constant 0 : i32
      %dma_wait3A_50 = tpu.memref_slice %arg12[%run_scoped3A_10, %dma_wait3A, %dma_wait3A_49] : memref<1x128x128xf32, #tpu.memory_space<vmem>> -> memref<1x128x128xf32, #tpu.memory_space<vmem>>
      %dma_wait3A_51 = tpu.memref_squeeze %dma_wait3A_50 : memref<1x128x128xf32, #tpu.memory_space<vmem>> -> memref<128x128xf32, #tpu.memory_space<vmem>>
      %dma_wait3A_52 = arith.constant 0 : i32
      %dma_wait3A_53 = tpu.memref_slice %arg7[%add3A_9, %dma_wait3A_52] : memref<10240x128xf32, #tpu.memory_space<vmem_shared>> -> memref<128x128xf32, #tpu.memory_space<vmem_shared>>
      %dma_wait3A_54 = arith.constant 0 : i32
      %dma_wait3A_55 = tpu.memref_slice %arg7[%add3A_9, %dma_wait3A_54] : memref<10240x128xf32, #tpu.memory_space<vmem_shared>> -> memref<128x128xf32, #tpu.memory_space<vmem_shared>>
      %dma_wait3A_56 = arith.constant 0 : i32
      %dma_wait3A_57 = arith.constant 0 : i32
      %dma_wait3A_58 = tpu.memref_slice %arg12[%run_scoped3A_10, %dma_wait3A_56, %dma_wait3A_57] : memref<1x128x128xf32, #tpu.memory_space<vmem>> -> memref<1x128x128xf32, #tpu.memory_space<vmem>>
      %dma_wait3A_59 = tpu.memref_squeeze %dma_wait3A_58 : memref<1x128x128xf32, #tpu.memory_space<vmem>> -> memref<128x128xf32, #tpu.memory_space<vmem>>
      tpu.wait_dma2 semaphore(%run_scoped3A_37 : memref<!tpu.dma_semaphore, #tpu.memory_space<semaphore_mem>>) src(%dma_wait3A_59 : memref<128x128xf32, #tpu.memory_space<vmem>>) dst(%dma_wait3A_55 : memref<128x128xf32, #tpu.memory_space<vmem_shared>>)
      tpu.yield
    }) : () -> ()
    %add3A_11 = arith.constant 256 : i32
    %add3A_12 = arith.addi %mul3A_0, %add3A_11 : i32
    %run_scoped3A_13 = arith.constant 0 : i32
    "tpu.region"() ({
      %run_scoped3A_37 = tpu.sem_alloc : memref<!tpu.dma_semaphore, #tpu.memory_space<semaphore_mem>>
      %dma_start3A = arith.constant 0 : i32
      %dma_start3A_38 = arith.constant 0 : i32
      %dma_start3A_39 = tpu.memref_slice %arg12[%run_scoped3A_13, %dma_start3A, %dma_start3A_38] : memref<1x128x128xf32, #tpu.memory_space<vmem>> -> memref<1x128x128xf32, #tpu.memory_space<vmem>>
      %dma_start3A_40 = tpu.memref_squeeze %dma_start3A_39 : memref<1x128x128xf32, #tpu.memory_space<vmem>> -> memref<128x128xf32, #tpu.memory_space<vmem>>
      %dma_start3A_41 = arith.constant 0 : i32
      %dma_start3A_42 = tpu.memref_slice %arg7[%add3A_12, %dma_start3A_41] : memref<10240x128xf32, #tpu.memory_space<vmem_shared>> -> memref<128x128xf32, #tpu.memory_space<vmem_shared>>
      %dma_start3A_43 = arith.constant 0 : i32
      %dma_start3A_44 = tpu.memref_slice %arg7[%add3A_12, %dma_start3A_43] : memref<10240x128xf32, #tpu.memory_space<vmem_shared>> -> memref<128x128xf32, #tpu.memory_space<vmem_shared>>
      %dma_start3A_45 = arith.constant 0 : i32
      %dma_start3A_46 = arith.constant 0 : i32
      %dma_start3A_47 = tpu.memref_slice %arg12[%run_scoped3A_13, %dma_start3A_45, %dma_start3A_46] : memref<1x128x128xf32, #tpu.memory_space<vmem>> -> memref<1x128x128xf32, #tpu.memory_space<vmem>>
      %dma_start3A_48 = tpu.memref_squeeze %dma_start3A_47 : memref<1x128x128xf32, #tpu.memory_space<vmem>> -> memref<128x128xf32, #tpu.memory_space<vmem>>
      tpu.enqueue_dma source(%dma_start3A_48 : memref<128x128xf32, #tpu.memory_space<vmem>>) target(%dma_start3A_44 : memref<128x128xf32, #tpu.memory_space<vmem_shared>>) target_semaphore(%run_scoped3A_37 : memref<!tpu.dma_semaphore, #tpu.memory_space<semaphore_mem>>)
      %dma_wait3A = arith.constant 0 : i32
      %dma_wait3A_49 = arith.constant 0 : i32
      %dma_wait3A_50 = tpu.memref_slice %arg12[%run_scoped3A_13, %dma_wait3A, %dma_wait3A_49] : memref<1x128x128xf32, #tpu.memory_space<vmem>> -> memref<1x128x128xf32, #tpu.memory_space<vmem>>
      %dma_wait3A_51 = tpu.memref_squeeze %dma_wait3A_50 : memref<1x128x128xf32, #tpu.memory_space<vmem>> -> memref<128x128xf32, #tpu.memory_space<vmem>>
      %dma_wait3A_52 = arith.constant 0 : i32
      %dma_wait3A_53 = tpu.memref_slice %arg7[%add3A_12, %dma_wait3A_52] : memref<10240x128xf32, #tpu.memory_space<vmem_shared>> -> memref<128x128xf32, #tpu.memory_space<vmem_shared>>
      %dma_wait3A_54 = arith.constant 0 : i32
      %dma_wait3A_55 = tpu.memref_slice %arg7[%add3A_12, %dma_wait3A_54] : memref<10240x128xf32, #tpu.memory_space<vmem_shared>> -> memref<128x128xf32, #tpu.memory_space<vmem_shared>>
      %dma_wait3A_56 = arith.constant 0 : i32
      %dma_wait3A_57 = arith.constant 0 : i32
      %dma_wait3A_58 = tpu.memref_slice %arg12[%run_scoped3A_13, %dma_wait3A_56, %dma_wait3A_57] : memref<1x128x128xf32, #tpu.memory_space<vmem>> -> memref<1x128x128xf32, #tpu.memory_space<vmem>>
      %dma_wait3A_59 = tpu.memref_squeeze %dma_wait3A_58 : memref<1x128x128xf32, #tpu.memory_space<vmem>> -> memref<128x128xf32, #tpu.memory_space<vmem>>
      tpu.wait_dma2 semaphore(%run_scoped3A_37 : memref<!tpu.dma_semaphore, #tpu.memory_space<semaphore_mem>>) src(%dma_wait3A_59 : memref<128x128xf32, #tpu.memory_space<vmem>>) dst(%dma_wait3A_55 : memref<128x128xf32, #tpu.memory_space<vmem_shared>>)
      tpu.yield
    }) : () -> ()
    %add3A_14 = arith.constant 384 : i32
    %add3A_15 = arith.addi %mul3A_0, %add3A_14 : i32
    %run_scoped3A_16 = arith.constant 0 : i32
    "tpu.region"() ({
      %run_scoped3A_37 = tpu.sem_alloc : memref<!tpu.dma_semaphore, #tpu.memory_space<semaphore_mem>>
      %dma_start3A = arith.constant 0 : i32
      %dma_start3A_38 = arith.constant 0 : i32
      %dma_start3A_39 = tpu.memref_slice %arg12[%run_scoped3A_16, %dma_start3A, %dma_start3A_38] : memref<1x128x128xf32, #tpu.memory_space<vmem>> -> memref<1x128x128xf32, #tpu.memory_space<vmem>>
      %dma_start3A_40 = tpu.memref_squeeze %dma_start3A_39 : memref<1x128x128xf32, #tpu.memory_space<vmem>> -> memref<128x128xf32, #tpu.memory_space<vmem>>
      %dma_start3A_41 = arith.constant 0 : i32
      %dma_start3A_42 = tpu.memref_slice %arg7[%add3A_15, %dma_start3A_41] : memref<10240x128xf32, #tpu.memory_space<vmem_shared>> -> memref<128x128xf32, #tpu.memory_space<vmem_shared>>
      %dma_start3A_43 = arith.constant 0 : i32
      %dma_start3A_44 = tpu.memref_slice %arg7[%add3A_15, %dma_start3A_43] : memref<10240x128xf32, #tpu.memory_space<vmem_shared>> -> memref<128x128xf32, #tpu.memory_space<vmem_shared>>
      %dma_start3A_45 = arith.constant 0 : i32
      %dma_start3A_46 = arith.constant 0 : i32
      %dma_start3A_47 = tpu.memref_slice %arg12[%run_scoped3A_16, %dma_start3A_45, %dma_start3A_46] : memref<1x128x128xf32, #tpu.memory_space<vmem>> -> memref<1x128x128xf32, #tpu.memory_space<vmem>>
      %dma_start3A_48 = tpu.memref_squeeze %dma_start3A_47 : memref<1x128x128xf32, #tpu.memory_space<vmem>> -> memref<128x128xf32, #tpu.memory_space<vmem>>
      tpu.enqueue_dma source(%dma_start3A_48 : memref<128x128xf32, #tpu.memory_space<vmem>>) target(%dma_start3A_44 : memref<128x128xf32, #tpu.memory_space<vmem_shared>>) target_semaphore(%run_scoped3A_37 : memref<!tpu.dma_semaphore, #tpu.memory_space<semaphore_mem>>)
      %dma_wait3A = arith.constant 0 : i32
      %dma_wait3A_49 = arith.constant 0 : i32
      %dma_wait3A_50 = tpu.memref_slice %arg12[%run_scoped3A_16, %dma_wait3A, %dma_wait3A_49] : memref<1x128x128xf32, #tpu.memory_space<vmem>> -> memref<1x128x128xf32, #tpu.memory_space<vmem>>
      %dma_wait3A_51 = tpu.memref_squeeze %dma_wait3A_50 : memref<1x128x128xf32, #tpu.memory_space<vmem>> -> memref<128x128xf32, #tpu.memory_space<vmem>>
      %dma_wait3A_52 = arith.constant 0 : i32
      %dma_wait3A_53 = tpu.memref_slice %arg7[%add3A_15, %dma_wait3A_52] : memref<10240x128xf32, #tpu.memory_space<vmem_shared>> -> memref<128x128xf32, #tpu.memory_space<vmem_shared>>
      %dma_wait3A_54 = arith.constant 0 : i32
      %dma_wait3A_55 = tpu.memref_slice %arg7[%add3A_15, %dma_wait3A_54] : memref<10240x128xf32, #tpu.memory_space<vmem_shared>> -> memref<128x128xf32, #tpu.memory_space<vmem_shared>>
      %dma_wait3A_56 = arith.constant 0 : i32
      %dma_wait3A_57 = arith.constant 0 : i32
      %dma_wait3A_58 = tpu.memref_slice %arg12[%run_scoped3A_16, %dma_wait3A_56, %dma_wait3A_57] : memref<1x128x128xf32, #tpu.memory_space<vmem>> -> memref<1x128x128xf32, #tpu.memory_space<vmem>>
      %dma_wait3A_59 = tpu.memref_squeeze %dma_wait3A_58 : memref<1x128x128xf32, #tpu.memory_space<vmem>> -> memref<128x128xf32, #tpu.memory_space<vmem>>
      tpu.wait_dma2 semaphore(%run_scoped3A_37 : memref<!tpu.dma_semaphore, #tpu.memory_space<semaphore_mem>>) src(%dma_wait3A_59 : memref<128x128xf32, #tpu.memory_space<vmem>>) dst(%dma_wait3A_55 : memref<128x128xf32, #tpu.memory_space<vmem_shared>>)
      tpu.yield
    }) : () -> ()
    %add3A_17 = arith.constant 512 : i32
    %add3A_18 = arith.addi %mul3A_0, %add3A_17 : i32
    %run_scoped3A_19 = arith.constant 0 : i32
    "tpu.region"() ({
      %run_scoped3A_37 = tpu.sem_alloc : memref<!tpu.dma_semaphore, #tpu.memory_space<semaphore_mem>>
      %dma_start3A = arith.constant 0 : i32
      %dma_start3A_38 = arith.constant 0 : i32
      %dma_start3A_39 = tpu.memref_slice %arg12[%run_scoped3A_19, %dma_start3A, %dma_start3A_38] : memref<1x128x128xf32, #tpu.memory_space<vmem>> -> memref<1x128x128xf32, #tpu.memory_space<vmem>>
      %dma_start3A_40 = tpu.memref_squeeze %dma_start3A_39 : memref<1x128x128xf32, #tpu.memory_space<vmem>> -> memref<128x128xf32, #tpu.memory_space<vmem>>
      %dma_start3A_41 = arith.constant 0 : i32
      %dma_start3A_42 = tpu.memref_slice %arg7[%add3A_18, %dma_start3A_41] : memref<10240x128xf32, #tpu.memory_space<vmem_shared>> -> memref<128x128xf32, #tpu.memory_space<vmem_shared>>
      %dma_start3A_43 = arith.constant 0 : i32
      %dma_start3A_44 = tpu.memref_slice %arg7[%add3A_18, %dma_start3A_43] : memref<10240x128xf32, #tpu.memory_space<vmem_shared>> -> memref<128x128xf32, #tpu.memory_space<vmem_shared>>
      %dma_start3A_45 = arith.constant 0 : i32
      %dma_start3A_46 = arith.constant 0 : i32
      %dma_start3A_47 = tpu.memref_slice %arg12[%run_scoped3A_19, %dma_start3A_45, %dma_start3A_46] : memref<1x128x128xf32, #tpu.memory_space<vmem>> -> memref<1x128x128xf32, #tpu.memory_space<vmem>>
      %dma_start3A_48 = tpu.memref_squeeze %dma_start3A_47 : memref<1x128x128xf32, #tpu.memory_space<vmem>> -> memref<128x128xf32, #tpu.memory_space<vmem>>
      tpu.enqueue_dma source(%dma_start3A_48 : memref<128x128xf32, #tpu.memory_space<vmem>>) target(%dma_start3A_44 : memref<128x128xf32, #tpu.memory_space<vmem_shared>>) target_semaphore(%run_scoped3A_37 : memref<!tpu.dma_semaphore, #tpu.memory_space<semaphore_mem>>)
      %dma_wait3A = arith.constant 0 : i32
      %dma_wait3A_49 = arith.constant 0 : i32
      %dma_wait3A_50 = tpu.memref_slice %arg12[%run_scoped3A_19, %dma_wait3A, %dma_wait3A_49] : memref<1x128x128xf32, #tpu.memory_space<vmem>> -> memref<1x128x128xf32, #tpu.memory_space<vmem>>
      %dma_wait3A_51 = tpu.memref_squeeze %dma_wait3A_50 : memref<1x128x128xf32, #tpu.memory_space<vmem>> -> memref<128x128xf32, #tpu.memory_space<vmem>>
      %dma_wait3A_52 = arith.constant 0 : i32
      %dma_wait3A_53 = tpu.memref_slice %arg7[%add3A_18, %dma_wait3A_52] : memref<10240x128xf32, #tpu.memory_space<vmem_shared>> -> memref<128x128xf32, #tpu.memory_space<vmem_shared>>
      %dma_wait3A_54 = arith.constant 0 : i32
      %dma_wait3A_55 = tpu.memref_slice %arg7[%add3A_18, %dma_wait3A_54] : memref<10240x128xf32, #tpu.memory_space<vmem_shared>> -> memref<128x128xf32, #tpu.memory_space<vmem_shared>>
      %dma_wait3A_56 = arith.constant 0 : i32
      %dma_wait3A_57 = arith.constant 0 : i32
      %dma_wait3A_58 = tpu.memref_slice %arg12[%run_scoped3A_19, %dma_wait3A_56, %dma_wait3A_57] : memref<1x128x128xf32, #tpu.memory_space<vmem>> -> memref<1x128x128xf32, #tpu.memory_space<vmem>>
      %dma_wait3A_59 = tpu.memref_squeeze %dma_wait3A_58 : memref<1x128x128xf32, #tpu.memory_space<vmem>> -> memref<128x128xf32, #tpu.memory_space<vmem>>
      tpu.wait_dma2 semaphore(%run_scoped3A_37 : memref<!tpu.dma_semaphore, #tpu.memory_space<semaphore_mem>>) src(%dma_wait3A_59 : memref<128x128xf32, #tpu.memory_space<vmem>>) dst(%dma_wait3A_55 : memref<128x128xf32, #tpu.memory_space<vmem_shared>>)
      tpu.yield
    }) : () -> ()
    %barrier3A = arith.constant 0 : index
    tpu.barrier barrier_id(%barrier3A)
    %iota3A = tpu.iota {dimensions = array<i32: 0>} : vector<16xi32>
    %mul3A_20 = arith.constant 8 : i32
    %mul3A_21 = arith.muli %arg1, %mul3A_20 : i32
    %add3A_22 = arith.constant 10000 : i32
    %add3A_23 = arith.addi %add3A_22, %mul3A_21 : i32
    %and3A = arith.constant 7 : i32
    %and3A_24 = vector.broadcast %and3A : i32 to vector<16xi32>
    %and3A_25 = arith.andi %iota3A, %and3A_24 : vector<16xi32>
    %add3A_26 = vector.broadcast %add3A_23 : i32 to vector<16xi32>
    %add3A_27 = arith.addi %add3A_26, %and3A_25 : vector<16xi32>
    %mul3A_28 = arith.constant 20096 : i32
    %mul3A_29 = arith.muli %arg1, %mul3A_28 : i32
    %scan3A_30 = arith.constant 0 : i32
    %scan3A_31 = arith.constant 0 : i32
    %scan3A_32 = arith.constant 157 : i32
    %scan3A_33 = arith.addi %scan3A_31, %scan3A_32 : i32
    %scan3A_34 = arith.constant 1 : i32
    scf.for %scan3A_37 = %scan3A_31 to %scan3A_33 step %scan3A_34  : i32 {
      %mul3A_38 = arith.constant 128 : i32
      %mul3A_39 = arith.muli %scan3A_37, %mul3A_38 : i32
      %add3A_40 = arith.addi %mul3A_29, %mul3A_39 : i32
      %run_scoped3A_41 = arith.constant 0 : i32
      "tpu.region"() ({
        %run_scoped3A_216 = tpu.sem_alloc : memref<!tpu.dma_semaphore, #tpu.memory_space<semaphore_mem>>
        %dma_start3A_217 = arith.constant 0 : i32
        %dma_start3A_218 = tpu.memref_slice %arg8[%run_scoped3A_41, %dma_start3A_217] : memref<1x128xi32, #tpu.memory_space<vmem>> -> memref<1x128xi32, #tpu.memory_space<vmem>>
        %dma_start3A_219 = tpu.memref_squeeze %dma_start3A_218 : memref<1x128xi32, #tpu.memory_space<vmem>> -> memref<128xi32, #tpu.memory_space<vmem>>
        %dma_start3A_220 = tpu.memref_slice %arg3[%add3A_40] : memref<321536xi32, #tpu.memory_space<hbm>> -> memref<128xi32, #tpu.memory_space<hbm>>
        %dma_start3A_221 = arith.constant 0 : i32
        %dma_start3A_222 = tpu.memref_slice %arg8[%run_scoped3A_41, %dma_start3A_221] : memref<1x128xi32, #tpu.memory_space<vmem>> -> memref<1x128xi32, #tpu.memory_space<vmem>>
        %dma_start3A_223 = tpu.memref_squeeze %dma_start3A_222 : memref<1x128xi32, #tpu.memory_space<vmem>> -> memref<128xi32, #tpu.memory_space<vmem>>
        %dma_start3A_224 = tpu.memref_slice %arg3[%add3A_40] : memref<321536xi32, #tpu.memory_space<hbm>> -> memref<128xi32, #tpu.memory_space<hbm>>
        tpu.enqueue_dma source(%dma_start3A_224 : memref<128xi32, #tpu.memory_space<hbm>>) target(%dma_start3A_223 : memref<128xi32, #tpu.memory_space<vmem>>) target_semaphore(%run_scoped3A_216 : memref<!tpu.dma_semaphore, #tpu.memory_space<semaphore_mem>>)
        %dma_wait3A_225 = arith.constant 0 : i32
        %dma_wait3A_226 = tpu.memref_slice %arg8[%run_scoped3A_41, %dma_wait3A_225] : memref<1x128xi32, #tpu.memory_space<vmem>> -> memref<1x128xi32, #tpu.memory_space<vmem>>
        %dma_wait3A_227 = tpu.memref_squeeze %dma_wait3A_226 : memref<1x128xi32, #tpu.memory_space<vmem>> -> memref<128xi32, #tpu.memory_space<vmem>>
        %dma_wait3A_228 = tpu.memref_slice %arg3[%add3A_40] : memref<321536xi32, #tpu.memory_space<hbm>> -> memref<128xi32, #tpu.memory_space<hbm>>
        %dma_wait3A_229 = arith.constant 0 : i32
        %dma_wait3A_230 = tpu.memref_slice %arg8[%run_scoped3A_41, %dma_wait3A_229] : memref<1x128xi32, #tpu.memory_space<vmem>> -> memref<1x128xi32, #tpu.memory_space<vmem>>
        %dma_wait3A_231 = tpu.memref_squeeze %dma_wait3A_230 : memref<1x128xi32, #tpu.memory_space<vmem>> -> memref<128xi32, #tpu.memory_space<vmem>>
        %dma_wait3A_232 = tpu.memref_slice %arg3[%add3A_40] : memref<321536xi32, #tpu.memory_space<hbm>> -> memref<128xi32, #tpu.memory_space<hbm>>
        tpu.wait_dma2 semaphore(%run_scoped3A_216 : memref<!tpu.dma_semaphore, #tpu.memory_space<semaphore_mem>>) src(%dma_wait3A_232 : memref<128xi32, #tpu.memory_space<hbm>>) dst(%dma_wait3A_231 : memref<128xi32, #tpu.memory_space<vmem>>)
        tpu.yield
      }) : () -> ()
      %run_scoped3A_42 = arith.constant 0 : i32
      "tpu.region"() ({
        %run_scoped3A_216 = tpu.sem_alloc : memref<!tpu.dma_semaphore, #tpu.memory_space<semaphore_mem>>
        %dma_start3A_217 = arith.constant 0 : i32
        %dma_start3A_218 = tpu.memref_slice %arg9[%run_scoped3A_42, %dma_start3A_217] : memref<1x128xi32, #tpu.memory_space<vmem>> -> memref<1x128xi32, #tpu.memory_space<vmem>>
        %dma_start3A_219 = tpu.memref_squeeze %dma_start3A_218 : memref<1x128xi32, #tpu.memory_space<vmem>> -> memref<128xi32, #tpu.memory_space<vmem>>
        %dma_start3A_220 = tpu.memref_slice %arg4[%add3A_40] : memref<321536xi32, #tpu.memory_space<hbm>> -> memref<128xi32, #tpu.memory_space<hbm>>
        %dma_start3A_221 = arith.constant 0 : i32
        %dma_start3A_222 = tpu.memref_slice %arg9[%run_scoped3A_42, %dma_start3A_221] : memref<1x128xi32, #tpu.memory_space<vmem>> -> memref<1x128xi32, #tpu.memory_space<vmem>>
        %dma_start3A_223 = tpu.memref_squeeze %dma_start3A_222 : memref<1x128xi32, #tpu.memory_space<vmem>> -> memref<128xi32, #tpu.memory_space<vmem>>
        %dma_start3A_224 = tpu.memref_slice %arg4[%add3A_40] : memref<321536xi32, #tpu.memory_space<hbm>> -> memref<128xi32, #tpu.memory_space<hbm>>
        tpu.enqueue_dma source(%dma_start3A_224 : memref<128xi32, #tpu.memory_space<hbm>>) target(%dma_start3A_223 : memref<128xi32, #tpu.memory_space<vmem>>) target_semaphore(%run_scoped3A_216 : memref<!tpu.dma_semaphore, #tpu.memory_space<semaphore_mem>>)
        %dma_wait3A_225 = arith.constant 0 : i32
        %dma_wait3A_226 = tpu.memref_slice %arg9[%run_scoped3A_42, %dma_wait3A_225] : memref<1x128xi32, #tpu.memory_space<vmem>> -> memref<1x128xi32, #tpu.memory_space<vmem>>
        %dma_wait3A_227 = tpu.memref_squeeze %dma_wait3A_226 : memref<1x128xi32, #tpu.memory_space<vmem>> -> memref<128xi32, #tpu.memory_space<vmem>>
        %dma_wait3A_228 = tpu.memref_slice %arg4[%add3A_40] : memref<321536xi32, #tpu.memory_space<hbm>> -> memref<128xi32, #tpu.memory_space<hbm>>
        %dma_wait3A_229 = arith.constant 0 : i32
        %dma_wait3A_230 = tpu.memref_slice %arg9[%run_scoped3A_42, %dma_wait3A_229] : memref<1x128xi32, #tpu.memory_space<vmem>> -> memref<1x128xi32, #tpu.memory_space<vmem>>
        %dma_wait3A_231 = tpu.memref_squeeze %dma_wait3A_230 : memref<1x128xi32, #tpu.memory_space<vmem>> -> memref<128xi32, #tpu.memory_space<vmem>>
        %dma_wait3A_232 = tpu.memref_slice %arg4[%add3A_40] : memref<321536xi32, #tpu.memory_space<hbm>> -> memref<128xi32, #tpu.memory_space<hbm>>
        tpu.wait_dma2 semaphore(%run_scoped3A_216 : memref<!tpu.dma_semaphore, #tpu.memory_space<semaphore_mem>>) src(%dma_wait3A_232 : memref<128xi32, #tpu.memory_space<hbm>>) dst(%dma_wait3A_231 : memref<128xi32, #tpu.memory_space<vmem>>)
        tpu.yield
      }) : () -> ()
      %run_scoped3A_43 = arith.constant 0 : i32
      "tpu.region"() ({
        %run_scoped3A_216 = tpu.sem_alloc : memref<!tpu.dma_semaphore, #tpu.memory_space<semaphore_mem>>
        %dma_start3A_217 = arith.constant 0 : i32
        %dma_start3A_218 = tpu.memref_slice %arg10[%run_scoped3A_43, %dma_start3A_217] : memref<1x128xi32, #tpu.memory_space<vmem>> -> memref<1x128xi32, #tpu.memory_space<vmem>>
        %dma_start3A_219 = tpu.memref_squeeze %dma_start3A_218 : memref<1x128xi32, #tpu.memory_space<vmem>> -> memref<128xi32, #tpu.memory_space<vmem>>
        %dma_start3A_220 = tpu.memref_slice %arg5[%add3A_40] : memref<321536xi32, #tpu.memory_space<hbm>> -> memref<128xi32, #tpu.memory_space<hbm>>
        %dma_start3A_221 = arith.constant 0 : i32
        %dma_start3A_222 = tpu.memref_slice %arg10[%run_scoped3A_43, %dma_start3A_221] : memref<1x128xi32, #tpu.memory_space<vmem>> -> memref<1x128xi32, #tpu.memory_space<vmem>>
        %dma_start3A_223 = tpu.memref_squeeze %dma_start3A_222 : memref<1x128xi32, #tpu.memory_space<vmem>> -> memref<128xi32, #tpu.memory_space<vmem>>
        %dma_start3A_224 = tpu.memref_slice %arg5[%add3A_40] : memref<321536xi32, #tpu.memory_space<hbm>> -> memref<128xi32, #tpu.memory_space<hbm>>
        tpu.enqueue_dma source(%dma_start3A_224 : memref<128xi32, #tpu.memory_space<hbm>>) target(%dma_start3A_223 : memref<128xi32, #tpu.memory_space<vmem>>) target_semaphore(%run_scoped3A_216 : memref<!tpu.dma_semaphore, #tpu.memory_space<semaphore_mem>>)
        %dma_wait3A_225 = arith.constant 0 : i32
        %dma_wait3A_226 = tpu.memref_slice %arg10[%run_scoped3A_43, %dma_wait3A_225] : memref<1x128xi32, #tpu.memory_space<vmem>> -> memref<1x128xi32, #tpu.memory_space<vmem>>
        %dma_wait3A_227 = tpu.memref_squeeze %dma_wait3A_226 : memref<1x128xi32, #tpu.memory_space<vmem>> -> memref<128xi32, #tpu.memory_space<vmem>>
        %dma_wait3A_228 = tpu.memref_slice %arg5[%add3A_40] : memref<321536xi32, #tpu.memory_space<hbm>> -> memref<128xi32, #tpu.memory_space<hbm>>
        %dma_wait3A_229 = arith.constant 0 : i32
        %dma_wait3A_230 = tpu.memref_slice %arg10[%run_scoped3A_43, %dma_wait3A_229] : memref<1x128xi32, #tpu.memory_space<vmem>> -> memref<1x128xi32, #tpu.memory_space<vmem>>
        %dma_wait3A_231 = tpu.memref_squeeze %dma_wait3A_230 : memref<1x128xi32, #tpu.memory_space<vmem>> -> memref<128xi32, #tpu.memory_space<vmem>>
        %dma_wait3A_232 = tpu.memref_slice %arg5[%add3A_40] : memref<321536xi32, #tpu.memory_space<hbm>> -> memref<128xi32, #tpu.memory_space<hbm>>
        tpu.wait_dma2 semaphore(%run_scoped3A_216 : memref<!tpu.dma_semaphore, #tpu.memory_space<semaphore_mem>>) src(%dma_wait3A_232 : memref<128xi32, #tpu.memory_space<hbm>>) dst(%dma_wait3A_231 : memref<128xi32, #tpu.memory_space<vmem>>)
        tpu.yield
      }) : () -> ()
      %get3A = arith.constant 0 : i32
      %get3A_44 = arith.index_cast %get3A : i32 to index
      %get3A_45 = arith.constant 0 : index
      %get3A_46 = tpu.vector_load %arg10[%get3A_44, %get3A_45] {strides = array<i32>} : memref<1x128xi32, #tpu.memory_space<vmem>>, vector<1x16xi32>,
      %get3A_47 = vector.shape_cast %get3A_46 : vector<1x16xi32> to vector<16xi32>
      %get3A_48 = arith.constant 0 : i32
      %get3A_49 = arith.index_cast %get3A_48 : i32 to index
      %get3A_50 = arith.constant 0 : index
      %get3A_51 = tpu.vector_load %arg9[%get3A_49, %get3A_50] {strides = array<i32>} : memref<1x128xi32, #tpu.memory_space<vmem>>, vector<1x16xi32>,
      %get3A_52 = vector.shape_cast %get3A_51 : vector<1x16xi32> to vector<16xi32>
      %eq3A = vector.broadcast %arg0 : i32 to vector<16xi32>
      %eq3A_53 = arith.cmpi eq, %get3A_47, %eq3A : vector<16xi32>
      %select_n3A = arith.select %eq3A_53, %get3A_52, %add3A_27 : vector<16xi1>, vector<16xi32>
      %swap3A = arith.constant 0 : i32
      %swap3A_54 = arith.index_cast %swap3A : i32 to index
      %swap3A_55 = arith.constant 0 : index
      %swap3A_56 = tpu.vector_load %arg11[%swap3A_54, %swap3A_55] {strides = array<i32>} : memref<1x128xi32, #tpu.memory_space<vmem>>, vector<1x16xi32>,
      %swap3A_57 = vector.shape_cast %swap3A_56 : vector<1x16xi32> to vector<16xi32>
      %swap3A_58 = vector.shape_cast %select_n3A : vector<16xi32> to vector<1x16xi32>
      tpu.vector_store %arg11[%swap3A_54, %swap3A_55], %swap3A_58 {strides = array<i32>} : memref<1x128xi32, #tpu.memory_space<vmem>>, vector<1x16xi32>,
      %get3A_59 = arith.constant 0 : i32
      %get3A_60 = arith.index_cast %get3A_59 : i32 to index
      %get3A_61 = arith.constant 16 : index
      %get3A_62 = tpu.vector_load %arg10[%get3A_60, %get3A_61] {strides = array<i32>} : memref<1x128xi32, #tpu.memory_space<vmem>>, vector<1x16xi32>,
      %get3A_63 = vector.shape_cast %get3A_62 : vector<1x16xi32> to vector<16xi32>
      %get3A_64 = arith.constant 0 : i32
      %get3A_65 = arith.index_cast %get3A_64 : i32 to index
      %get3A_66 = arith.constant 16 : index
      %get3A_67 = tpu.vector_load %arg9[%get3A_65, %get3A_66] {strides = array<i32>} : memref<1x128xi32, #tpu.memory_space<vmem>>, vector<1x16xi32>,
      %get3A_68 = vector.shape_cast %get3A_67 : vector<1x16xi32> to vector<16xi32>
      %eq3A_69 = vector.broadcast %arg0 : i32 to vector<16xi32>
      %eq3A_70 = arith.cmpi eq, %get3A_63, %eq3A_69 : vector<16xi32>
      %select_n3A_71 = arith.select %eq3A_70, %get3A_68, %add3A_27 : vector<16xi1>, vector<16xi32>
      %swap3A_72 = arith.constant 0 : i32
      %swap3A_73 = arith.index_cast %swap3A_72 : i32 to index
      %swap3A_74 = arith.constant 16 : index
      %swap3A_75 = tpu.vector_load %arg11[%swap3A_73, %swap3A_74] {strides = array<i32>} : memref<1x128xi32, #tpu.memory_space<vmem>>, vector<1x16xi32>,
      %swap3A_76 = vector.shape_cast %swap3A_75 : vector<1x16xi32> to vector<16xi32>
      %swap3A_77 = vector.shape_cast %select_n3A_71 : vector<16xi32> to vector<1x16xi32>
      tpu.vector_store %arg11[%swap3A_73, %swap3A_74], %swap3A_77 {strides = array<i32>} : memref<1x128xi32, #tpu.memory_space<vmem>>, vector<1x16xi32>,
      %get3A_78 = arith.constant 0 : i32
      %get3A_79 = arith.index_cast %get3A_78 : i32 to index
      %get3A_80 = arith.constant 32 : index
      %get3A_81 = tpu.vector_load %arg10[%get3A_79, %get3A_80] {strides = array<i32>} : memref<1x128xi32, #tpu.memory_space<vmem>>, vector<1x16xi32>,
      %get3A_82 = vector.shape_cast %get3A_81 : vector<1x16xi32> to vector<16xi32>
      %get3A_83 = arith.constant 0 : i32
      %get3A_84 = arith.index_cast %get3A_83 : i32 to index
      %get3A_85 = arith.constant 32 : index
      %get3A_86 = tpu.vector_load %arg9[%get3A_84, %get3A_85] {strides = array<i32>} : memref<1x128xi32, #tpu.memory_space<vmem>>, vector<1x16xi32>,
      %get3A_87 = vector.shape_cast %get3A_86 : vector<1x16xi32> to vector<16xi32>
      %eq3A_88 = vector.broadcast %arg0 : i32 to vector<16xi32>
      %eq3A_89 = arith.cmpi eq, %get3A_82, %eq3A_88 : vector<16xi32>
      %select_n3A_90 = arith.select %eq3A_89, %get3A_87, %add3A_27 : vector<16xi1>, vector<16xi32>
      %swap3A_91 = arith.constant 0 : i32
      %swap3A_92 = arith.index_cast %swap3A_91 : i32 to index
      %swap3A_93 = arith.constant 32 : index
      %swap3A_94 = tpu.vector_load %arg11[%swap3A_92, %swap3A_93] {strides = array<i32>} : memref<1x128xi32, #tpu.memory_space<vmem>>, vector<1x16xi32>,
      %swap3A_95 = vector.shape_cast %swap3A_94 : vector<1x16xi32> to vector<16xi32>
      %swap3A_96 = vector.shape_cast %select_n3A_90 : vector<16xi32> to vector<1x16xi32>
      tpu.vector_store %arg11[%swap3A_92, %swap3A_93], %swap3A_96 {strides = array<i32>} : memref<1x128xi32, #tpu.memory_space<vmem>>, vector<1x16xi32>,
      %get3A_97 = arith.constant 0 : i32
      %get3A_98 = arith.index_cast %get3A_97 : i32 to index
      %get3A_99 = arith.constant 48 : index
      %get3A_100 = tpu.vector_load %arg10[%get3A_98, %get3A_99] {strides = array<i32>} : memref<1x128xi32, #tpu.memory_space<vmem>>, vector<1x16xi32>,
      %get3A_101 = vector.shape_cast %get3A_100 : vector<1x16xi32> to vector<16xi32>
      %get3A_102 = arith.constant 0 : i32
      %get3A_103 = arith.index_cast %get3A_102 : i32 to index
      %get3A_104 = arith.constant 48 : index
      %get3A_105 = tpu.vector_load %arg9[%get3A_103, %get3A_104] {strides = array<i32>} : memref<1x128xi32, #tpu.memory_space<vmem>>, vector<1x16xi32>,
      %get3A_106 = vector.shape_cast %get3A_105 : vector<1x16xi32> to vector<16xi32>
      %eq3A_107 = vector.broadcast %arg0 : i32 to vector<16xi32>
      %eq3A_108 = arith.cmpi eq, %get3A_101, %eq3A_107 : vector<16xi32>
      %select_n3A_109 = arith.select %eq3A_108, %get3A_106, %add3A_27 : vector<16xi1>, vector<16xi32>
      %swap3A_110 = arith.constant 0 : i32
      %swap3A_111 = arith.index_cast %swap3A_110 : i32 to index
      %swap3A_112 = arith.constant 48 : index
      %swap3A_113 = tpu.vector_load %arg11[%swap3A_111, %swap3A_112] {strides = array<i32>} : memref<1x128xi32, #tpu.memory_space<vmem>>, vector<1x16xi32>,
      %swap3A_114 = vector.shape_cast %swap3A_113 : vector<1x16xi32> to vector<16xi32>
      %swap3A_115 = vector.shape_cast %select_n3A_109 : vector<16xi32> to vector<1x16xi32>
      tpu.vector_store %arg11[%swap3A_111, %swap3A_112], %swap3A_115 {strides = array<i32>} : memref<1x128xi32, #tpu.memory_space<vmem>>, vector<1x16xi32>,
      %get3A_116 = arith.constant 0 : i32
      %get3A_117 = arith.index_cast %get3A_116 : i32 to index
      %get3A_118 = arith.constant 64 : index
      %get3A_119 = tpu.vector_load %arg10[%get3A_117, %get3A_118] {strides = array<i32>} : memref<1x128xi32, #tpu.memory_space<vmem>>, vector<1x16xi32>,
      %get3A_120 = vector.shape_cast %get3A_119 : vector<1x16xi32> to vector<16xi32>
      %get3A_121 = arith.constant 0 : i32
      %get3A_122 = arith.index_cast %get3A_121 : i32 to index
      %get3A_123 = arith.constant 64 : index
      %get3A_124 = tpu.vector_load %arg9[%get3A_122, %get3A_123] {strides = array<i32>} : memref<1x128xi32, #tpu.memory_space<vmem>>, vector<1x16xi32>,
      %get3A_125 = vector.shape_cast %get3A_124 : vector<1x16xi32> to vector<16xi32>
      %eq3A_126 = vector.broadcast %arg0 : i32 to vector<16xi32>
      %eq3A_127 = arith.cmpi eq, %get3A_120, %eq3A_126 : vector<16xi32>
      %select_n3A_128 = arith.select %eq3A_127, %get3A_125, %add3A_27 : vector<16xi1>, vector<16xi32>
      %swap3A_129 = arith.constant 0 : i32
      %swap3A_130 = arith.index_cast %swap3A_129 : i32 to index
      %swap3A_131 = arith.constant 64 : index
      %swap3A_132 = tpu.vector_load %arg11[%swap3A_130, %swap3A_131] {strides = array<i32>} : memref<1x128xi32, #tpu.memory_space<vmem>>, vector<1x16xi32>,
      %swap3A_133 = vector.shape_cast %swap3A_132 : vector<1x16xi32> to vector<16xi32>
      %swap3A_134 = vector.shape_cast %select_n3A_128 : vector<16xi32> to vector<1x16xi32>
      tpu.vector_store %arg11[%swap3A_130, %swap3A_131], %swap3A_134 {strides = array<i32>} : memref<1x128xi32, #tpu.memory_space<vmem>>, vector<1x16xi32>,
      %get3A_135 = arith.constant 0 : i32
      %get3A_136 = arith.index_cast %get3A_135 : i32 to index
      %get3A_137 = arith.constant 80 : index
      %get3A_138 = tpu.vector_load %arg10[%get3A_136, %get3A_137] {strides = array<i32>} : memref<1x128xi32, #tpu.memory_space<vmem>>, vector<1x16xi32>,
      %get3A_139 = vector.shape_cast %get3A_138 : vector<1x16xi32> to vector<16xi32>
      %get3A_140 = arith.constant 0 : i32
      %get3A_141 = arith.index_cast %get3A_140 : i32 to index
      %get3A_142 = arith.constant 80 : index
      %get3A_143 = tpu.vector_load %arg9[%get3A_141, %get3A_142] {strides = array<i32>} : memref<1x128xi32, #tpu.memory_space<vmem>>, vector<1x16xi32>,
      %get3A_144 = vector.shape_cast %get3A_143 : vector<1x16xi32> to vector<16xi32>
      %eq3A_145 = vector.broadcast %arg0 : i32 to vector<16xi32>
      %eq3A_146 = arith.cmpi eq, %get3A_139, %eq3A_145 : vector<16xi32>
      %select_n3A_147 = arith.select %eq3A_146, %get3A_144, %add3A_27 : vector<16xi1>, vector<16xi32>
      %swap3A_148 = arith.constant 0 : i32
      %swap3A_149 = arith.index_cast %swap3A_148 : i32 to index
      %swap3A_150 = arith.constant 80 : index
      %swap3A_151 = tpu.vector_load %arg11[%swap3A_149, %swap3A_150] {strides = array<i32>} : memref<1x128xi32, #tpu.memory_space<vmem>>, vector<1x16xi32>,
      %swap3A_152 = vector.shape_cast %swap3A_151 : vector<1x16xi32> to vector<16xi32>
      %swap3A_153 = vector.shape_cast %select_n3A_147 : vector<16xi32> to vector<1x16xi32>
      tpu.vector_store %arg11[%swap3A_149, %swap3A_150], %swap3A_153 {strides = array<i32>} : memref<1x128xi32, #tpu.memory_space<vmem>>, vector<1x16xi32>,
      %get3A_154 = arith.constant 0 : i32
      %get3A_155 = arith.index_cast %get3A_154 : i32 to index
      %get3A_156 = arith.constant 96 : index
      %get3A_157 = tpu.vector_load %arg10[%get3A_155, %get3A_156] {strides = array<i32>} : memref<1x128xi32, #tpu.memory_space<vmem>>, vector<1x16xi32>,
      %get3A_158 = vector.shape_cast %get3A_157 : vector<1x16xi32> to vector<16xi32>
      %get3A_159 = arith.constant 0 : i32
      %get3A_160 = arith.index_cast %get3A_159 : i32 to index
      %get3A_161 = arith.constant 96 : index
      %get3A_162 = tpu.vector_load %arg9[%get3A_160, %get3A_161] {strides = array<i32>} : memref<1x128xi32, #tpu.memory_space<vmem>>, vector<1x16xi32>,
      %get3A_163 = vector.shape_cast %get3A_162 : vector<1x16xi32> to vector<16xi32>
      %eq3A_164 = vector.broadcast %arg0 : i32 to vector<16xi32>
      %eq3A_165 = arith.cmpi eq, %get3A_158, %eq3A_164 : vector<16xi32>
      %select_n3A_166 = arith.select %eq3A_165, %get3A_163, %add3A_27 : vector<16xi1>, vector<16xi32>
      %swap3A_167 = arith.constant 0 : i32
      %swap3A_168 = arith.index_cast %swap3A_167 : i32 to index
      %swap3A_169 = arith.constant 96 : index
      %swap3A_170 = tpu.vector_load %arg11[%swap3A_168, %swap3A_169] {strides = array<i32>} : memref<1x128xi32, #tpu.memory_space<vmem>>, vector<1x16xi32>,
      %swap3A_171 = vector.shape_cast %swap3A_170 : vector<1x16xi32> to vector<16xi32>
      %swap3A_172 = vector.shape_cast %select_n3A_166 : vector<16xi32> to vector<1x16xi32>
      tpu.vector_store %arg11[%swap3A_168, %swap3A_169], %swap3A_172 {strides = array<i32>} : memref<1x128xi32, #tpu.memory_space<vmem>>, vector<1x16xi32>,
      %get3A_173 = arith.constant 0 : i32
      %get3A_174 = arith.index_cast %get3A_173 : i32 to index
      %get3A_175 = arith.constant 112 : index
      %get3A_176 = tpu.vector_load %arg10[%get3A_174, %get3A_175] {strides = array<i32>} : memref<1x128xi32, #tpu.memory_space<vmem>>, vector<1x16xi32>,
      %get3A_177 = vector.shape_cast %get3A_176 : vector<1x16xi32> to vector<16xi32>
      %get3A_178 = arith.constant 0 : i32
      %get3A_179 = arith.index_cast %get3A_178 : i32 to index
      %get3A_180 = arith.constant 112 : index
      %get3A_181 = tpu.vector_load %arg9[%get3A_179, %get3A_180] {strides = array<i32>} : memref<1x128xi32, #tpu.memory_space<vmem>>, vector<1x16xi32>,
      %get3A_182 = vector.shape_cast %get3A_181 : vector<1x16xi32> to vector<16xi32>
      %eq3A_183 = vector.broadcast %arg0 : i32 to vector<16xi32>
      %eq3A_184 = arith.cmpi eq, %get3A_177, %eq3A_183 : vector<16xi32>
      %select_n3A_185 = arith.select %eq3A_184, %get3A_182, %add3A_27 : vector<16xi1>, vector<16xi32>
      %swap3A_186 = arith.constant 0 : i32
      %swap3A_187 = arith.index_cast %swap3A_186 : i32 to index
      %swap3A_188 = arith.constant 112 : index
      %swap3A_189 = tpu.vector_load %arg11[%swap3A_187, %swap3A_188] {strides = array<i32>} : memref<1x128xi32, #tpu.memory_space<vmem>>, vector<1x16xi32>,
      %swap3A_190 = vector.shape_cast %swap3A_189 : vector<1x16xi32> to vector<16xi32>
      %swap3A_191 = vector.shape_cast %select_n3A_185 : vector<16xi32> to vector<1x16xi32>
      tpu.vector_store %arg11[%swap3A_187, %swap3A_188], %swap3A_191 {strides = array<i32>} : memref<1x128xi32, #tpu.memory_space<vmem>>, vector<1x16xi32>,
      %dma_start3A = arith.constant 0 : i32
      %dma_start3A_192 = arith.constant 0 : i32
      %dma_start3A_193 = arith.constant 0 : i32
      %dma_start3A_194 = arith.constant 0 : i32
      %dma_start3A_195 = tpu.memref_slice %arg12[%dma_start3A_192, %dma_start3A_193, %dma_start3A_194] : memref<1x128x128xf32, #tpu.memory_space<vmem>> -> memref<1x128x128xf32, #tpu.memory_space<vmem>>
      %dma_start3A_196 = tpu.memref_squeeze %dma_start3A_195 : memref<1x128x128xf32, #tpu.memory_space<vmem>> -> memref<128x128xf32, #tpu.memory_space<vmem>>
      %dma_start3A_197 = arith.constant 0 : i32
      %dma_start3A_198 = tpu.memref_slice %arg8[%dma_start3A, %dma_start3A_197] : memref<1x128xi32, #tpu.memory_space<vmem>> -> memref<1x128xi32, #tpu.memory_space<vmem>>
      %dma_start3A_199 = tpu.memref_squeeze %dma_start3A_198 : memref<1x128xi32, #tpu.memory_space<vmem>> -> memref<128xi32, #tpu.memory_space<vmem>>
      %dma_start3A_200 = arith.constant 0 : i32
      %dma_start3A_201 = arith.constant 0 : i32
      %dma_start3A_202 = tpu.memref_slice %arg2[%dma_start3A_200, %dma_start3A_201] : memref<10000x128xf32, #tpu.memory_space<hbm>> -> memref<10000x128xf32, #tpu.memory_space<hbm>>
      tpu.enqueue_indirect_dma source(%dma_start3A_202 : memref<10000x128xf32, #tpu.memory_space<hbm>>) target(%dma_start3A_196 : memref<128x128xf32, #tpu.memory_space<vmem>>) offsets(%dma_start3A_199 : memref<128xi32, #tpu.memory_space<vmem>>) semaphore(%arg13 : memref<!tpu.dma_semaphore, #tpu.memory_space<semaphore_mem>>)
      %dma_wait3A = arith.constant 0 : i32
      %dma_wait3A_203 = arith.constant 0 : i32
      %dma_wait3A_204 = arith.constant 0 : i32
      %dma_wait3A_205 = arith.constant 0 : i32
      %dma_wait3A_206 = tpu.memref_slice %arg12[%dma_wait3A_203, %dma_wait3A_204, %dma_wait3A_205] : memref<1x128x128xf32, #tpu.memory_space<vmem>> -> memref<1x128x128xf32, #tpu.memory_space<vmem>>
      %dma_wait3A_207 = tpu.memref_squeeze %dma_wait3A_206 : memref<1x128x128xf32, #tpu.memory_space<vmem>> -> memref<128x128xf32, #tpu.memory_space<vmem>>
      %dma_wait3A_208 = arith.constant 0 : i32
      %dma_wait3A_209 = tpu.memref_slice %arg8[%dma_wait3A, %dma_wait3A_208] : memref<1x128xi32, #tpu.memory_space<vmem>> -> memref<1x128xi32, #tpu.memory_space<vmem>>
      %dma_wait3A_210 = tpu.memref_squeeze %dma_wait3A_209 : memref<1x128xi32, #tpu.memory_space<vmem>> -> memref<128xi32, #tpu.memory_space<vmem>>
      %dma_wait3A_211 = arith.constant 0 : i32
      %dma_wait3A_212 = arith.constant 0 : i32
      %dma_wait3A_213 = tpu.memref_slice %arg2[%dma_wait3A_211, %dma_wait3A_212] : memref<10000x128xf32, #tpu.memory_space<hbm>> -> memref<10000x128xf32, #tpu.memory_space<hbm>>
      tpu.wait_indirect_dma semaphore(%arg13 : memref<!tpu.dma_semaphore, #tpu.memory_space<semaphore_mem>>) src(%dma_wait3A_213 : memref<10000x128xf32, #tpu.memory_space<hbm>>) dst(%dma_wait3A_207 : memref<128x128xf32, #tpu.memory_space<vmem>>)
      %run_scoped3A_214 = arith.constant 0 : i32
      %run_scoped3A_215 = arith.constant 0 : i32
      "tpu.region"() ({
        %run_scoped3A_216 = tpu.sem_alloc : memref<!tpu.dma_semaphore, #tpu.memory_space<semaphore_mem>>
        %dma_start3A_217 = arith.constant 0 : i32
        %dma_start3A_218 = arith.constant 0 : i32
        %dma_start3A_219 = tpu.memref_slice %arg12[%run_scoped3A_214, %dma_start3A_217, %dma_start3A_218] : memref<1x128x128xf32, #tpu.memory_space<vmem>> -> memref<1x128x128xf32, #tpu.memory_space<vmem>>
        %dma_start3A_220 = tpu.memref_squeeze %dma_start3A_219 : memref<1x128x128xf32, #tpu.memory_space<vmem>> -> memref<128x128xf32, #tpu.memory_space<vmem>>
        %dma_start3A_221 = arith.constant 0 : i32
        %dma_start3A_222 = tpu.memref_slice %arg11[%run_scoped3A_215, %dma_start3A_221] : memref<1x128xi32, #tpu.memory_space<vmem>> -> memref<1x128xi32, #tpu.memory_space<vmem>>
        %dma_start3A_223 = tpu.memref_squeeze %dma_start3A_222 : memref<1x128xi32, #tpu.memory_space<vmem>> -> memref<128xi32, #tpu.memory_space<vmem>>
        %dma_start3A_224 = arith.constant 0 : i32
        %dma_start3A_225 = arith.constant 0 : i32
        %dma_start3A_226 = tpu.memref_slice %arg7[%dma_start3A_224, %dma_start3A_225] : memref<10240x128xf32, #tpu.memory_space<vmem_shared>> -> memref<10240x128xf32, #tpu.memory_space<vmem_shared>>
        tpu.enqueue_indirect_dma source(%dma_start3A_220 : memref<128x128xf32, #tpu.memory_space<vmem>>) target(%dma_start3A_226 : memref<10240x128xf32, #tpu.memory_space<vmem_shared>>) offsets(%dma_start3A_223 : memref<128xi32, #tpu.memory_space<vmem>>) semaphore(%run_scoped3A_216 : memref<!tpu.dma_semaphore, #tpu.memory_space<semaphore_mem>>) {add = true}
        %dma_wait3A_227 = arith.constant 0 : i32
        %dma_wait3A_228 = arith.constant 0 : i32
        %dma_wait3A_229 = tpu.memref_slice %arg12[%run_scoped3A_214, %dma_wait3A_227, %dma_wait3A_228] : memref<1x128x128xf32, #tpu.memory_space<vmem>> -> memref<1x128x128xf32, #tpu.memory_space<vmem>>
        %dma_wait3A_230 = tpu.memref_squeeze %dma_wait3A_229 : memref<1x128x128xf32, #tpu.memory_space<vmem>> -> memref<128x128xf32, #tpu.memory_space<vmem>>
        %dma_wait3A_231 = arith.constant 0 : i32
        %dma_wait3A_232 = tpu.memref_slice %arg11[%run_scoped3A_215, %dma_wait3A_231] : memref<1x128xi32, #tpu.memory_space<vmem>> -> memref<1x128xi32, #tpu.memory_space<vmem>>
        %dma_wait3A_233 = tpu.memref_squeeze %dma_wait3A_232 : memref<1x128xi32, #tpu.memory_space<vmem>> -> memref<128xi32, #tpu.memory_space<vmem>>
        %dma_wait3A_234 = arith.constant 0 : i32
        %dma_wait3A_235 = arith.constant 0 : i32
        %dma_wait3A_236 = tpu.memref_slice %arg7[%dma_wait3A_234, %dma_wait3A_235] : memref<10240x128xf32, #tpu.memory_space<vmem_shared>> -> memref<10240x128xf32, #tpu.memory_space<vmem_shared>>
        tpu.wait_indirect_dma semaphore(%run_scoped3A_216 : memref<!tpu.dma_semaphore, #tpu.memory_space<semaphore_mem>>) src(%dma_wait3A_230 : memref<128x128xf32, #tpu.memory_space<vmem>>) dst(%dma_wait3A_236 : memref<10240x128xf32, #tpu.memory_space<vmem_shared>>)
        tpu.yield
      }) : () -> ()
    }
    %scan3A_35 = arith.constant 157 : i32
    %barrier3A_36 = arith.constant 0 : index
    tpu.barrier barrier_id(%barrier3A_36)
    "tpu.region"() ({
      %run_scoped3A_37 = tpu.sem_alloc : memref<!tpu.dma_semaphore, #tpu.memory_space<semaphore_mem>>
      %dma_start3A = arith.constant 0 : i32
      %dma_start3A_38 = tpu.memref_slice %arg6[%arg0, %mul3A_0, %dma_start3A] : memref<2x10240x128xf32, #tpu.memory_space<hbm>> -> memref<1x640x128xf32, #tpu.memory_space<hbm>>
      %dma_start3A_39 = tpu.memref_squeeze %dma_start3A_38 : memref<1x640x128xf32, #tpu.memory_space<hbm>> -> memref<640x128xf32, #tpu.memory_space<hbm>>
      %dma_start3A_40 = arith.constant 0 : i32
      %dma_start3A_41 = tpu.memref_slice %arg7[%mul3A_0, %dma_start3A_40] : memref<10240x128xf32, #tpu.memory_space<vmem_shared>> -> memref<640x128xf32, #tpu.memory_space<vmem_shared>>
      tpu.enqueue_dma source(%dma_start3A_41 : memref<640x128xf32, #tpu.memory_space<vmem_shared>>) target(%dma_start3A_39 : memref<640x128xf32, #tpu.memory_space<hbm>>) target_semaphore(%run_scoped3A_37 : memref<!tpu.dma_semaphore, #tpu.memory_space<semaphore_mem>>)
      %dma_wait3A = arith.constant 0 : i32
      %dma_wait3A_42 = tpu.memref_slice %arg6[%arg0, %mul3A_0, %dma_wait3A] : memref<2x10240x128xf32, #tpu.memory_space<hbm>> -> memref<1x640x128xf32, #tpu.memory_space<hbm>>
      %dma_wait3A_43 = tpu.memref_squeeze %dma_wait3A_42 : memref<1x640x128xf32, #tpu.memory_space<hbm>> -> memref<640x128xf32, #tpu.memory_space<hbm>>
      %dma_wait3A_44 = arith.constant 0 : i32
      %dma_wait3A_45 = tpu.memref_slice %arg7[%mul3A_0, %dma_wait3A_44] : memref<10240x128xf32, #tpu.memory_space<vmem_shared>> -> memref<640x128xf32, #tpu.memory_space<vmem_shared>>
      tpu.wait_dma2 semaphore(%run_scoped3A_37 : memref<!tpu.dma_semaphore, #tpu.memory_space<semaphore_mem>>) src(%dma_wait3A_45 : memref<640x128xf32, #tpu.memory_space<vmem_shared>>) dst(%dma_wait3A_43 : memref<640x128xf32, #tpu.memory_space<hbm>>)
      tpu.yield
    }) : () -> ()
    return
  }
}

#map = affine_map<(d0, d1) -> (0)>
#map1 = affine_map<(d0, d1) -> (0, 0, 0)>
module attributes {stable_mosaic.version = 14 : i64} {
  func.func @_sc_counts_body(%arg0: i32, %arg1: i32, %arg2: memref<321536xi32, #tpu.memory_space<hbm>>, %arg3: memref<321536xi32, #tpu.memory_space<hbm>>, %arg4: memref<2x10240x128xf32, #tpu.memory_space<hbm>>, %arg5: memref<10240x128xf32, #tpu.memory_space<vmem_shared>>, %arg6: memref<1x128xi32, #tpu.memory_space<vmem>>, %arg7: memref<1x128xi32, #tpu.memory_space<vmem>>, %arg8: memref<1x128xi32, #tpu.memory_space<vmem>>, %arg9: memref<128x128xf32, #tpu.memory_space<vmem>>) attributes {dimension_semantics = [#tpu.dimension_semantics<core_parallel>, #tpu.dimension_semantics<subcore_parallel>], iteration_bounds = array<i64: 2, 16>, scalar_prefetch = 0 : i64, scratch_operands = 5 : i64, tpu.core_type = #tpu.core_type<sc_vector_subcore>, window_params = [{transform_indices = #map}, {transform_indices = #map}, {transform_indices = #map1}]} {
    %mul3A = arith.constant 640 : i32
    %mul3A_0 = arith.muli %arg1, %mul3A : i32
    %broadcast_in_dim3A = arith.constant 0.000000e+00 : f32
    %broadcast_in_dim3A_1 = vector.broadcast %broadcast_in_dim3A : f32 to vector<16xf32>
    %broadcast_in_dim3A_2 = arith.constant 1.000000e+00 : f32
    %broadcast_in_dim3A_3 = vector.broadcast %broadcast_in_dim3A_2 : f32 to vector<16xf32>
    %scan3A = arith.constant 0 : i32
    %scan3A_4 = arith.constant 0 : i32
    %scan3A_5 = arith.constant 128 : i32
    %scan3A_6 = arith.addi %scan3A_4, %scan3A_5 : i32
    %scan3A_7 = arith.constant 1 : i32
    scf.for %scan3A_41 = %scan3A_4 to %scan3A_6 step %scan3A_7  : i32 {
      %swap3A = arith.index_cast %scan3A_41 : i32 to index
      %swap3A_42 = arith.constant 0 : index
      %swap3A_43 = tpu.vector_load %arg9[%swap3A, %swap3A_42] {strides = array<i32>} : memref<128x128xf32, #tpu.memory_space<vmem>>, vector<1x16xf32>,
      %swap3A_44 = vector.shape_cast %swap3A_43 : vector<1x16xf32> to vector<16xf32>
      %swap3A_45 = vector.shape_cast %broadcast_in_dim3A_1 : vector<16xf32> to vector<1x16xf32>
      tpu.vector_store %arg9[%swap3A, %swap3A_42], %swap3A_45 {strides = array<i32>} : memref<128x128xf32, #tpu.memory_space<vmem>>, vector<1x16xf32>,
      %swap3A_46 = arith.index_cast %scan3A_41 : i32 to index
      %swap3A_47 = arith.constant 16 : index
      %swap3A_48 = tpu.vector_load %arg9[%swap3A_46, %swap3A_47] {strides = array<i32>} : memref<128x128xf32, #tpu.memory_space<vmem>>, vector<1x16xf32>,
      %swap3A_49 = vector.shape_cast %swap3A_48 : vector<1x16xf32> to vector<16xf32>
      %swap3A_50 = vector.shape_cast %broadcast_in_dim3A_1 : vector<16xf32> to vector<1x16xf32>
      tpu.vector_store %arg9[%swap3A_46, %swap3A_47], %swap3A_50 {strides = array<i32>} : memref<128x128xf32, #tpu.memory_space<vmem>>, vector<1x16xf32>,
      %swap3A_51 = arith.index_cast %scan3A_41 : i32 to index
      %swap3A_52 = arith.constant 32 : index
      %swap3A_53 = tpu.vector_load %arg9[%swap3A_51, %swap3A_52] {strides = array<i32>} : memref<128x128xf32, #tpu.memory_space<vmem>>, vector<1x16xf32>,
      %swap3A_54 = vector.shape_cast %swap3A_53 : vector<1x16xf32> to vector<16xf32>
      %swap3A_55 = vector.shape_cast %broadcast_in_dim3A_1 : vector<16xf32> to vector<1x16xf32>
      tpu.vector_store %arg9[%swap3A_51, %swap3A_52], %swap3A_55 {strides = array<i32>} : memref<128x128xf32, #tpu.memory_space<vmem>>, vector<1x16xf32>,
      %swap3A_56 = arith.index_cast %scan3A_41 : i32 to index
      %swap3A_57 = arith.constant 48 : index
      %swap3A_58 = tpu.vector_load %arg9[%swap3A_56, %swap3A_57] {strides = array<i32>} : memref<128x128xf32, #tpu.memory_space<vmem>>, vector<1x16xf32>,
      %swap3A_59 = vector.shape_cast %swap3A_58 : vector<1x16xf32> to vector<16xf32>
      %swap3A_60 = vector.shape_cast %broadcast_in_dim3A_1 : vector<16xf32> to vector<1x16xf32>
      tpu.vector_store %arg9[%swap3A_56, %swap3A_57], %swap3A_60 {strides = array<i32>} : memref<128x128xf32, #tpu.memory_space<vmem>>, vector<1x16xf32>,
      %swap3A_61 = arith.index_cast %scan3A_41 : i32 to index
      %swap3A_62 = arith.constant 64 : index
      %swap3A_63 = tpu.vector_load %arg9[%swap3A_61, %swap3A_62] {strides = array<i32>} : memref<128x128xf32, #tpu.memory_space<vmem>>, vector<1x16xf32>,
      %swap3A_64 = vector.shape_cast %swap3A_63 : vector<1x16xf32> to vector<16xf32>
      %swap3A_65 = vector.shape_cast %broadcast_in_dim3A_1 : vector<16xf32> to vector<1x16xf32>
      tpu.vector_store %arg9[%swap3A_61, %swap3A_62], %swap3A_65 {strides = array<i32>} : memref<128x128xf32, #tpu.memory_space<vmem>>, vector<1x16xf32>,
      %swap3A_66 = arith.index_cast %scan3A_41 : i32 to index
      %swap3A_67 = arith.constant 80 : index
      %swap3A_68 = tpu.vector_load %arg9[%swap3A_66, %swap3A_67] {strides = array<i32>} : memref<128x128xf32, #tpu.memory_space<vmem>>, vector<1x16xf32>,
      %swap3A_69 = vector.shape_cast %swap3A_68 : vector<1x16xf32> to vector<16xf32>
      %swap3A_70 = vector.shape_cast %broadcast_in_dim3A_1 : vector<16xf32> to vector<1x16xf32>
      tpu.vector_store %arg9[%swap3A_66, %swap3A_67], %swap3A_70 {strides = array<i32>} : memref<128x128xf32, #tpu.memory_space<vmem>>, vector<1x16xf32>,
      %swap3A_71 = arith.index_cast %scan3A_41 : i32 to index
      %swap3A_72 = arith.constant 96 : index
      %swap3A_73 = tpu.vector_load %arg9[%swap3A_71, %swap3A_72] {strides = array<i32>} : memref<128x128xf32, #tpu.memory_space<vmem>>, vector<1x16xf32>,
      %swap3A_74 = vector.shape_cast %swap3A_73 : vector<1x16xf32> to vector<16xf32>
      %swap3A_75 = vector.shape_cast %broadcast_in_dim3A_1 : vector<16xf32> to vector<1x16xf32>
      tpu.vector_store %arg9[%swap3A_71, %swap3A_72], %swap3A_75 {strides = array<i32>} : memref<128x128xf32, #tpu.memory_space<vmem>>, vector<1x16xf32>,
      %swap3A_76 = arith.index_cast %scan3A_41 : i32 to index
      %swap3A_77 = arith.constant 112 : index
      %swap3A_78 = tpu.vector_load %arg9[%swap3A_76, %swap3A_77] {strides = array<i32>} : memref<128x128xf32, #tpu.memory_space<vmem>>, vector<1x16xf32>,
      %swap3A_79 = vector.shape_cast %swap3A_78 : vector<1x16xf32> to vector<16xf32>
      %swap3A_80 = vector.shape_cast %broadcast_in_dim3A_1 : vector<16xf32> to vector<1x16xf32>
      tpu.vector_store %arg9[%swap3A_76, %swap3A_77], %swap3A_80 {strides = array<i32>} : memref<128x128xf32, #tpu.memory_space<vmem>>, vector<1x16xf32>,
    }
    %scan3A_8 = arith.constant 128 : i32
    %add3A = arith.constant 0 : i32
    %add3A_9 = arith.addi %mul3A_0, %add3A : i32
    "tpu.region"() ({
      %run_scoped3A = tpu.sem_alloc : memref<!tpu.dma_semaphore, #tpu.memory_space<semaphore_mem>>
      %dma_start3A = arith.constant 0 : i32
      %dma_start3A_41 = tpu.memref_slice %arg5[%add3A_9, %dma_start3A] : memref<10240x128xf32, #tpu.memory_space<vmem_shared>> -> memref<128x128xf32, #tpu.memory_space<vmem_shared>>
      %dma_start3A_42 = arith.constant 0 : i32
      %dma_start3A_43 = tpu.memref_slice %arg5[%add3A_9, %dma_start3A_42] : memref<10240x128xf32, #tpu.memory_space<vmem_shared>> -> memref<128x128xf32, #tpu.memory_space<vmem_shared>>
      tpu.enqueue_dma source(%arg9 : memref<128x128xf32, #tpu.memory_space<vmem>>) target(%dma_start3A_43 : memref<128x128xf32, #tpu.memory_space<vmem_shared>>) target_semaphore(%run_scoped3A : memref<!tpu.dma_semaphore, #tpu.memory_space<semaphore_mem>>)
      %dma_wait3A = arith.constant 0 : i32
      %dma_wait3A_44 = tpu.memref_slice %arg5[%add3A_9, %dma_wait3A] : memref<10240x128xf32, #tpu.memory_space<vmem_shared>> -> memref<128x128xf32, #tpu.memory_space<vmem_shared>>
      %dma_wait3A_45 = arith.constant 0 : i32
      %dma_wait3A_46 = tpu.memref_slice %arg5[%add3A_9, %dma_wait3A_45] : memref<10240x128xf32, #tpu.memory_space<vmem_shared>> -> memref<128x128xf32, #tpu.memory_space<vmem_shared>>
      tpu.wait_dma2 semaphore(%run_scoped3A : memref<!tpu.dma_semaphore, #tpu.memory_space<semaphore_mem>>) src(%arg9 : memref<128x128xf32, #tpu.memory_space<vmem>>) dst(%dma_wait3A_46 : memref<128x128xf32, #tpu.memory_space<vmem_shared>>)
      tpu.yield
    }) : () -> ()
    %add3A_10 = arith.constant 128 : i32
    %add3A_11 = arith.addi %mul3A_0, %add3A_10 : i32
    "tpu.region"() ({
      %run_scoped3A = tpu.sem_alloc : memref<!tpu.dma_semaphore, #tpu.memory_space<semaphore_mem>>
      %dma_start3A = arith.constant 0 : i32
      %dma_start3A_41 = tpu.memref_slice %arg5[%add3A_11, %dma_start3A] : memref<10240x128xf32, #tpu.memory_space<vmem_shared>> -> memref<128x128xf32, #tpu.memory_space<vmem_shared>>
      %dma_start3A_42 = arith.constant 0 : i32
      %dma_start3A_43 = tpu.memref_slice %arg5[%add3A_11, %dma_start3A_42] : memref<10240x128xf32, #tpu.memory_space<vmem_shared>> -> memref<128x128xf32, #tpu.memory_space<vmem_shared>>
      tpu.enqueue_dma source(%arg9 : memref<128x128xf32, #tpu.memory_space<vmem>>) target(%dma_start3A_43 : memref<128x128xf32, #tpu.memory_space<vmem_shared>>) target_semaphore(%run_scoped3A : memref<!tpu.dma_semaphore, #tpu.memory_space<semaphore_mem>>)
      %dma_wait3A = arith.constant 0 : i32
      %dma_wait3A_44 = tpu.memref_slice %arg5[%add3A_11, %dma_wait3A] : memref<10240x128xf32, #tpu.memory_space<vmem_shared>> -> memref<128x128xf32, #tpu.memory_space<vmem_shared>>
      %dma_wait3A_45 = arith.constant 0 : i32
      %dma_wait3A_46 = tpu.memref_slice %arg5[%add3A_11, %dma_wait3A_45] : memref<10240x128xf32, #tpu.memory_space<vmem_shared>> -> memref<128x128xf32, #tpu.memory_space<vmem_shared>>
      tpu.wait_dma2 semaphore(%run_scoped3A : memref<!tpu.dma_semaphore, #tpu.memory_space<semaphore_mem>>) src(%arg9 : memref<128x128xf32, #tpu.memory_space<vmem>>) dst(%dma_wait3A_46 : memref<128x128xf32, #tpu.memory_space<vmem_shared>>)
      tpu.yield
    }) : () -> ()
    %add3A_12 = arith.constant 256 : i32
    %add3A_13 = arith.addi %mul3A_0, %add3A_12 : i32
    "tpu.region"() ({
      %run_scoped3A = tpu.sem_alloc : memref<!tpu.dma_semaphore, #tpu.memory_space<semaphore_mem>>
      %dma_start3A = arith.constant 0 : i32
      %dma_start3A_41 = tpu.memref_slice %arg5[%add3A_13, %dma_start3A] : memref<10240x128xf32, #tpu.memory_space<vmem_shared>> -> memref<128x128xf32, #tpu.memory_space<vmem_shared>>
      %dma_start3A_42 = arith.constant 0 : i32
      %dma_start3A_43 = tpu.memref_slice %arg5[%add3A_13, %dma_start3A_42] : memref<10240x128xf32, #tpu.memory_space<vmem_shared>> -> memref<128x128xf32, #tpu.memory_space<vmem_shared>>
      tpu.enqueue_dma source(%arg9 : memref<128x128xf32, #tpu.memory_space<vmem>>) target(%dma_start3A_43 : memref<128x128xf32, #tpu.memory_space<vmem_shared>>) target_semaphore(%run_scoped3A : memref<!tpu.dma_semaphore, #tpu.memory_space<semaphore_mem>>)
      %dma_wait3A = arith.constant 0 : i32
      %dma_wait3A_44 = tpu.memref_slice %arg5[%add3A_13, %dma_wait3A] : memref<10240x128xf32, #tpu.memory_space<vmem_shared>> -> memref<128x128xf32, #tpu.memory_space<vmem_shared>>
      %dma_wait3A_45 = arith.constant 0 : i32
      %dma_wait3A_46 = tpu.memref_slice %arg5[%add3A_13, %dma_wait3A_45] : memref<10240x128xf32, #tpu.memory_space<vmem_shared>> -> memref<128x128xf32, #tpu.memory_space<vmem_shared>>
      tpu.wait_dma2 semaphore(%run_scoped3A : memref<!tpu.dma_semaphore, #tpu.memory_space<semaphore_mem>>) src(%arg9 : memref<128x128xf32, #tpu.memory_space<vmem>>) dst(%dma_wait3A_46 : memref<128x128xf32, #tpu.memory_space<vmem_shared>>)
      tpu.yield
    }) : () -> ()
    %add3A_14 = arith.constant 384 : i32
    %add3A_15 = arith.addi %mul3A_0, %add3A_14 : i32
    "tpu.region"() ({
      %run_scoped3A = tpu.sem_alloc : memref<!tpu.dma_semaphore, #tpu.memory_space<semaphore_mem>>
      %dma_start3A = arith.constant 0 : i32
      %dma_start3A_41 = tpu.memref_slice %arg5[%add3A_15, %dma_start3A] : memref<10240x128xf32, #tpu.memory_space<vmem_shared>> -> memref<128x128xf32, #tpu.memory_space<vmem_shared>>
      %dma_start3A_42 = arith.constant 0 : i32
      %dma_start3A_43 = tpu.memref_slice %arg5[%add3A_15, %dma_start3A_42] : memref<10240x128xf32, #tpu.memory_space<vmem_shared>> -> memref<128x128xf32, #tpu.memory_space<vmem_shared>>
      tpu.enqueue_dma source(%arg9 : memref<128x128xf32, #tpu.memory_space<vmem>>) target(%dma_start3A_43 : memref<128x128xf32, #tpu.memory_space<vmem_shared>>) target_semaphore(%run_scoped3A : memref<!tpu.dma_semaphore, #tpu.memory_space<semaphore_mem>>)
      %dma_wait3A = arith.constant 0 : i32
      %dma_wait3A_44 = tpu.memref_slice %arg5[%add3A_15, %dma_wait3A] : memref<10240x128xf32, #tpu.memory_space<vmem_shared>> -> memref<128x128xf32, #tpu.memory_space<vmem_shared>>
      %dma_wait3A_45 = arith.constant 0 : i32
      %dma_wait3A_46 = tpu.memref_slice %arg5[%add3A_15, %dma_wait3A_45] : memref<10240x128xf32, #tpu.memory_space<vmem_shared>> -> memref<128x128xf32, #tpu.memory_space<vmem_shared>>
      tpu.wait_dma2 semaphore(%run_scoped3A : memref<!tpu.dma_semaphore, #tpu.memory_space<semaphore_mem>>) src(%arg9 : memref<128x128xf32, #tpu.memory_space<vmem>>) dst(%dma_wait3A_46 : memref<128x128xf32, #tpu.memory_space<vmem_shared>>)
      tpu.yield
    }) : () -> ()
    %add3A_16 = arith.constant 512 : i32
    %add3A_17 = arith.addi %mul3A_0, %add3A_16 : i32
    "tpu.region"() ({
      %run_scoped3A = tpu.sem_alloc : memref<!tpu.dma_semaphore, #tpu.memory_space<semaphore_mem>>
      %dma_start3A = arith.constant 0 : i32
      %dma_start3A_41 = tpu.memref_slice %arg5[%add3A_17, %dma_start3A] : memref<10240x128xf32, #tpu.memory_space<vmem_shared>> -> memref<128x128xf32, #tpu.memory_space<vmem_shared>>
      %dma_start3A_42 = arith.constant 0 : i32
      %dma_start3A_43 = tpu.memref_slice %arg5[%add3A_17, %dma_start3A_42] : memref<10240x128xf32, #tpu.memory_space<vmem_shared>> -> memref<128x128xf32, #tpu.memory_space<vmem_shared>>
      tpu.enqueue_dma source(%arg9 : memref<128x128xf32, #tpu.memory_space<vmem>>) target(%dma_start3A_43 : memref<128x128xf32, #tpu.memory_space<vmem_shared>>) target_semaphore(%run_scoped3A : memref<!tpu.dma_semaphore, #tpu.memory_space<semaphore_mem>>)
      %dma_wait3A = arith.constant 0 : i32
      %dma_wait3A_44 = tpu.memref_slice %arg5[%add3A_17, %dma_wait3A] : memref<10240x128xf32, #tpu.memory_space<vmem_shared>> -> memref<128x128xf32, #tpu.memory_space<vmem_shared>>
      %dma_wait3A_45 = arith.constant 0 : i32
      %dma_wait3A_46 = tpu.memref_slice %arg5[%add3A_17, %dma_wait3A_45] : memref<10240x128xf32, #tpu.memory_space<vmem_shared>> -> memref<128x128xf32, #tpu.memory_space<vmem_shared>>
      tpu.wait_dma2 semaphore(%run_scoped3A : memref<!tpu.dma_semaphore, #tpu.memory_space<semaphore_mem>>) src(%arg9 : memref<128x128xf32, #tpu.memory_space<vmem>>) dst(%dma_wait3A_46 : memref<128x128xf32, #tpu.memory_space<vmem_shared>>)
      tpu.yield
    }) : () -> ()
    %barrier3A = arith.constant 0 : index
    tpu.barrier barrier_id(%barrier3A)
    %scan3A_18 = arith.constant 0 : i32
    %scan3A_19 = arith.constant 0 : i32
    %scan3A_20 = arith.constant 128 : i32
    %scan3A_21 = arith.addi %scan3A_19, %scan3A_20 : i32
    %scan3A_22 = arith.constant 1 : i32
    scf.for %scan3A_41 = %scan3A_19 to %scan3A_21 step %scan3A_22  : i32 {
      %swap3A = arith.index_cast %scan3A_41 : i32 to index
      %swap3A_42 = arith.constant 0 : index
      %swap3A_43 = tpu.vector_load %arg9[%swap3A, %swap3A_42] {strides = array<i32>} : memref<128x128xf32, #tpu.memory_space<vmem>>, vector<1x16xf32>,
      %swap3A_44 = vector.shape_cast %swap3A_43 : vector<1x16xf32> to vector<16xf32>
      %swap3A_45 = vector.shape_cast %broadcast_in_dim3A_3 : vector<16xf32> to vector<1x16xf32>
      tpu.vector_store %arg9[%swap3A, %swap3A_42], %swap3A_45 {strides = array<i32>} : memref<128x128xf32, #tpu.memory_space<vmem>>, vector<1x16xf32>,
      %swap3A_46 = arith.index_cast %scan3A_41 : i32 to index
      %swap3A_47 = arith.constant 16 : index
      %swap3A_48 = tpu.vector_load %arg9[%swap3A_46, %swap3A_47] {strides = array<i32>} : memref<128x128xf32, #tpu.memory_space<vmem>>, vector<1x16xf32>,
      %swap3A_49 = vector.shape_cast %swap3A_48 : vector<1x16xf32> to vector<16xf32>
      %swap3A_50 = vector.shape_cast %broadcast_in_dim3A_3 : vector<16xf32> to vector<1x16xf32>
      tpu.vector_store %arg9[%swap3A_46, %swap3A_47], %swap3A_50 {strides = array<i32>} : memref<128x128xf32, #tpu.memory_space<vmem>>, vector<1x16xf32>,
      %swap3A_51 = arith.index_cast %scan3A_41 : i32 to index
      %swap3A_52 = arith.constant 32 : index
      %swap3A_53 = tpu.vector_load %arg9[%swap3A_51, %swap3A_52] {strides = array<i32>} : memref<128x128xf32, #tpu.memory_space<vmem>>, vector<1x16xf32>,
      %swap3A_54 = vector.shape_cast %swap3A_53 : vector<1x16xf32> to vector<16xf32>
      %swap3A_55 = vector.shape_cast %broadcast_in_dim3A_3 : vector<16xf32> to vector<1x16xf32>
      tpu.vector_store %arg9[%swap3A_51, %swap3A_52], %swap3A_55 {strides = array<i32>} : memref<128x128xf32, #tpu.memory_space<vmem>>, vector<1x16xf32>,
      %swap3A_56 = arith.index_cast %scan3A_41 : i32 to index
      %swap3A_57 = arith.constant 48 : index
      %swap3A_58 = tpu.vector_load %arg9[%swap3A_56, %swap3A_57] {strides = array<i32>} : memref<128x128xf32, #tpu.memory_space<vmem>>, vector<1x16xf32>,
      %swap3A_59 = vector.shape_cast %swap3A_58 : vector<1x16xf32> to vector<16xf32>
      %swap3A_60 = vector.shape_cast %broadcast_in_dim3A_3 : vector<16xf32> to vector<1x16xf32>
      tpu.vector_store %arg9[%swap3A_56, %swap3A_57], %swap3A_60 {strides = array<i32>} : memref<128x128xf32, #tpu.memory_space<vmem>>, vector<1x16xf32>,
      %swap3A_61 = arith.index_cast %scan3A_41 : i32 to index
      %swap3A_62 = arith.constant 64 : index
      %swap3A_63 = tpu.vector_load %arg9[%swap3A_61, %swap3A_62] {strides = array<i32>} : memref<128x128xf32, #tpu.memory_space<vmem>>, vector<1x16xf32>,
      %swap3A_64 = vector.shape_cast %swap3A_63 : vector<1x16xf32> to vector<16xf32>
      %swap3A_65 = vector.shape_cast %broadcast_in_dim3A_3 : vector<16xf32> to vector<1x16xf32>
      tpu.vector_store %arg9[%swap3A_61, %swap3A_62], %swap3A_65 {strides = array<i32>} : memref<128x128xf32, #tpu.memory_space<vmem>>, vector<1x16xf32>,
      %swap3A_66 = arith.index_cast %scan3A_41 : i32 to index
      %swap3A_67 = arith.constant 80 : index
      %swap3A_68 = tpu.vector_load %arg9[%swap3A_66, %swap3A_67] {strides = array<i32>} : memref<128x128xf32, #tpu.memory_space<vmem>>, vector<1x16xf32>,
      %swap3A_69 = vector.shape_cast %swap3A_68 : vector<1x16xf32> to vector<16xf32>
      %swap3A_70 = vector.shape_cast %broadcast_in_dim3A_3 : vector<16xf32> to vector<1x16xf32>
      tpu.vector_store %arg9[%swap3A_66, %swap3A_67], %swap3A_70 {strides = array<i32>} : memref<128x128xf32, #tpu.memory_space<vmem>>, vector<1x16xf32>,
      %swap3A_71 = arith.index_cast %scan3A_41 : i32 to index
      %swap3A_72 = arith.constant 96 : index
      %swap3A_73 = tpu.vector_load %arg9[%swap3A_71, %swap3A_72] {strides = array<i32>} : memref<128x128xf32, #tpu.memory_space<vmem>>, vector<1x16xf32>,
      %swap3A_74 = vector.shape_cast %swap3A_73 : vector<1x16xf32> to vector<16xf32>
      %swap3A_75 = vector.shape_cast %broadcast_in_dim3A_3 : vector<16xf32> to vector<1x16xf32>
      tpu.vector_store %arg9[%swap3A_71, %swap3A_72], %swap3A_75 {strides = array<i32>} : memref<128x128xf32, #tpu.memory_space<vmem>>, vector<1x16xf32>,
      %swap3A_76 = arith.index_cast %scan3A_41 : i32 to index
      %swap3A_77 = arith.constant 112 : index
      %swap3A_78 = tpu.vector_load %arg9[%swap3A_76, %swap3A_77] {strides = array<i32>} : memref<128x128xf32, #tpu.memory_space<vmem>>, vector<1x16xf32>,
      %swap3A_79 = vector.shape_cast %swap3A_78 : vector<1x16xf32> to vector<16xf32>
      %swap3A_80 = vector.shape_cast %broadcast_in_dim3A_3 : vector<16xf32> to vector<1x16xf32>
      tpu.vector_store %arg9[%swap3A_76, %swap3A_77], %swap3A_80 {strides = array<i32>} : memref<128x128xf32, #tpu.memory_space<vmem>>, vector<1x16xf32>,
    }
    %scan3A_23 = arith.constant 128 : i32
    %iota3A = tpu.iota {dimensions = array<i32: 0>} : vector<16xi32>
    %mul3A_24 = arith.constant 8 : i32
    %mul3A_25 = arith.muli %arg1, %mul3A_24 : i32
    %add3A_26 = arith.constant 10000 : i32
    %add3A_27 = arith.addi %add3A_26, %mul3A_25 : i32
    %and3A = arith.constant 7 : i32
    %and3A_28 = vector.broadcast %and3A : i32 to vector<16xi32>
    %and3A_29 = arith.andi %iota3A, %and3A_28 : vector<16xi32>
    %add3A_30 = vector.broadcast %add3A_27 : i32 to vector<16xi32>
    %add3A_31 = arith.addi %add3A_30, %and3A_29 : vector<16xi32>
    %mul3A_32 = arith.constant 20096 : i32
    %mul3A_33 = arith.muli %arg1, %mul3A_32 : i32
    %scan3A_34 = arith.constant 0 : i32
    %scan3A_35 = arith.constant 0 : i32
    %scan3A_36 = arith.constant 157 : i32
    %scan3A_37 = arith.addi %scan3A_35, %scan3A_36 : i32
    %scan3A_38 = arith.constant 1 : i32
    scf.for %scan3A_41 = %scan3A_35 to %scan3A_37 step %scan3A_38  : i32 {
      %mul3A_42 = arith.constant 128 : i32
      %mul3A_43 = arith.muli %scan3A_41, %mul3A_42 : i32
      %add3A_44 = arith.addi %mul3A_33, %mul3A_43 : i32
      %run_scoped3A = arith.constant 0 : i32
      "tpu.region"() ({
        %run_scoped3A_195 = tpu.sem_alloc : memref<!tpu.dma_semaphore, #tpu.memory_space<semaphore_mem>>
        %dma_start3A = arith.constant 0 : i32
        %dma_start3A_196 = tpu.memref_slice %arg6[%run_scoped3A, %dma_start3A] : memref<1x128xi32, #tpu.memory_space<vmem>> -> memref<1x128xi32, #tpu.memory_space<vmem>>
        %dma_start3A_197 = tpu.memref_squeeze %dma_start3A_196 : memref<1x128xi32, #tpu.memory_space<vmem>> -> memref<128xi32, #tpu.memory_space<vmem>>
        %dma_start3A_198 = tpu.memref_slice %arg2[%add3A_44] : memref<321536xi32, #tpu.memory_space<hbm>> -> memref<128xi32, #tpu.memory_space<hbm>>
        %dma_start3A_199 = arith.constant 0 : i32
        %dma_start3A_200 = tpu.memref_slice %arg6[%run_scoped3A, %dma_start3A_199] : memref<1x128xi32, #tpu.memory_space<vmem>> -> memref<1x128xi32, #tpu.memory_space<vmem>>
        %dma_start3A_201 = tpu.memref_squeeze %dma_start3A_200 : memref<1x128xi32, #tpu.memory_space<vmem>> -> memref<128xi32, #tpu.memory_space<vmem>>
        %dma_start3A_202 = tpu.memref_slice %arg2[%add3A_44] : memref<321536xi32, #tpu.memory_space<hbm>> -> memref<128xi32, #tpu.memory_space<hbm>>
        tpu.enqueue_dma source(%dma_start3A_202 : memref<128xi32, #tpu.memory_space<hbm>>) target(%dma_start3A_201 : memref<128xi32, #tpu.memory_space<vmem>>) target_semaphore(%run_scoped3A_195 : memref<!tpu.dma_semaphore, #tpu.memory_space<semaphore_mem>>)
        %dma_wait3A = arith.constant 0 : i32
        %dma_wait3A_203 = tpu.memref_slice %arg6[%run_scoped3A, %dma_wait3A] : memref<1x128xi32, #tpu.memory_space<vmem>> -> memref<1x128xi32, #tpu.memory_space<vmem>>
        %dma_wait3A_204 = tpu.memref_squeeze %dma_wait3A_203 : memref<1x128xi32, #tpu.memory_space<vmem>> -> memref<128xi32, #tpu.memory_space<vmem>>
        %dma_wait3A_205 = tpu.memref_slice %arg2[%add3A_44] : memref<321536xi32, #tpu.memory_space<hbm>> -> memref<128xi32, #tpu.memory_space<hbm>>
        %dma_wait3A_206 = arith.constant 0 : i32
        %dma_wait3A_207 = tpu.memref_slice %arg6[%run_scoped3A, %dma_wait3A_206] : memref<1x128xi32, #tpu.memory_space<vmem>> -> memref<1x128xi32, #tpu.memory_space<vmem>>
        %dma_wait3A_208 = tpu.memref_squeeze %dma_wait3A_207 : memref<1x128xi32, #tpu.memory_space<vmem>> -> memref<128xi32, #tpu.memory_space<vmem>>
        %dma_wait3A_209 = tpu.memref_slice %arg2[%add3A_44] : memref<321536xi32, #tpu.memory_space<hbm>> -> memref<128xi32, #tpu.memory_space<hbm>>
        tpu.wait_dma2 semaphore(%run_scoped3A_195 : memref<!tpu.dma_semaphore, #tpu.memory_space<semaphore_mem>>) src(%dma_wait3A_209 : memref<128xi32, #tpu.memory_space<hbm>>) dst(%dma_wait3A_208 : memref<128xi32, #tpu.memory_space<vmem>>)
        tpu.yield
      }) : () -> ()
      %run_scoped3A_45 = arith.constant 0 : i32
      "tpu.region"() ({
        %run_scoped3A_195 = tpu.sem_alloc : memref<!tpu.dma_semaphore, #tpu.memory_space<semaphore_mem>>
        %dma_start3A = arith.constant 0 : i32
        %dma_start3A_196 = tpu.memref_slice %arg7[%run_scoped3A_45, %dma_start3A] : memref<1x128xi32, #tpu.memory_space<vmem>> -> memref<1x128xi32, #tpu.memory_space<vmem>>
        %dma_start3A_197 = tpu.memref_squeeze %dma_start3A_196 : memref<1x128xi32, #tpu.memory_space<vmem>> -> memref<128xi32, #tpu.memory_space<vmem>>
        %dma_start3A_198 = tpu.memref_slice %arg3[%add3A_44] : memref<321536xi32, #tpu.memory_space<hbm>> -> memref<128xi32, #tpu.memory_space<hbm>>
        %dma_start3A_199 = arith.constant 0 : i32
        %dma_start3A_200 = tpu.memref_slice %arg7[%run_scoped3A_45, %dma_start3A_199] : memref<1x128xi32, #tpu.memory_space<vmem>> -> memref<1x128xi32, #tpu.memory_space<vmem>>
        %dma_start3A_201 = tpu.memref_squeeze %dma_start3A_200 : memref<1x128xi32, #tpu.memory_space<vmem>> -> memref<128xi32, #tpu.memory_space<vmem>>
        %dma_start3A_202 = tpu.memref_slice %arg3[%add3A_44] : memref<321536xi32, #tpu.memory_space<hbm>> -> memref<128xi32, #tpu.memory_space<hbm>>
        tpu.enqueue_dma source(%dma_start3A_202 : memref<128xi32, #tpu.memory_space<hbm>>) target(%dma_start3A_201 : memref<128xi32, #tpu.memory_space<vmem>>) target_semaphore(%run_scoped3A_195 : memref<!tpu.dma_semaphore, #tpu.memory_space<semaphore_mem>>)
        %dma_wait3A = arith.constant 0 : i32
        %dma_wait3A_203 = tpu.memref_slice %arg7[%run_scoped3A_45, %dma_wait3A] : memref<1x128xi32, #tpu.memory_space<vmem>> -> memref<1x128xi32, #tpu.memory_space<vmem>>
        %dma_wait3A_204 = tpu.memref_squeeze %dma_wait3A_203 : memref<1x128xi32, #tpu.memory_space<vmem>> -> memref<128xi32, #tpu.memory_space<vmem>>
        %dma_wait3A_205 = tpu.memref_slice %arg3[%add3A_44] : memref<321536xi32, #tpu.memory_space<hbm>> -> memref<128xi32, #tpu.memory_space<hbm>>
        %dma_wait3A_206 = arith.constant 0 : i32
        %dma_wait3A_207 = tpu.memref_slice %arg7[%run_scoped3A_45, %dma_wait3A_206] : memref<1x128xi32, #tpu.memory_space<vmem>> -> memref<1x128xi32, #tpu.memory_space<vmem>>
        %dma_wait3A_208 = tpu.memref_squeeze %dma_wait3A_207 : memref<1x128xi32, #tpu.memory_space<vmem>> -> memref<128xi32, #tpu.memory_space<vmem>>
        %dma_wait3A_209 = tpu.memref_slice %arg3[%add3A_44] : memref<321536xi32, #tpu.memory_space<hbm>> -> memref<128xi32, #tpu.memory_space<hbm>>
        tpu.wait_dma2 semaphore(%run_scoped3A_195 : memref<!tpu.dma_semaphore, #tpu.memory_space<semaphore_mem>>) src(%dma_wait3A_209 : memref<128xi32, #tpu.memory_space<hbm>>) dst(%dma_wait3A_208 : memref<128xi32, #tpu.memory_space<vmem>>)
        tpu.yield
      }) : () -> ()
      %get3A = arith.constant 0 : i32
      %get3A_46 = arith.index_cast %get3A : i32 to index
      %get3A_47 = arith.constant 0 : index
      %get3A_48 = tpu.vector_load %arg7[%get3A_46, %get3A_47] {strides = array<i32>} : memref<1x128xi32, #tpu.memory_space<vmem>>, vector<1x16xi32>,
      %get3A_49 = vector.shape_cast %get3A_48 : vector<1x16xi32> to vector<16xi32>
      %get3A_50 = arith.constant 0 : i32
      %get3A_51 = arith.index_cast %get3A_50 : i32 to index
      %get3A_52 = arith.constant 0 : index
      %get3A_53 = tpu.vector_load %arg6[%get3A_51, %get3A_52] {strides = array<i32>} : memref<1x128xi32, #tpu.memory_space<vmem>>, vector<1x16xi32>,
      %get3A_54 = vector.shape_cast %get3A_53 : vector<1x16xi32> to vector<16xi32>
      %eq3A = vector.broadcast %arg0 : i32 to vector<16xi32>
      %eq3A_55 = arith.cmpi eq, %get3A_49, %eq3A : vector<16xi32>
      %select_n3A = arith.select %eq3A_55, %get3A_54, %add3A_31 : vector<16xi1>, vector<16xi32>
      %swap3A = arith.constant 0 : i32
      %swap3A_56 = arith.index_cast %swap3A : i32 to index
      %swap3A_57 = arith.constant 0 : index
      %swap3A_58 = tpu.vector_load %arg8[%swap3A_56, %swap3A_57] {strides = array<i32>} : memref<1x128xi32, #tpu.memory_space<vmem>>, vector<1x16xi32>,
      %swap3A_59 = vector.shape_cast %swap3A_58 : vector<1x16xi32> to vector<16xi32>
      %swap3A_60 = vector.shape_cast %select_n3A : vector<16xi32> to vector<1x16xi32>
      tpu.vector_store %arg8[%swap3A_56, %swap3A_57], %swap3A_60 {strides = array<i32>} : memref<1x128xi32, #tpu.memory_space<vmem>>, vector<1x16xi32>,
      %get3A_61 = arith.constant 0 : i32
      %get3A_62 = arith.index_cast %get3A_61 : i32 to index
      %get3A_63 = arith.constant 16 : index
      %get3A_64 = tpu.vector_load %arg7[%get3A_62, %get3A_63] {strides = array<i32>} : memref<1x128xi32, #tpu.memory_space<vmem>>, vector<1x16xi32>,
      %get3A_65 = vector.shape_cast %get3A_64 : vector<1x16xi32> to vector<16xi32>
      %get3A_66 = arith.constant 0 : i32
      %get3A_67 = arith.index_cast %get3A_66 : i32 to index
      %get3A_68 = arith.constant 16 : index
      %get3A_69 = tpu.vector_load %arg6[%get3A_67, %get3A_68] {strides = array<i32>} : memref<1x128xi32, #tpu.memory_space<vmem>>, vector<1x16xi32>,
      %get3A_70 = vector.shape_cast %get3A_69 : vector<1x16xi32> to vector<16xi32>
      %eq3A_71 = vector.broadcast %arg0 : i32 to vector<16xi32>
      %eq3A_72 = arith.cmpi eq, %get3A_65, %eq3A_71 : vector<16xi32>
      %select_n3A_73 = arith.select %eq3A_72, %get3A_70, %add3A_31 : vector<16xi1>, vector<16xi32>
      %swap3A_74 = arith.constant 0 : i32
      %swap3A_75 = arith.index_cast %swap3A_74 : i32 to index
      %swap3A_76 = arith.constant 16 : index
      %swap3A_77 = tpu.vector_load %arg8[%swap3A_75, %swap3A_76] {strides = array<i32>} : memref<1x128xi32, #tpu.memory_space<vmem>>, vector<1x16xi32>,
      %swap3A_78 = vector.shape_cast %swap3A_77 : vector<1x16xi32> to vector<16xi32>
      %swap3A_79 = vector.shape_cast %select_n3A_73 : vector<16xi32> to vector<1x16xi32>
      tpu.vector_store %arg8[%swap3A_75, %swap3A_76], %swap3A_79 {strides = array<i32>} : memref<1x128xi32, #tpu.memory_space<vmem>>, vector<1x16xi32>,
      %get3A_80 = arith.constant 0 : i32
      %get3A_81 = arith.index_cast %get3A_80 : i32 to index
      %get3A_82 = arith.constant 32 : index
      %get3A_83 = tpu.vector_load %arg7[%get3A_81, %get3A_82] {strides = array<i32>} : memref<1x128xi32, #tpu.memory_space<vmem>>, vector<1x16xi32>,
      %get3A_84 = vector.shape_cast %get3A_83 : vector<1x16xi32> to vector<16xi32>
      %get3A_85 = arith.constant 0 : i32
      %get3A_86 = arith.index_cast %get3A_85 : i32 to index
      %get3A_87 = arith.constant 32 : index
      %get3A_88 = tpu.vector_load %arg6[%get3A_86, %get3A_87] {strides = array<i32>} : memref<1x128xi32, #tpu.memory_space<vmem>>, vector<1x16xi32>,
      %get3A_89 = vector.shape_cast %get3A_88 : vector<1x16xi32> to vector<16xi32>
      %eq3A_90 = vector.broadcast %arg0 : i32 to vector<16xi32>
      %eq3A_91 = arith.cmpi eq, %get3A_84, %eq3A_90 : vector<16xi32>
      %select_n3A_92 = arith.select %eq3A_91, %get3A_89, %add3A_31 : vector<16xi1>, vector<16xi32>
      %swap3A_93 = arith.constant 0 : i32
      %swap3A_94 = arith.index_cast %swap3A_93 : i32 to index
      %swap3A_95 = arith.constant 32 : index
      %swap3A_96 = tpu.vector_load %arg8[%swap3A_94, %swap3A_95] {strides = array<i32>} : memref<1x128xi32, #tpu.memory_space<vmem>>, vector<1x16xi32>,
      %swap3A_97 = vector.shape_cast %swap3A_96 : vector<1x16xi32> to vector<16xi32>
      %swap3A_98 = vector.shape_cast %select_n3A_92 : vector<16xi32> to vector<1x16xi32>
      tpu.vector_store %arg8[%swap3A_94, %swap3A_95], %swap3A_98 {strides = array<i32>} : memref<1x128xi32, #tpu.memory_space<vmem>>, vector<1x16xi32>,
      %get3A_99 = arith.constant 0 : i32
      %get3A_100 = arith.index_cast %get3A_99 : i32 to index
      %get3A_101 = arith.constant 48 : index
      %get3A_102 = tpu.vector_load %arg7[%get3A_100, %get3A_101] {strides = array<i32>} : memref<1x128xi32, #tpu.memory_space<vmem>>, vector<1x16xi32>,
      %get3A_103 = vector.shape_cast %get3A_102 : vector<1x16xi32> to vector<16xi32>
      %get3A_104 = arith.constant 0 : i32
      %get3A_105 = arith.index_cast %get3A_104 : i32 to index
      %get3A_106 = arith.constant 48 : index
      %get3A_107 = tpu.vector_load %arg6[%get3A_105, %get3A_106] {strides = array<i32>} : memref<1x128xi32, #tpu.memory_space<vmem>>, vector<1x16xi32>,
      %get3A_108 = vector.shape_cast %get3A_107 : vector<1x16xi32> to vector<16xi32>
      %eq3A_109 = vector.broadcast %arg0 : i32 to vector<16xi32>
      %eq3A_110 = arith.cmpi eq, %get3A_103, %eq3A_109 : vector<16xi32>
      %select_n3A_111 = arith.select %eq3A_110, %get3A_108, %add3A_31 : vector<16xi1>, vector<16xi32>
      %swap3A_112 = arith.constant 0 : i32
      %swap3A_113 = arith.index_cast %swap3A_112 : i32 to index
      %swap3A_114 = arith.constant 48 : index
      %swap3A_115 = tpu.vector_load %arg8[%swap3A_113, %swap3A_114] {strides = array<i32>} : memref<1x128xi32, #tpu.memory_space<vmem>>, vector<1x16xi32>,
      %swap3A_116 = vector.shape_cast %swap3A_115 : vector<1x16xi32> to vector<16xi32>
      %swap3A_117 = vector.shape_cast %select_n3A_111 : vector<16xi32> to vector<1x16xi32>
      tpu.vector_store %arg8[%swap3A_113, %swap3A_114], %swap3A_117 {strides = array<i32>} : memref<1x128xi32, #tpu.memory_space<vmem>>, vector<1x16xi32>,
      %get3A_118 = arith.constant 0 : i32
      %get3A_119 = arith.index_cast %get3A_118 : i32 to index
      %get3A_120 = arith.constant 64 : index
      %get3A_121 = tpu.vector_load %arg7[%get3A_119, %get3A_120] {strides = array<i32>} : memref<1x128xi32, #tpu.memory_space<vmem>>, vector<1x16xi32>,
      %get3A_122 = vector.shape_cast %get3A_121 : vector<1x16xi32> to vector<16xi32>
      %get3A_123 = arith.constant 0 : i32
      %get3A_124 = arith.index_cast %get3A_123 : i32 to index
      %get3A_125 = arith.constant 64 : index
      %get3A_126 = tpu.vector_load %arg6[%get3A_124, %get3A_125] {strides = array<i32>} : memref<1x128xi32, #tpu.memory_space<vmem>>, vector<1x16xi32>,
      %get3A_127 = vector.shape_cast %get3A_126 : vector<1x16xi32> to vector<16xi32>
      %eq3A_128 = vector.broadcast %arg0 : i32 to vector<16xi32>
      %eq3A_129 = arith.cmpi eq, %get3A_122, %eq3A_128 : vector<16xi32>
      %select_n3A_130 = arith.select %eq3A_129, %get3A_127, %add3A_31 : vector<16xi1>, vector<16xi32>
      %swap3A_131 = arith.constant 0 : i32
      %swap3A_132 = arith.index_cast %swap3A_131 : i32 to index
      %swap3A_133 = arith.constant 64 : index
      %swap3A_134 = tpu.vector_load %arg8[%swap3A_132, %swap3A_133] {strides = array<i32>} : memref<1x128xi32, #tpu.memory_space<vmem>>, vector<1x16xi32>,
      %swap3A_135 = vector.shape_cast %swap3A_134 : vector<1x16xi32> to vector<16xi32>
      %swap3A_136 = vector.shape_cast %select_n3A_130 : vector<16xi32> to vector<1x16xi32>
      tpu.vector_store %arg8[%swap3A_132, %swap3A_133], %swap3A_136 {strides = array<i32>} : memref<1x128xi32, #tpu.memory_space<vmem>>, vector<1x16xi32>,
      %get3A_137 = arith.constant 0 : i32
      %get3A_138 = arith.index_cast %get3A_137 : i32 to index
      %get3A_139 = arith.constant 80 : index
      %get3A_140 = tpu.vector_load %arg7[%get3A_138, %get3A_139] {strides = array<i32>} : memref<1x128xi32, #tpu.memory_space<vmem>>, vector<1x16xi32>,
      %get3A_141 = vector.shape_cast %get3A_140 : vector<1x16xi32> to vector<16xi32>
      %get3A_142 = arith.constant 0 : i32
      %get3A_143 = arith.index_cast %get3A_142 : i32 to index
      %get3A_144 = arith.constant 80 : index
      %get3A_145 = tpu.vector_load %arg6[%get3A_143, %get3A_144] {strides = array<i32>} : memref<1x128xi32, #tpu.memory_space<vmem>>, vector<1x16xi32>,
      %get3A_146 = vector.shape_cast %get3A_145 : vector<1x16xi32> to vector<16xi32>
      %eq3A_147 = vector.broadcast %arg0 : i32 to vector<16xi32>
      %eq3A_148 = arith.cmpi eq, %get3A_141, %eq3A_147 : vector<16xi32>
      %select_n3A_149 = arith.select %eq3A_148, %get3A_146, %add3A_31 : vector<16xi1>, vector<16xi32>
      %swap3A_150 = arith.constant 0 : i32
      %swap3A_151 = arith.index_cast %swap3A_150 : i32 to index
      %swap3A_152 = arith.constant 80 : index
      %swap3A_153 = tpu.vector_load %arg8[%swap3A_151, %swap3A_152] {strides = array<i32>} : memref<1x128xi32, #tpu.memory_space<vmem>>, vector<1x16xi32>,
      %swap3A_154 = vector.shape_cast %swap3A_153 : vector<1x16xi32> to vector<16xi32>
      %swap3A_155 = vector.shape_cast %select_n3A_149 : vector<16xi32> to vector<1x16xi32>
      tpu.vector_store %arg8[%swap3A_151, %swap3A_152], %swap3A_155 {strides = array<i32>} : memref<1x128xi32, #tpu.memory_space<vmem>>, vector<1x16xi32>,
      %get3A_156 = arith.constant 0 : i32
      %get3A_157 = arith.index_cast %get3A_156 : i32 to index
      %get3A_158 = arith.constant 96 : index
      %get3A_159 = tpu.vector_load %arg7[%get3A_157, %get3A_158] {strides = array<i32>} : memref<1x128xi32, #tpu.memory_space<vmem>>, vector<1x16xi32>,
      %get3A_160 = vector.shape_cast %get3A_159 : vector<1x16xi32> to vector<16xi32>
      %get3A_161 = arith.constant 0 : i32
      %get3A_162 = arith.index_cast %get3A_161 : i32 to index
      %get3A_163 = arith.constant 96 : index
      %get3A_164 = tpu.vector_load %arg6[%get3A_162, %get3A_163] {strides = array<i32>} : memref<1x128xi32, #tpu.memory_space<vmem>>, vector<1x16xi32>,
      %get3A_165 = vector.shape_cast %get3A_164 : vector<1x16xi32> to vector<16xi32>
      %eq3A_166 = vector.broadcast %arg0 : i32 to vector<16xi32>
      %eq3A_167 = arith.cmpi eq, %get3A_160, %eq3A_166 : vector<16xi32>
      %select_n3A_168 = arith.select %eq3A_167, %get3A_165, %add3A_31 : vector<16xi1>, vector<16xi32>
      %swap3A_169 = arith.constant 0 : i32
      %swap3A_170 = arith.index_cast %swap3A_169 : i32 to index
      %swap3A_171 = arith.constant 96 : index
      %swap3A_172 = tpu.vector_load %arg8[%swap3A_170, %swap3A_171] {strides = array<i32>} : memref<1x128xi32, #tpu.memory_space<vmem>>, vector<1x16xi32>,
      %swap3A_173 = vector.shape_cast %swap3A_172 : vector<1x16xi32> to vector<16xi32>
      %swap3A_174 = vector.shape_cast %select_n3A_168 : vector<16xi32> to vector<1x16xi32>
      tpu.vector_store %arg8[%swap3A_170, %swap3A_171], %swap3A_174 {strides = array<i32>} : memref<1x128xi32, #tpu.memory_space<vmem>>, vector<1x16xi32>,
      %get3A_175 = arith.constant 0 : i32
      %get3A_176 = arith.index_cast %get3A_175 : i32 to index
      %get3A_177 = arith.constant 112 : index
      %get3A_178 = tpu.vector_load %arg7[%get3A_176, %get3A_177] {strides = array<i32>} : memref<1x128xi32, #tpu.memory_space<vmem>>, vector<1x16xi32>,
      %get3A_179 = vector.shape_cast %get3A_178 : vector<1x16xi32> to vector<16xi32>
      %get3A_180 = arith.constant 0 : i32
      %get3A_181 = arith.index_cast %get3A_180 : i32 to index
      %get3A_182 = arith.constant 112 : index
      %get3A_183 = tpu.vector_load %arg6[%get3A_181, %get3A_182] {strides = array<i32>} : memref<1x128xi32, #tpu.memory_space<vmem>>, vector<1x16xi32>,
      %get3A_184 = vector.shape_cast %get3A_183 : vector<1x16xi32> to vector<16xi32>
      %eq3A_185 = vector.broadcast %arg0 : i32 to vector<16xi32>
      %eq3A_186 = arith.cmpi eq, %get3A_179, %eq3A_185 : vector<16xi32>
      %select_n3A_187 = arith.select %eq3A_186, %get3A_184, %add3A_31 : vector<16xi1>, vector<16xi32>
      %swap3A_188 = arith.constant 0 : i32
      %swap3A_189 = arith.index_cast %swap3A_188 : i32 to index
      %swap3A_190 = arith.constant 112 : index
      %swap3A_191 = tpu.vector_load %arg8[%swap3A_189, %swap3A_190] {strides = array<i32>} : memref<1x128xi32, #tpu.memory_space<vmem>>, vector<1x16xi32>,
      %swap3A_192 = vector.shape_cast %swap3A_191 : vector<1x16xi32> to vector<16xi32>
      %swap3A_193 = vector.shape_cast %select_n3A_187 : vector<16xi32> to vector<1x16xi32>
      tpu.vector_store %arg8[%swap3A_189, %swap3A_190], %swap3A_193 {strides = array<i32>} : memref<1x128xi32, #tpu.memory_space<vmem>>, vector<1x16xi32>,
      %run_scoped3A_194 = arith.constant 0 : i32
      "tpu.region"() ({
        %run_scoped3A_195 = tpu.sem_alloc : memref<!tpu.dma_semaphore, #tpu.memory_space<semaphore_mem>>
        %dma_start3A = arith.constant 0 : i32
        %dma_start3A_196 = tpu.memref_slice %arg8[%run_scoped3A_194, %dma_start3A] : memref<1x128xi32, #tpu.memory_space<vmem>> -> memref<1x128xi32, #tpu.memory_space<vmem>>
        %dma_start3A_197 = tpu.memref_squeeze %dma_start3A_196 : memref<1x128xi32, #tpu.memory_space<vmem>> -> memref<128xi32, #tpu.memory_space<vmem>>
        %dma_start3A_198 = arith.constant 0 : i32
        %dma_start3A_199 = arith.constant 0 : i32
        %dma_start3A_200 = tpu.memref_slice %arg5[%dma_start3A_198, %dma_start3A_199] : memref<10240x128xf32, #tpu.memory_space<vmem_shared>> -> memref<10240x128xf32, #tpu.memory_space<vmem_shared>>
        tpu.enqueue_indirect_dma source(%arg9 : memref<128x128xf32, #tpu.memory_space<vmem>>) target(%dma_start3A_200 : memref<10240x128xf32, #tpu.memory_space<vmem_shared>>) offsets(%dma_start3A_197 : memref<128xi32, #tpu.memory_space<vmem>>) semaphore(%run_scoped3A_195 : memref<!tpu.dma_semaphore, #tpu.memory_space<semaphore_mem>>) {add = true}
        %dma_wait3A = arith.constant 0 : i32
        %dma_wait3A_201 = tpu.memref_slice %arg8[%run_scoped3A_194, %dma_wait3A] : memref<1x128xi32, #tpu.memory_space<vmem>> -> memref<1x128xi32, #tpu.memory_space<vmem>>
        %dma_wait3A_202 = tpu.memref_squeeze %dma_wait3A_201 : memref<1x128xi32, #tpu.memory_space<vmem>> -> memref<128xi32, #tpu.memory_space<vmem>>
        %dma_wait3A_203 = arith.constant 0 : i32
        %dma_wait3A_204 = arith.constant 0 : i32
        %dma_wait3A_205 = tpu.memref_slice %arg5[%dma_wait3A_203, %dma_wait3A_204] : memref<10240x128xf32, #tpu.memory_space<vmem_shared>> -> memref<10240x128xf32, #tpu.memory_space<vmem_shared>>
        tpu.wait_indirect_dma semaphore(%run_scoped3A_195 : memref<!tpu.dma_semaphore, #tpu.memory_space<semaphore_mem>>) src(%arg9 : memref<128x128xf32, #tpu.memory_space<vmem>>) dst(%dma_wait3A_205 : memref<10240x128xf32, #tpu.memory_space<vmem_shared>>)
        tpu.yield
      }) : () -> ()
    }
    %scan3A_39 = arith.constant 157 : i32
    %barrier3A_40 = arith.constant 0 : index
    tpu.barrier barrier_id(%barrier3A_40)
    "tpu.region"() ({
      %run_scoped3A = tpu.sem_alloc : memref<!tpu.dma_semaphore, #tpu.memory_space<semaphore_mem>>
      %dma_start3A = arith.constant 0 : i32
      %dma_start3A_41 = tpu.memref_slice %arg4[%arg0, %mul3A_0, %dma_start3A] : memref<2x10240x128xf32, #tpu.memory_space<hbm>> -> memref<1x640x128xf32, #tpu.memory_space<hbm>>
      %dma_start3A_42 = tpu.memref_squeeze %dma_start3A_41 : memref<1x640x128xf32, #tpu.memory_space<hbm>> -> memref<640x128xf32, #tpu.memory_space<hbm>>
      %dma_start3A_43 = arith.constant 0 : i32
      %dma_start3A_44 = tpu.memref_slice %arg5[%mul3A_0, %dma_start3A_43] : memref<10240x128xf32, #tpu.memory_space<vmem_shared>> -> memref<640x128xf32, #tpu.memory_space<vmem_shared>>
      tpu.enqueue_dma source(%dma_start3A_44 : memref<640x128xf32, #tpu.memory_space<vmem_shared>>) target(%dma_start3A_42 : memref<640x128xf32, #tpu.memory_space<hbm>>) target_semaphore(%run_scoped3A : memref<!tpu.dma_semaphore, #tpu.memory_space<semaphore_mem>>)
      %dma_wait3A = arith.constant 0 : i32
      %dma_wait3A_45 = tpu.memref_slice %arg4[%arg0, %mul3A_0, %dma_wait3A] : memref<2x10240x128xf32, #tpu.memory_space<hbm>> -> memref<1x640x128xf32, #tpu.memory_space<hbm>>
      %dma_wait3A_46 = tpu.memref_squeeze %dma_wait3A_45 : memref<1x640x128xf32, #tpu.memory_space<hbm>> -> memref<640x128xf32, #tpu.memory_space<hbm>>
      %dma_wait3A_47 = arith.constant 0 : i32
      %dma_wait3A_48 = tpu.memref_slice %arg5[%mul3A_0, %dma_wait3A_47] : memref<10240x128xf32, #tpu.memory_space<vmem_shared>> -> memref<640x128xf32, #tpu.memory_space<vmem_shared>>
      tpu.wait_dma2 semaphore(%run_scoped3A : memref<!tpu.dma_semaphore, #tpu.memory_space<semaphore_mem>>) src(%dma_wait3A_48 : memref<640x128xf32, #tpu.memory_space<vmem_shared>>) dst(%dma_wait3A_46 : memref<640x128xf32, #tpu.memory_space<hbm>>)
      tpu.yield
    }) : () -> ()
    return
  }
}

module attributes {stable_mosaic.version = 14 : i64} {
  func.func @_tc_in_body(%arg0: i32, %arg1: memref<1000x128xf32, #tpu.memory_space<vmem>>, %arg2: memref<128x128xf32, #tpu.memory_space<vmem>>, %arg3: memref<1x128xf32, #tpu.memory_space<vmem>>, %arg4: memref<1000x128xf32, #tpu.memory_space<vmem>>) attributes {dimension_semantics = [#tpu.dimension_semantics<arbitrary>], iteration_bounds = array<i64: 10>, scalar_prefetch = 0 : i64, scratch_operands = 0 : i64, tpu.core_type = #tpu.core_type<tc>, window_params = [{transform_indices = @transform_0, window_bounds = array<i64: 1000, 128>}, {pipeline_mode = #tpu.pipeline_mode<synchronous>, transform_indices = @transform_1, window_bounds = array<i64: 128, 128>}, {pipeline_mode = #tpu.pipeline_mode<synchronous>, transform_indices = @transform_2, window_bounds = array<i64: 1, 128>}, {transform_indices = @transform_3, window_bounds = array<i64: 1000, 128>}]} {
    %get3A = arith.constant 0 : index
    %get3A_0 = arith.constant 0 : index
    %get3A_1 = vector.load %arg1[%get3A, %get3A_0] : memref<1000x128xf32, #tpu.memory_space<vmem>>, vector<1000x128xf32>
    %get3A_2 = arith.constant 0 : index
    %get3A_3 = arith.constant 0 : index
    %get3A_4 = vector.load %arg2[%get3A_2, %get3A_3] : memref<128x128xf32, #tpu.memory_space<vmem>>, vector<128x128xf32>
    %dot_general3A = arith.constant dense<0.000000e+00> : vector<1000x128xf32>
    %dot_general3A_5 = tpu.matmul %get3A_1, %get3A_4, %dot_general3A {dimension_numbers = #tpu.dot_dimension_numbers<[1], [1], [0], [0], [0, 0, 1, 0], [], []>, transpose_lhs_hint = false} : vector<1000x128xf32>, vector<128x128xf32>, vector<1000x128xf32> -> vector<1000x128xf32>
    %get3A_6 = arith.constant 0 : index
    %get3A_7 = arith.constant 0 : index
    %get3A_8 = vector.load %arg3[%get3A_6, %get3A_7] : memref<1x128xf32, #tpu.memory_space<vmem>>, vector<1x128xf32>
    %add3A = vector.broadcast %get3A_8 : vector<1x128xf32> to vector<1000x128xf32>
    %add3A_9 = arith.addf %dot_general3A_5, %add3A : vector<1000x128xf32>
    %ge3A = arith.constant 0.000000e+00 : f32
    %ge3A_10 = vector.broadcast %ge3A : f32 to vector<1000x128xf32>
    %ge3A_11 = arith.cmpf oge, %add3A_9, %ge3A_10 : vector<1000x128xf32>
    %mul3A = arith.constant 0.00999999977 : f32
    %mul3A_12 = vector.broadcast %mul3A : f32 to vector<1000x128xf32>
    %mul3A_13 = arith.mulf %mul3A_12, %add3A_9 : vector<1000x128xf32>
    %select_n3A = arith.select %ge3A_11, %add3A_9, %mul3A_13 : vector<1000x128xi1>, vector<1000x128xf32>
    %swap3A = arith.constant 0 : index
    %swap3A_14 = arith.constant 0 : index
    %swap3A_15 = vector.load %arg4[%swap3A, %swap3A_14] : memref<1000x128xf32, #tpu.memory_space<vmem>>, vector<1000x128xf32>
    tpu.vector_store %arg4[%swap3A, %swap3A_14], %select_n3A {strides = array<i32>} : memref<1000x128xf32, #tpu.memory_space<vmem>>, vector<1000x128xf32>,
    return
  }
  func.func @transform_0(%arg0: i32) -> (i32, i32) {
    %c0_i32 = arith.constant 0 : i32
    %c0_i32_0 = arith.constant 0 : i32
    return %arg0, %c0_i32 : i32, i32
  }
  func.func @transform_1(%arg0: i32) -> (i32, i32) {
    %c0_i32 = arith.constant 0 : i32
    %c0_i32_0 = arith.constant 0 : i32
    %c0_i32_1 = arith.constant 0 : i32
    return %c0_i32, %c0_i32_0 : i32, i32
  }
  func.func @transform_2(%arg0: i32) -> (i32, i32) {
    %c0_i32 = arith.constant 0 : i32
    %c0_i32_0 = arith.constant 0 : i32
    %c0_i32_1 = arith.constant 0 : i32
    return %c0_i32, %c0_i32_0 : i32, i32
  }
  func.func @transform_3(%arg0: i32) -> (i32, i32) {
    %c0_i32 = arith.constant 0 : i32
    %c0_i32_0 = arith.constant 0 : i32
    return %arg0, %c0_i32 : i32, i32
  }
}

module attributes {stable_mosaic.version = 14 : i64} {
  func.func @_tc_combine_body(%arg0: i32, %arg1: memref<1000x128xf32, #tpu.memory_space<vmem>>, %arg2: memref<1x1000x128xf32, #tpu.memory_space<vmem>>, %arg3: memref<1x1000x128xf32, #tpu.memory_space<vmem>>, %arg4: memref<1x1000x128xf32, #tpu.memory_space<vmem>>, %arg5: memref<1x1000x128xf32, #tpu.memory_space<vmem>>, %arg6: memref<128x128xf32, #tpu.memory_space<vmem>>, %arg7: memref<128x128xf32, #tpu.memory_space<vmem>>, %arg8: memref<128x128xf32, #tpu.memory_space<vmem>>, %arg9: memref<1x128xf32, #tpu.memory_space<vmem>>, %arg10: memref<1000x128xf32, #tpu.memory_space<vmem>>) attributes {dimension_semantics = [#tpu.dimension_semantics<arbitrary>], iteration_bounds = array<i64: 10>, scalar_prefetch = 0 : i64, scratch_operands = 0 : i64, tpu.core_type = #tpu.core_type<tc>, window_params = [{transform_indices = @transform_0, window_bounds = array<i64: 1000, 128>}, {transform_indices = @transform_1, window_bounds = array<i64: 1, 1000, 128>}, {transform_indices = @transform_2, window_bounds = array<i64: 1, 1000, 128>}, {transform_indices = @transform_3, window_bounds = array<i64: 1, 1000, 128>}, {transform_indices = @transform_4, window_bounds = array<i64: 1, 1000, 128>}, {pipeline_mode = #tpu.pipeline_mode<synchronous>, transform_indices = @transform_5, window_bounds = array<i64: 128, 128>}, {pipeline_mode = #tpu.pipeline_mode<synchronous>, transform_indices = @transform_6, window_bounds = array<i64: 128, 128>}, {pipeline_mode = #tpu.pipeline_mode<synchronous>, transform_indices = @transform_7, window_bounds = array<i64: 128, 128>}, {pipeline_mode = #tpu.pipeline_mode<synchronous>, transform_indices = @transform_8, window_bounds = array<i64: 1, 128>}, {transform_indices = @transform_9, window_bounds = array<i64: 1000, 128>}]} {
    %get3A = arith.constant 0 : index
    %get3A_0 = arith.constant 0 : index
    %get3A_1 = arith.constant 0 : index
    %get3A_2 = vector.load %arg4[%get3A, %get3A_0, %get3A_1] : memref<1x1000x128xf32, #tpu.memory_space<vmem>>, vector<1x1000x1xf32>
    %get3A_3 = vector.shape_cast %get3A_2 : vector<1x1000x1xf32> to vector<1000x1xf32>
    %max3A = arith.constant 1.000000e+00 : f32
    %max3A_4 = vector.broadcast %max3A : f32 to vector<1000x1xf32>
    %max3A_5 = arith.maximumf %get3A_3, %max3A_4 : vector<1000x1xf32>
    %div3A = arith.constant 1.000000e+00 : f32
    %div3A_6 = vector.broadcast %div3A : f32 to vector<1000x1xf32>
    %div3A_7 = arith.divf %div3A_6, %max3A_5 : vector<1000x1xf32>
    %get3A_8 = arith.constant 0 : index
    %get3A_9 = arith.constant 0 : index
    %get3A_10 = arith.constant 0 : index
    %get3A_11 = vector.load %arg5[%get3A_8, %get3A_9, %get3A_10] : memref<1x1000x128xf32, #tpu.memory_space<vmem>>, vector<1x1000x1xf32>
    %get3A_12 = vector.shape_cast %get3A_11 : vector<1x1000x1xf32> to vector<1000x1xf32>
    %max3A_13 = arith.constant 1.000000e+00 : f32
    %max3A_14 = vector.broadcast %max3A_13 : f32 to vector<1000x1xf32>
    %max3A_15 = arith.maximumf %get3A_12, %max3A_14 : vector<1000x1xf32>
    %div3A_16 = arith.constant 1.000000e+00 : f32
    %div3A_17 = vector.broadcast %div3A_16 : f32 to vector<1000x1xf32>
    %div3A_18 = arith.divf %div3A_17, %max3A_15 : vector<1000x1xf32>
    %get3A_19 = arith.constant 0 : index
    %get3A_20 = arith.constant 0 : index
    %get3A_21 = vector.load %arg1[%get3A_19, %get3A_20] : memref<1000x128xf32, #tpu.memory_space<vmem>>, vector<1000x128xf32>
    %get3A_22 = arith.constant 0 : index
    %get3A_23 = arith.constant 0 : index
    %get3A_24 = vector.load %arg6[%get3A_22, %get3A_23] : memref<128x128xf32, #tpu.memory_space<vmem>>, vector<128x128xf32>
    %dot_general3A = arith.constant dense<0.000000e+00> : vector<1000x128xf32>
    %dot_general3A_25 = tpu.matmul %get3A_21, %get3A_24, %dot_general3A {dimension_numbers = #tpu.dot_dimension_numbers<[1], [0], [0], [1], [0, 0, 1, 1], [], []>, transpose_lhs_hint = false} : vector<1000x128xf32>, vector<128x128xf32>, vector<1000x128xf32> -> vector<1000x128xf32>
    %get3A_26 = arith.constant 0 : index
    %get3A_27 = arith.constant 0 : index
    %get3A_28 = arith.constant 0 : index
    %get3A_29 = vector.load %arg2[%get3A_26, %get3A_27, %get3A_28] : memref<1x1000x128xf32, #tpu.memory_space<vmem>>, vector<1x1000x128xf32>
    %get3A_30 = vector.shape_cast %get3A_29 : vector<1x1000x128xf32> to vector<1000x128xf32>
    %mul3A = vector.broadcast %div3A_7 : vector<1000x1xf32> to vector<1000x128xf32>
    %mul3A_31 = arith.mulf %get3A_30, %mul3A : vector<1000x128xf32>
    %get3A_32 = arith.constant 0 : index
    %get3A_33 = arith.constant 0 : index
    %get3A_34 = vector.load %arg7[%get3A_32, %get3A_33] : memref<128x128xf32, #tpu.memory_space<vmem>>, vector<128x128xf32>
    %dot_general3A_35 = arith.constant dense<0.000000e+00> : vector<1000x128xf32>
    %dot_general3A_36 = tpu.matmul %mul3A_31, %get3A_34, %dot_general3A_35 {dimension_numbers = #tpu.dot_dimension_numbers<[1], [0], [0], [1], [0, 0, 1, 1], [], []>, transpose_lhs_hint = false} : vector<1000x128xf32>, vector<128x128xf32>, vector<1000x128xf32> -> vector<1000x128xf32>
    %add3A = arith.addf %dot_general3A_25, %dot_general3A_36 : vector<1000x128xf32>
    %get3A_37 = arith.constant 0 : index
    %get3A_38 = arith.constant 0 : index
    %get3A_39 = arith.constant 0 : index
    %get3A_40 = vector.load %arg3[%get3A_37, %get3A_38, %get3A_39] : memref<1x1000x128xf32, #tpu.memory_space<vmem>>, vector<1x1000x128xf32>
    %get3A_41 = vector.shape_cast %get3A_40 : vector<1x1000x128xf32> to vector<1000x128xf32>
    %mul3A_42 = vector.broadcast %div3A_18 : vector<1000x1xf32> to vector<1000x128xf32>
    %mul3A_43 = arith.mulf %get3A_41, %mul3A_42 : vector<1000x128xf32>
    %get3A_44 = arith.constant 0 : index
    %get3A_45 = arith.constant 0 : index
    %get3A_46 = vector.load %arg8[%get3A_44, %get3A_45] : memref<128x128xf32, #tpu.memory_space<vmem>>, vector<128x128xf32>
    %dot_general3A_47 = arith.constant dense<0.000000e+00> : vector<1000x128xf32>
    %dot_general3A_48 = tpu.matmul %mul3A_43, %get3A_46, %dot_general3A_47 {dimension_numbers = #tpu.dot_dimension_numbers<[1], [0], [0], [1], [0, 0, 1, 1], [], []>, transpose_lhs_hint = false} : vector<1000x128xf32>, vector<128x128xf32>, vector<1000x128xf32> -> vector<1000x128xf32>
    %add3A_49 = arith.addf %add3A, %dot_general3A_48 : vector<1000x128xf32>
    %get3A_50 = arith.constant 0 : index
    %get3A_51 = arith.constant 0 : index
    %get3A_52 = vector.load %arg9[%get3A_50, %get3A_51] : memref<1x128xf32, #tpu.memory_space<vmem>>, vector<1x128xf32>
    %add3A_53 = vector.broadcast %get3A_52 : vector<1x128xf32> to vector<1000x128xf32>
    %add3A_54 = arith.addf %add3A_49, %add3A_53 : vector<1000x128xf32>
    %swap3A = arith.constant 0 : index
    %swap3A_55 = arith.constant 0 : index
    %swap3A_56 = vector.load %arg10[%swap3A, %swap3A_55] : memref<1000x128xf32, #tpu.memory_space<vmem>>, vector<1000x128xf32>
    tpu.vector_store %arg10[%swap3A, %swap3A_55], %add3A_54 {strides = array<i32>} : memref<1000x128xf32, #tpu.memory_space<vmem>>, vector<1000x128xf32>,
    return
  }
  func.func @transform_0(%arg0: i32) -> (i32, i32) {
    %c0_i32 = arith.constant 0 : i32
    %c0_i32_0 = arith.constant 0 : i32
    return %arg0, %c0_i32 : i32, i32
  }
  func.func @transform_1(%arg0: i32) -> (i32, i32, i32) {
    %c0_i32 = arith.constant 0 : i32
    %c0_i32_0 = arith.constant 0 : i32
    %c0_i32_1 = arith.constant 0 : i32
    return %c0_i32, %arg0, %c0_i32_0 : i32, i32, i32
  }
  func.func @transform_2(%arg0: i32) -> (i32, i32, i32) {
    %c1_i32 = arith.constant 1 : i32
    %c0_i32 = arith.constant 0 : i32
    %c0_i32_0 = arith.constant 0 : i32
    return %c1_i32, %arg0, %c0_i32 : i32, i32, i32
  }
  func.func @transform_3(%arg0: i32) -> (i32, i32, i32) {
    %c0_i32 = arith.constant 0 : i32
    %c0_i32_0 = arith.constant 0 : i32
    %c0_i32_1 = arith.constant 0 : i32
    return %c0_i32, %arg0, %c0_i32_0 : i32, i32, i32
  }
  func.func @transform_4(%arg0: i32) -> (i32, i32, i32) {
    %c1_i32 = arith.constant 1 : i32
    %c0_i32 = arith.constant 0 : i32
    %c0_i32_0 = arith.constant 0 : i32
    return %c1_i32, %arg0, %c0_i32 : i32, i32, i32
  }
  func.func @transform_5(%arg0: i32) -> (i32, i32) {
    %c0_i32 = arith.constant 0 : i32
    %c0_i32_0 = arith.constant 0 : i32
    %c0_i32_1 = arith.constant 0 : i32
    return %c0_i32, %c0_i32_0 : i32, i32
  }
  func.func @transform_6(%arg0: i32) -> (i32, i32) {
    %c0_i32 = arith.constant 0 : i32
    %c0_i32_0 = arith.constant 0 : i32
    %c0_i32_1 = arith.constant 0 : i32
    return %c0_i32, %c0_i32_0 : i32, i32
  }
  func.func @transform_7(%arg0: i32) -> (i32, i32) {
    %c0_i32 = arith.constant 0 : i32
    %c0_i32_0 = arith.constant 0 : i32
    %c0_i32_1 = arith.constant 0 : i32
    return %c0_i32, %c0_i32_0 : i32, i32
  }
  func.func @transform_8(%arg0: i32) -> (i32, i32) {
    %c0_i32 = arith.constant 0 : i32
    %c0_i32_0 = arith.constant 0 : i32
    %c0_i32_1 = arith.constant 0 : i32
    return %c0_i32, %c0_i32_0 : i32, i32
  }
  func.func @transform_9(%arg0: i32) -> (i32, i32) {
    %c0_i32 = arith.constant 0 : i32
    %c0_i32_0 = arith.constant 0 : i32
    return %arg0, %c0_i32 : i32, i32
  }
}

module attributes {stable_mosaic.version = 14 : i64} {
  func.func @_tc_combine_body(%arg0: i32, %arg1: memref<1000x128xf32, #tpu.memory_space<vmem>>, %arg2: memref<1x1000x128xf32, #tpu.memory_space<vmem>>, %arg3: memref<1x1000x128xf32, #tpu.memory_space<vmem>>, %arg4: memref<1x1000x128xf32, #tpu.memory_space<vmem>>, %arg5: memref<1x1000x128xf32, #tpu.memory_space<vmem>>, %arg6: memref<128x128xf32, #tpu.memory_space<vmem>>, %arg7: memref<128x128xf32, #tpu.memory_space<vmem>>, %arg8: memref<128x128xf32, #tpu.memory_space<vmem>>, %arg9: memref<1x128xf32, #tpu.memory_space<vmem>>, %arg10: memref<1000x128xf32, #tpu.memory_space<vmem>>) attributes {dimension_semantics = [#tpu.dimension_semantics<arbitrary>], iteration_bounds = array<i64: 10>, scalar_prefetch = 0 : i64, scratch_operands = 0 : i64, tpu.core_type = #tpu.core_type<tc>, window_params = [{transform_indices = @transform_0, window_bounds = array<i64: 1000, 128>}, {transform_indices = @transform_1, window_bounds = array<i64: 1, 1000, 128>}, {transform_indices = @transform_2, window_bounds = array<i64: 1, 1000, 128>}, {transform_indices = @transform_3, window_bounds = array<i64: 1, 1000, 128>}, {transform_indices = @transform_4, window_bounds = array<i64: 1, 1000, 128>}, {pipeline_mode = #tpu.pipeline_mode<synchronous>, transform_indices = @transform_5, window_bounds = array<i64: 128, 128>}, {pipeline_mode = #tpu.pipeline_mode<synchronous>, transform_indices = @transform_6, window_bounds = array<i64: 128, 128>}, {pipeline_mode = #tpu.pipeline_mode<synchronous>, transform_indices = @transform_7, window_bounds = array<i64: 128, 128>}, {pipeline_mode = #tpu.pipeline_mode<synchronous>, transform_indices = @transform_8, window_bounds = array<i64: 1, 128>}, {transform_indices = @transform_9, window_bounds = array<i64: 1000, 128>}]} {
    %get3A = arith.constant 0 : index
    %get3A_0 = arith.constant 0 : index
    %get3A_1 = arith.constant 0 : index
    %get3A_2 = vector.load %arg4[%get3A, %get3A_0, %get3A_1] : memref<1x1000x128xf32, #tpu.memory_space<vmem>>, vector<1x1000x1xf32>
    %get3A_3 = vector.shape_cast %get3A_2 : vector<1x1000x1xf32> to vector<1000x1xf32>
    %max3A = arith.constant 1.000000e+00 : f32
    %max3A_4 = vector.broadcast %max3A : f32 to vector<1000x1xf32>
    %max3A_5 = arith.maximumf %get3A_3, %max3A_4 : vector<1000x1xf32>
    %div3A = arith.constant 1.000000e+00 : f32
    %div3A_6 = vector.broadcast %div3A : f32 to vector<1000x1xf32>
    %div3A_7 = arith.divf %div3A_6, %max3A_5 : vector<1000x1xf32>
    %get3A_8 = arith.constant 0 : index
    %get3A_9 = arith.constant 0 : index
    %get3A_10 = arith.constant 0 : index
    %get3A_11 = vector.load %arg5[%get3A_8, %get3A_9, %get3A_10] : memref<1x1000x128xf32, #tpu.memory_space<vmem>>, vector<1x1000x1xf32>
    %get3A_12 = vector.shape_cast %get3A_11 : vector<1x1000x1xf32> to vector<1000x1xf32>
    %max3A_13 = arith.constant 1.000000e+00 : f32
    %max3A_14 = vector.broadcast %max3A_13 : f32 to vector<1000x1xf32>
    %max3A_15 = arith.maximumf %get3A_12, %max3A_14 : vector<1000x1xf32>
    %div3A_16 = arith.constant 1.000000e+00 : f32
    %div3A_17 = vector.broadcast %div3A_16 : f32 to vector<1000x1xf32>
    %div3A_18 = arith.divf %div3A_17, %max3A_15 : vector<1000x1xf32>
    %get3A_19 = arith.constant 0 : index
    %get3A_20 = arith.constant 0 : index
    %get3A_21 = vector.load %arg1[%get3A_19, %get3A_20] : memref<1000x128xf32, #tpu.memory_space<vmem>>, vector<1000x128xf32>
    %get3A_22 = arith.constant 0 : index
    %get3A_23 = arith.constant 0 : index
    %get3A_24 = vector.load %arg6[%get3A_22, %get3A_23] : memref<128x128xf32, #tpu.memory_space<vmem>>, vector<128x128xf32>
    %dot_general3A = arith.constant dense<0.000000e+00> : vector<1000x128xf32>
    %dot_general3A_25 = tpu.matmul %get3A_21, %get3A_24, %dot_general3A {dimension_numbers = #tpu.dot_dimension_numbers<[1], [0], [0], [1], [0, 0, 1, 1], [], []>, transpose_lhs_hint = false} : vector<1000x128xf32>, vector<128x128xf32>, vector<1000x128xf32> -> vector<1000x128xf32>
    %get3A_26 = arith.constant 0 : index
    %get3A_27 = arith.constant 0 : index
    %get3A_28 = arith.constant 0 : index
    %get3A_29 = vector.load %arg2[%get3A_26, %get3A_27, %get3A_28] : memref<1x1000x128xf32, #tpu.memory_space<vmem>>, vector<1x1000x128xf32>
    %get3A_30 = vector.shape_cast %get3A_29 : vector<1x1000x128xf32> to vector<1000x128xf32>
    %mul3A = vector.broadcast %div3A_7 : vector<1000x1xf32> to vector<1000x128xf32>
    %mul3A_31 = arith.mulf %get3A_30, %mul3A : vector<1000x128xf32>
    %get3A_32 = arith.constant 0 : index
    %get3A_33 = arith.constant 0 : index
    %get3A_34 = vector.load %arg7[%get3A_32, %get3A_33] : memref<128x128xf32, #tpu.memory_space<vmem>>, vector<128x128xf32>
    %dot_general3A_35 = arith.constant dense<0.000000e+00> : vector<1000x128xf32>
    %dot_general3A_36 = tpu.matmul %mul3A_31, %get3A_34, %dot_general3A_35 {dimension_numbers = #tpu.dot_dimension_numbers<[1], [0], [0], [1], [0, 0, 1, 1], [], []>, transpose_lhs_hint = false} : vector<1000x128xf32>, vector<128x128xf32>, vector<1000x128xf32> -> vector<1000x128xf32>
    %add3A = arith.addf %dot_general3A_25, %dot_general3A_36 : vector<1000x128xf32>
    %get3A_37 = arith.constant 0 : index
    %get3A_38 = arith.constant 0 : index
    %get3A_39 = arith.constant 0 : index
    %get3A_40 = vector.load %arg3[%get3A_37, %get3A_38, %get3A_39] : memref<1x1000x128xf32, #tpu.memory_space<vmem>>, vector<1x1000x128xf32>
    %get3A_41 = vector.shape_cast %get3A_40 : vector<1x1000x128xf32> to vector<1000x128xf32>
    %mul3A_42 = vector.broadcast %div3A_18 : vector<1000x1xf32> to vector<1000x128xf32>
    %mul3A_43 = arith.mulf %get3A_41, %mul3A_42 : vector<1000x128xf32>
    %get3A_44 = arith.constant 0 : index
    %get3A_45 = arith.constant 0 : index
    %get3A_46 = vector.load %arg8[%get3A_44, %get3A_45] : memref<128x128xf32, #tpu.memory_space<vmem>>, vector<128x128xf32>
    %dot_general3A_47 = arith.constant dense<0.000000e+00> : vector<1000x128xf32>
    %dot_general3A_48 = tpu.matmul %mul3A_43, %get3A_46, %dot_general3A_47 {dimension_numbers = #tpu.dot_dimension_numbers<[1], [0], [0], [1], [0, 0, 1, 1], [], []>, transpose_lhs_hint = false} : vector<1000x128xf32>, vector<128x128xf32>, vector<1000x128xf32> -> vector<1000x128xf32>
    %add3A_49 = arith.addf %add3A, %dot_general3A_48 : vector<1000x128xf32>
    %get3A_50 = arith.constant 0 : index
    %get3A_51 = arith.constant 0 : index
    %get3A_52 = vector.load %arg9[%get3A_50, %get3A_51] : memref<1x128xf32, #tpu.memory_space<vmem>>, vector<1x128xf32>
    %add3A_53 = vector.broadcast %get3A_52 : vector<1x128xf32> to vector<1000x128xf32>
    %add3A_54 = arith.addf %add3A_49, %add3A_53 : vector<1000x128xf32>
    %swap3A = arith.constant 0 : index
    %swap3A_55 = arith.constant 0 : index
    %swap3A_56 = vector.load %arg10[%swap3A, %swap3A_55] : memref<1000x128xf32, #tpu.memory_space<vmem>>, vector<1000x128xf32>
    tpu.vector_store %arg10[%swap3A, %swap3A_55], %add3A_54 {strides = array<i32>} : memref<1000x128xf32, #tpu.memory_space<vmem>>, vector<1000x128xf32>,
    return
  }
  func.func @transform_0(%arg0: i32) -> (i32, i32) {
    %c0_i32 = arith.constant 0 : i32
    %c0_i32_0 = arith.constant 0 : i32
    return %arg0, %c0_i32 : i32, i32
  }
  func.func @transform_1(%arg0: i32) -> (i32, i32, i32) {
    %c0_i32 = arith.constant 0 : i32
    %c0_i32_0 = arith.constant 0 : i32
    %c0_i32_1 = arith.constant 0 : i32
    return %c0_i32, %arg0, %c0_i32_0 : i32, i32, i32
  }
  func.func @transform_2(%arg0: i32) -> (i32, i32, i32) {
    %c1_i32 = arith.constant 1 : i32
    %c0_i32 = arith.constant 0 : i32
    %c0_i32_0 = arith.constant 0 : i32
    return %c1_i32, %arg0, %c0_i32 : i32, i32, i32
  }
  func.func @transform_3(%arg0: i32) -> (i32, i32, i32) {
    %c0_i32 = arith.constant 0 : i32
    %c0_i32_0 = arith.constant 0 : i32
    %c0_i32_1 = arith.constant 0 : i32
    return %c0_i32, %arg0, %c0_i32_0 : i32, i32, i32
  }
  func.func @transform_4(%arg0: i32) -> (i32, i32, i32) {
    %c1_i32 = arith.constant 1 : i32
    %c0_i32 = arith.constant 0 : i32
    %c0_i32_0 = arith.constant 0 : i32
    return %c1_i32, %arg0, %c0_i32 : i32, i32, i32
  }
  func.func @transform_5(%arg0: i32) -> (i32, i32) {
    %c0_i32 = arith.constant 0 : i32
    %c0_i32_0 = arith.constant 0 : i32
    %c0_i32_1 = arith.constant 0 : i32
    return %c0_i32, %c0_i32_0 : i32, i32
  }
  func.func @transform_6(%arg0: i32) -> (i32, i32) {
    %c0_i32 = arith.constant 0 : i32
    %c0_i32_0 = arith.constant 0 : i32
    %c0_i32_1 = arith.constant 0 : i32
    return %c0_i32, %c0_i32_0 : i32, i32
  }
  func.func @transform_7(%arg0: i32) -> (i32, i32) {
    %c0_i32 = arith.constant 0 : i32
    %c0_i32_0 = arith.constant 0 : i32
    %c0_i32_1 = arith.constant 0 : i32
    return %c0_i32, %c0_i32_0 : i32, i32
  }
  func.func @transform_8(%arg0: i32) -> (i32, i32) {
    %c0_i32 = arith.constant 0 : i32
    %c0_i32_0 = arith.constant 0 : i32
    %c0_i32_1 = arith.constant 0 : i32
    return %c0_i32, %c0_i32_0 : i32, i32
  }
  func.func @transform_9(%arg0: i32) -> (i32, i32) {
    %c0_i32 = arith.constant 0 : i32
    %c0_i32_0 = arith.constant 0 : i32
    return %arg0, %c0_i32 : i32, i32
  }
}

</mosaic_0001>

<sc_bundles>
// kernel: kernel.11.cloned.1.call-start
scs
__scs_entry_jumppad:
0x0: {  	(pc) =	sbr.rel $0x88, $3  }
0x1: {  	(tag) =	ssettag $0x0;
	lr =	simm.s32 $0x1  }
0x2: {  	[smem:$0x3F96] =	sst lr;
	_ =	strace $0xD0000000  }
0x3: {  	_ = 	snop  }
0x4: {  	_ = 	snop  }
0x5: {  	_ = 	snop  }
0x6: {  	_ = 	snop  }
0x7: {  	_ = 	snop  }
__scs_overlays_trampoline_lowered:
0x8: {  	[smem:$0x3FA5] =	sst s0  }
0x9: {  	[smem:$0x3FA6] =	sst s1  }
0xa: {  	[smem:$0x3FA7] =	sst s2  }
0xb: {  	[smem:$0x3FA8] =	sst s3  }
0xc: {  	[smem:$0x3FA9] =	sst s4  }
0xd: {  	[smem:$0x3FAA] =	sst s5  }
0xe: {  	[smem:$0x3FAB] =	sst s6  }
0xf: {  	[smem:$0x3FAC] =	sst s7  }
0x10: {  	[smem:$0x3FAD] =	sst s8  }
0x11: {  	[smem:$0x3FAE] =	sst s9;
	s0 =	simm.s32 @!p0 $0x0  }
0x12: {  	s1 =	sld [smem:$0x3F94];
	s0 =	simm.s32 @p0 $0x1  }
0x13: {  	[smem:$0x3FAF] =	sst s0;
	s0 =	simm.s32 @!p1 $0x0  }
0x14: {  	s2 =	sld [smem:$0x3F93];
	s0 =	simm.s32 @p1 $0x1  }
0x15: {  	[smem:$0x3FB0] =	sst s0;
	s0 =	simm.s32 @!p2 $0x0  }
0x16: {  	s3 =	sld [smem:$0x3FDB];
	s0 =	simm.s32 @p2 $0x1  }
0x17: {  	s4 =	simm.s32 $0x1BF5;
	[smem:$0x3FB2] =	sst s0  }
0x18: {  	s0 =	sld [smem:$0x3F95];
	_ =	swait.ge [sflag:s4], $0x0  }
0x19: {  	s7 =	sld [smem:$0x3F96]  }
0x1a: {  	s8 =	sadd.s32 $0xFFFFE003, lr  }
0x1b: {  	s9 =	sadd.s32 $0xFFFFFEF7, lr;
	s5 =	simm.s32 $0xFFFFFFFF;
	p2 =	slt.u32 s8, $0xFFFFF086  }
0x1c: {  	p1 =	slt.u32 s9, $0xF7A;
	s5 =	simm.s32 @!p2 $0x0  }
0x1d: {  	s5 =	simm.s32 @p1 $0x1;
	p0 =	seq.s32 s7, s2  }
0x1e: {  	s7 =	smul.u32 @!p0 $0xF7A, s2;
	p2 =	seq.s32 @!p0 s5, $0x0  }
0x1f: {  	s9 =	smul.u32 $0xF7A, s1;
	s8 =	simm.s32 @!p0 $0x1BF5;
	p2 =	por !p2, p0  }
0x20: {  	[sflag:s8] =	ssyncset.s32 @!p0 $0xFFFFF086;
	s6 =	sadd.s32 @!p0 s3, s7;
	s7 =	simm.s32 @!p0 $0x108  }
0x21: {  	s3 =	sadd.s32 s3, s9;
	s6 =	sadd.s32 @!p0 $0x88, s6;
	s7 =	simm.s32 @p2 $0x1082  }
0x22: {  	[simem:s7], [sflag:s8] =	dma.local @!p0 [hbm:s6], $0xF7A  }
0x23: {  	s9 =	sor.u32 $0xD0000000, s2;
	s6 =	simm.s32 $0x108;
	_ =	swait.ge @!p0 [sflag:s8], $0x0  }
0x24: {  	s3 =	sadd.s32 $0x88, s3;
	s6 =	simm.s32 @!p1 $0x1082;
	[sflag:s4] =	ssyncset.s32 $0xFFFFF086  }
0x25: {  	[simem:s6], [sflag:s4] =	dma.local [hbm:s3], $0xF7A  }
0x26: {  	[smem:$0x3F96] =	sst s1;
	(tag) =	ssettag s2;
	_ =	strace s9  }
0x27: {  	s1 =	sld [smem:$0x3FA6]  }
0x28: {  	s2 =	sld [smem:$0x3FA7]  }
0x29: {  	s4 =	sld [smem:$0x3FA9]  }
0x2a: {  	p0 =	seq.s32 s5, $0x0;
	s5 =	sld [smem:$0x3FAA]  }
0x2b: {  	s6 =	sld [smem:$0x3FAB]  }
0x2c: {  	s7 =	sld [smem:$0x3FAC]  }
0x2d: {  	s3 =	simm.s32 $0x108;
	s8 =	sld [smem:$0x3FAD]  }
0x2e: {  	s3 =	simm.s32 @!p0 $0x1082;
	s9 =	sld [smem:$0x3FAE]  }
0x2f: {  	lr =	sadd.s32 s0, s3;
	s0 =	sld [smem:$0x3FA5]  }
0x30: {  	s3 =	sld [smem:$0x3FA8]  }
0x31: {  	[smem:$0x3FB1] =	sst s10  }
0x32: {  	s10 =	sld [smem:$0x3FAF];
	_ =	sdelay $0x3  }
0x33: {  	p0 =	seq.s32 s10, $0x1;
	s10 =	sld [smem:$0x3FB1];
	_ =	sdelay $0x3  }
0x34: {  	[smem:$0x3FB1] =	sst s10  }
0x35: {  	s10 =	sld [smem:$0x3FB0];
	_ =	sdelay $0x3  }
0x36: {  	p1 =	seq.s32 s10, $0x1;
	s10 =	sld [smem:$0x3FB1];
	_ =	sdelay $0x3  }
0x37: {  	[smem:$0x3FB1] =	sst s10  }
0x38: {  	s10 =	sld [smem:$0x3FB2]  }
0x39: {  	_ = 	snop;
	(pc) =	sbr.ind lr, $3  }
0x3a: {  	_ = 	snop  }
0x3b: {  	_ = 	snop  }
0x3c: {  	p2 =	seq.s32 s10, $0x1;
	s10 =	sld [smem:$0x3FB1]  }
0x3d: {  	_ =	shalt  }
0x3e: {  	_ =	shalt  }
0x3f: {  	_ =	shalt  }
0x40: {  	_ =	shalt  }
0x41: {  	_ =	shalt  }
0x42: {  	_ =	shalt  }
0x43: {  	_ =	shalt  }
0x44: {  	_ =	shalt  }
0x45: {  	_ =	shalt  }
0x46: {  	_ =	shalt  }
0x47: {  	_ =	shalt  }
0x48: {  	_ =	shalt  }
0x49: {  	_ =	shalt  }
0x4a: {  	_ =	shalt  }
0x4b: {  	_ =	shalt  }
0x4c: {  	_ =	shalt  }
0x4d: {  	_ =	shalt  }
0x4e: {  	_ =	shalt  }
0x4f: {  	_ =	shalt  }
0x50: {  	_ =	shalt  }
0x51: {  	_ =	shalt  }
0x52: {  	_ =	shalt  }
0x53: {  	_ =	shalt  }
0x54: {  	_ =	shalt  }
0x55: {  	_ =	shalt  }
0x56: {  	_ =	shalt  }
0x57: {  	_ =	shalt  }
0x58: {  	_ =	shalt  }
0x59: {  	_ =	shalt  }
0x5a: {  	_ =	shalt  }
0x5b: {  	_ =	shalt  }
0x5c: {  	_ =	shalt  }
0x5d: {  	_ =	shalt  }
0x5e: {  	_ =	shalt  }
0x5f: {  	_ =	shalt  }
0x60: {  	_ =	shalt  }
0x61: {  	_ =	shalt  }
0x62: {  	_ =	shalt  }
0x63: {  	_ =	shalt  }
0x64: {  	_ =	shalt  }
0x65: {  	_ =	shalt  }
0x66: {  	_ =	shalt  }
0x67: {  	_ =	shalt  }
0x68: {  	_ =	shalt  }
0x69: {  	_ =	shalt  }
0x6a: {  	_ =	shalt  }
0x6b: {  	_ =	shalt  }
0x6c: {  	_ =	shalt  }
0x6d: {  	_ =	shalt  }
0x6e: {  	_ =	shalt  }
0x6f: {  	_ =	shalt  }
0x70: {  	_ =	shalt  }
0x71: {  	_ =	shalt  }
0x72: {  	_ =	shalt  }
0x73: {  	_ =	shalt  }
0x74: {  	_ =	shalt  }
0x75: {  	_ =	shalt  }
0x76: {  	_ =	shalt  }
0x77: {  	_ =	shalt  }
0x78: {  	_ =	shalt  }
0x79: {  	_ =	shalt  }
0x7a: {  	_ =	shalt  }
0x7b: {  	_ =	shalt  }
0x7c: {  	_ =	shalt  }
0x7d: {  	_ =	shalt  }
0x7e: {  	_ =	shalt  }
0x7f: {  	_ =	shalt  }
0x80: {  	_ =	shalt  }
0x81: {  	_ =	shalt  }
0x82: {  	_ =	shalt  }
0x83: {  	_ =	shalt  }
0x84: {  	_ =	shalt  }
0x85: {  	_ =	shalt  }
0x86: {  	_ =	shalt  }
0x87: {  	_ =	shalt  }
.Lfunc_end0:
.L_simem_size_0:
called_computation.1_lowered:
.L_overlay_start_0:
0x88: {  	s2 =	sld [smem:$0x3FD9]  }
0x89: {  	s3 =	sld [smem:$0x3FFE];
	_ =	sdelay $0x1  }
0x8a: {  	s1 =	srdreg.scid  }
0x8b: {  	s0 =	sand.u32 $0x1, s1  }
0x8c: {  	s17 =	sshll.u32 s0, $0xA;
	s2 =	sadd.s32 s3, s2  }
0x8d: {  	s2 =	sadd.s32 s2, s17  }
0x8e: {  	[smem:$0x3FBD] =	sst s2  }
0x8f: {  	_ = 	snop  }
0x90: {  	s2 =	sld [smem:$0x3FD0];
	(tm) =	ssettm $0x1  }
0x91: {  	s18 =	sld [smem:$0x3FFB];
	_ =	sdelay $0x3  }
0x92: {  	_ =	strace s18  }
0x93: {  	s3 =	sld [smem:$0x3FFC];
	_ =	sdelay $0x3  }
0x94: {  	_ =	strace s3  }
0x95: {  	s3 =	sld [smem:$0x3FFD];
	_ =	sdelay $0x3  }
0x96: {  	_ =	strace s3  }
0x97: {  	_ =	strace $0x8FFFFFFF  }
0x98: {  	s19 =	sld [smem:$0x3FDB];
	_ =	sdelay $0x1  }
0x99: {  	s4 =	simm.s32 $_scs_section_size  }
0x9a: {  	s5 =	simm.s32 $_size__tile_overlayer_lowered;
	s6 =	simm.s32 $_tile_overlayer_lowered  }
0x9b: {  	s22 =	simm.s32 $0x1BFF;
	s21 =	sshll.u32 s6, $0x1;
	s3 =	sadd.s32 s4, s19  }
0x9c: {  	s7 =	simm.s32 $0x0;
	s20 =	sshll.u32 s5, $0x1;
	s5 =	sadd.s32 s21, s3  }
0x9d: {  	[timem:s7], [sflag:s22] =	dma.local [hbm:s5], s20  }
0x9e: {  	_ =	swait.ge [sflag:s22], s20  }
0x9f: {  	s4 =	ssub.s32 $0x0, s20;
	[sflag:s22] =	ssyncset.done $0x0  }
0xa0: {  	[sflag:s22] =	ssyncadd.s32 s4;
	_ =	sdelay $0x1  }
0xa1: {  	s23 =	simm.s32 $0x1B8B  }
0xa2: {  	_ =	swait.ge [sflag:s23], $0x1  }
0xa3: {  	[sflag:s23] =	ssyncset.done $0x0  }
0xa4: {  	s25 =	simm.s32 $0x1B8E;
	s24 =	sld [smem:$0x3FFE];
	[sflag:s23] =	ssyncadd.s32 $0xFFFFFFFF  }
0xa5: {  	s26 =	simm.s32 $execute0_lowered;
	[smem:$0x3FD2] =	sst s25  }
0xa6: {  	s5 =	sshll.u32 s26, $0x1;
	_ =	strace $0x80000046;
	[dreg:$0x1] =	wrdreg $0xFFFFFFFF  }
0xa7: {  	s28 =	simm.s32 $_size_execute0_lowered;
	s3 =	sadd.s32 s3, s5;
	[dreg:$0x0] =	wrdreg $0x0  }
0xa8: {  	s5 =	sshll.u32 s28, $0x1;
	[dreg:$0x2] =	wrdreg s3  }
0xa9: {  	[dreg:$0x3] =	wrdreg s5  }
0xaa: {  	[dreg:$0x4] =	wrdreg $0xC0  }
0xab: {  	_ =	task [dreg:s7], $0x5FFFF  }
0xac: {  	[dreg:$0x1] =	wrdreg $0xFFFFFFFF  }
0xad: {  	[dreg:$0x0] =	wrdreg $0x60  }
0xae: {  	[dreg:$0x2] =	wrdreg s2  }
0xaf: {  	[dreg:$0x3] =	wrdreg s24  }
0xb0: {  	[dreg:$0x4] =	wrdreg $0x0  }
0xb1: {  	[dreg:$0x5] =	wrdreg $0xA  }
0xb2: {  	_ =	task.clear_ibuf [dreg:s7], $0x6FFFF;
	_ =	strace $0x90000046  }
0xb3: {  	s29 =	simm.s32 $0xA;
	_ =	strace $0x80000048  }
0xb4: {  	_ =	swait.ge [sflag:s29], $0x1  }
0xb5: {  	[sflag:s29] =	ssyncadd.s32 $0xFFFFFFFF  }
0xb6: {  	_ =	strace $0x90000048  }
0xb7: {  	_ =	sfence  }
0xb8: {  	s30 =	sld [smem:$0x0];
	_ =	sdelay $0x2  }
0xb9: {  	s31 =	sshll.u32 s1, $0xD;
	s1 =	sshrl.u32 s1, $0x2  }
0xba: {  	s3 =	sand.u32 $0x4000, s31;
	s1 =	sadd.s32 s1, s30  }
0xbb: {  	s0 =	sor.u32 s3, s0;
	s1 =	sshll.u32 s1, $0x11  }
0xbc: {  	s0 =	sor.u32 s1, s0  }
0xbd: {  	s0 =	sadd.s32 $0x8F2B, s0  }
0xbe: {  	[sflag:s0] =	ssyncadd.remote.s32 $0x1  }
0xbf: {  	_ =	sfence.sel $0xFFFF  }
0xc0: {  	[dreg:$0x0] =	wrdreg $0xFFFFFFFF;
	(pc) =	sbr.abs _section_cstart, $3  }
0xc1: {  	[dreg:$0x1] =	wrdreg $0xFFFFFFFF  }
0xc2: {  	_ =	task.clear_ibuf [dreg:s7], $0x2FFFF;
	_ =	strace $0x9FFFFFFF  }
0xc3: {  	(tm) =	ssettm $0x7FFFFFFF  }
tec
execute0_lowered:
.L_overlay_start_1:
0x0: {  	(tag) =	ssettag $0x1  }
0x1: {  	s1 =	rddreg [dreg:$0x0];
	s0 =	stileid.u32  }
0x2: {  	s2 =	srdreg.scid;
	s5 =	rddreg [dreg:$0x1]  }
0x3: {  	s3 =	rddreg [dreg:$0x2];
	s4 =	simm.s32 $0x0;
	s15 =	simm.s32 $0x14200  }
0x4: {  	s16 =	simm.s32 $0x2;
	s17 =	simm.s32 $0x14000;
	s18 =	simm.s32 $0x14080  }
0x5: {  	s19 =	simm.s32 $0x14100;
	s20 =	simm.s32 $0x80;
	s6 =	smul.u32 $0x9D0, s0  }
0x6: {  	s21 =	sand.u32 $0x1, s2;
	s2 =	rddreg [dreg:$0x3];
	s8 =	smul.u32 $0x14000, s0  }
0x7: {  	s23 =	simm.s32 $0x0;
	[smem:$0x7FF] =	sst s4;
	s9 =	smul.u32 $0x50000, s0  }
0x8: {  	s12 =	sshll.u32 s0, $0x3;
	s7 =	smul.u32 $0x140000, s21;
	_ =	strace $0x80000047  }
0x9: {  	v0 =	vlaneseq.u32;
	s29 =	ssub.s32 $0x2, s21;
	s22 =	sadd.s32 $0x2710, s12;
	v1 =	vmov s21;
	s21 =	simm.s32 $0x1  }
0xa: {  	v0 =	vand.u32 $0x7, v0;
	s14 =	sadd.s32 s6, s5;
	s30 =	sshrl.u32 s9, $0x2;
	s31 =	sshrl.u32 s29, $0x1  }
0xb: {  	v0 =	vor.u32 s22, v0;
	s22 =	simm.s32 $0x14180;
	s28 =	sadd.s32 s8, s7;
	s11 =	ssub.s32 s29, s31  }
0xc: {  	s12 =	sadd.s32 $0x16200, s14;
	s13 =	sadd.s32 $0x2600, s14;
	s6 =	sshrl.u32 s28, $0x3  }
0xd: {  	s14 =	sadd.s32 $0xC400, s14;
	s10 =	sadd.s32 s6, s5;
	s5 =	sadd.s32 s30, s3  }
0xe: {  	s11 =	smax.u32 s11, $0x1;
	s6 =	sadd.s32 $0x4000, s5;
	s7 =	sadd.s32 $0x8000, s5  }
0xf: {  	v2 =	vimm.f32 $0.0e+00;
	s8 =	sadd.s32 $0xC000, s5;
	s9 =	sadd.s32 $0x10000, s5;
	s10 =	sadd.s32 $0x20000, s10  }
.LBB2_1:
0x10: {  	s24 =	simm.s32 $0x0;
	s25 =	simm.s32 $0x200  }
.LBB2_2:
0x11: {  	p0 =	sne.s32 s25, $0xFE00;
	[tilespmem:s24+$0x14270] =	vst v2  }
0x12: {  	[tilespmem:s24+$0x14200] =	vst v2  }
0x13: {  	[tilespmem:s24+$0x14210] =	vst v2  }
.Ltmp0:
0x14: {  	[tilespmem:s24+$0x14220] =	vst v2;
	(pc) =	sbr.rel @p0 .LBB2_2-.Ltmp0, $4  }
0x15: {  	[tilespmem:s24+$0x14230] =	vst v2  }
0x16: {  	[tilespmem:s24+$0x14240] =	vst v2  }
0x17: {  	[tilespmem:s24+$0x14250] =	vst v2  }
0x18: {  	[tilespmem:s24+$0x14260] =	vst v2;
	s24 =	sshra.s32 s25, $0x2;
	s25 =	sadd.s32 $0x200, s25  }
0x19: {  	[tilespmem:s24+$0x14270] =	vst v2  }
0x1a: {  	[tilespmem:s24+$0x14200] =	vst v2  }
0x1b: {  	[tilespmem:s24+$0x14210] =	vst v2  }
0x1c: {  	[tilespmem:s24+$0x14220] =	vst v2  }
0x1d: {  	[tilespmem:s24+$0x14230] =	vst v2  }
0x1e: {  	[tilespmem:s24+$0x14240] =	vst v2  }
0x1f: {  	[tilespmem:s24+$0x14250] =	vst v2  }
0x20: {  	[tilespmem:s24+$0x14260] =	vst v2  }
0x21: {  	[spmem:s5] =	stream.linear.scatter [tilespmem:s15], [sflag:$0x2], $0x4000, $0x38;
	[tilespmem:$0x18200] =	vst v63  }
0x22: {  	_ =	swait.ge [sflag:s16], $0x4000  }
0x23: {  	[sflag:s16] =	ssyncset.done $0x0  }
0x24: {  	[sflag:s16] =	ssyncadd.s32 $0xFFFFC000  }
0x25: {  	[spmem:s6] =	stream.linear.scatter [tilespmem:s15], [sflag:$0x2], $0x4000, $0x38;
	[tilespmem:$0x18200] =	vst v63  }
0x26: {  	_ =	swait.ge [sflag:s16], $0x4000  }
0x27: {  	[sflag:s16] =	ssyncset.done $0x0  }
0x28: {  	[sflag:s16] =	ssyncadd.s32 $0xFFFFC000  }
0x29: {  	[spmem:s7] =	stream.linear.scatter [tilespmem:s15], [sflag:$0x2], $0x4000, $0x38;
	[tilespmem:$0x18200] =	vst v63  }
0x2a: {  	_ =	swait.ge [sflag:s16], $0x4000  }
0x2b: {  	[sflag:s16] =	ssyncset.done $0x0  }
0x2c: {  	[sflag:s16] =	ssyncadd.s32 $0xFFFFC000  }
0x2d: {  	[spmem:s8] =	stream.linear.scatter [tilespmem:s15], [sflag:$0x2], $0x4000, $0x38;
	[tilespmem:$0x18200] =	vst v63  }
0x2e: {  	_ =	swait.ge [sflag:s16], $0x4000  }
0x2f: {  	[sflag:s16] =	ssyncset.done $0x0  }
0x30: {  	[sflag:s16] =	ssyncadd.s32 $0xFFFFC000  }
0x31: {  	[spmem:s9] =	stream.linear.scatter [tilespmem:s15], [sflag:$0x2], $0x4000, $0x38;
	[tilespmem:$0x18200] =	vst v63  }
0x32: {  	_ =	swait.ge [sflag:s16], $0x4000  }
0x33: {  	[sflag:s16] =	ssyncset.done $0x0  }
0x34: {  	[sflag:s16] =	ssyncadd.s32 $0xFFFFC000  }
0x35: {  	s29 =	sadd.s32 $0x0, s14;
	[bflag:$0x0] =	sbarrier.arrive $0xFFFF  }
0x36: {  	[tilespmem:s17], [sflag:$0x2] =	stream.linear.gather [hbm4b:s29+s4], $0x80, $0x38;
	[tilespmem:$0x18200] =	vst v63  }
0x37: {  	_ =	swait.ge [sflag:s16], $0x80  }
0x38: {  	[sflag:s16] =	ssyncset.done $0x0  }
0x39: {  	s30 =	sadd.s32 $0x0, s13;
	[sflag:s16] =	ssyncadd.s32 $0xFFFFFF80  }
0x3a: {  	[tilespmem:s18], [sflag:$0x2] =	stream.linear.gather [hbm4b:s30+s4], $0x80, $0x38;
	[tilespmem:$0x18200] =	vst v63  }
0x3b: {  	_ =	swait.ge [sflag:s16], $0x80  }
0x3c: {  	[sflag:s16] =	ssyncset.done $0x0  }
0x3d: {  	s31 =	sadd.s32 $0x0, s12;
	[sflag:s16] =	ssyncadd.s32 $0xFFFFFF80  }
0x3e: {  	[tilespmem:s19], [sflag:$0x2] =	stream.linear.gather [hbm4b:s31+s4], $0x80, $0x38;
	[tilespmem:$0x18200] =	vst v63  }
0x3f: {  	_ =	swait.ge [sflag:s16], $0x80  }
0x40: {  	[sflag:s16] =	ssyncset.done $0x0  }
0x41: {  	[sflag:s16] =	ssyncadd.s32 $0xFFFFFF80  }
0x42: {  	v3 =	vld [tilespmem:$0x14080]  }
0x43: {  	v5 =	vld [tilespmem:$0x140D0]  }
0x44: {  	v6 =	vld [tilespmem:$0x140B0]  }
0x45: {  	v8 =	vld [tilespmem:$0x140A0]  }
0x46: {  	v4 =	vld [tilespmem:$0x14150]  }
0x47: {  	v7 =	vld [tilespmem:$0x14130]  }
0x48: {  	v9 =	vld [tilespmem:$0x14120]  }
0x49: {  	v10 =	vld [tilespmem:$0x140F0]  }
0x4a: {  	v11 =	vld [tilespmem:$0x14170]  }
0x4b: {  	v12 =	vld [tilespmem:$0x14110]  }
0x4c: {  	vm0 =	veq.s32 v4, v1;
	v4 =	vld [tilespmem:$0x14160]  }
0x4d: {  	vm1 =	veq.s32 v7, v1;
	v7 =	vsel vm0, v5, v0;
	v5 =	vld [tilespmem:$0x14100]  }
0x4e: {  	vm0 =	veq.s32 v9, v1;
	v6 =	vsel vm1, v6, v0;
	[tilespmem:$0x141D0] =	vst v7;
	v7 =	vld [tilespmem:$0x14140]  }
0x4f: {  	vm1 =	veq.s32 v11, v1;
	v8 =	vsel vm0, v8, v0;
	[tilespmem:$0x141B0] =	vst v6;
	v6 =	vld [tilespmem:$0x140C0]  }
0x50: {  	s24 =	simm.s32 $0x10;
	vm0 =	veq.s32 v12, v1;
	v9 =	vsel vm1, v10, v0;
	[tilespmem:$0x141A0] =	vst v8;
	v8 =	vld [tilespmem:$0x14090]  }
.LBB2_4:
0x51: {  	p0 =	sne.s32 s24, $0x9C0;
	v10 =	vld [tilespmem:$0x140E0];
	s25 =	smov.u32 s24;
	s24 =	sadd.s32 $0x10, s24  }
0x52: {  	vm1 =	veq.s32 v5, v1  }
0x53: {  	v3 =	vsel vm1, v3, v0;
	vm1 =	veq.s32 v7, v1;
	[tilespmem:$0x141F0] =	vst v9  }
0x54: {  	[tilespmem:$0x14180] =	vst v3;
	v3 =	vsel vm1, v6, v0  }
0x55: {  	v5 =	vsel vm0, v8, v0;
	[tilespmem:$0x141C0] =	vst v3;
	vm0 =	veq.s32 v4, v1  }
0x56: {  	[tilespmem:$0x14190] =	vst v5;
	v3 =	vsel vm0, v10, v0  }
0x57: {  	[tilespmem:$0x141E0] =	vst v3  }
0x58: {  	[tilespmem:s15], [sflag:$0x1] =	stream.indirect.gather [hbm4b:s1+s20], $0x80, s17, s20, $0xb8;
	[tilespmem:$0x18200] =	vst v63  }
0x59: {  	_ =	swait.ge [sflag:s21], $0x4000  }
0x5a: {  	[sflag:s21] =	ssyncset.done $0x0  }
0x5b: {  	[sflag:s21] =	ssyncadd.s32 $0xFFFFC000  }
0x5c: {  	[spmem:s3] =	stream.indirect.scatter.add.f32 [tilespmem:s15], [sflag:$0x2], $0x80, s22, s20, $0xb8;
	[tilespmem:$0x18200] =	vst v63  }
0x5d: {  	_ =	swait.ge [sflag:s16], $0x4000  }
0x5e: {  	[sflag:s16] =	ssyncset.done $0x0  }
0x5f: {  	s26 =	sadd.s32 s25, s14;
	[sflag:s16] =	ssyncadd.s32 $0xFFFFC000  }
0x60: {  	[tilespmem:s17], [sflag:$0x2] =	stream.linear.gather [hbm4b:s26+s4], $0x80, $0x38;
	[tilespmem:$0x18200] =	vst v63  }
0x61: {  	_ =	swait.ge [sflag:s16], $0x80  }
0x62: {  	[sflag:s16] =	ssyncset.done $0x0  }
0x63: {  	s26 =	sadd.s32 s25, s13;
	[sflag:s16] =	ssyncadd.s32 $0xFFFFFF80  }
0x64: {  	[tilespmem:s18], [sflag:$0x2] =	stream.linear.gather [hbm4b:s26+s4], $0x80, $0x38;
	[tilespmem:$0x18200] =	vst v63  }
0x65: {  	_ =	swait.ge [sflag:s16], $0x80  }
0x66: {  	[sflag:s16] =	ssyncset.done $0x0  }
0x67: {  	s25 =	sadd.s32 s25, s12;
	[sflag:s16] =	ssyncadd.s32 $0xFFFFFF80  }
0x68: {  	[tilespmem:s19], [sflag:$0x2] =	stream.linear.gather [hbm4b:s25+s4], $0x80, $0x38;
	[tilespmem:$0x18200] =	vst v63  }
0x69: {  	_ =	swait.ge [sflag:s16], $0x80  }
0x6a: {  	[sflag:s16] =	ssyncset.done $0x0  }
0x6b: {  	[sflag:s16] =	ssyncadd.s32 $0xFFFFFF80  }
0x6c: {  	v3 =	vld [tilespmem:$0x14080]  }
0x6d: {  	v4 =	vld [tilespmem:$0x140D0]  }
0x6e: {  	v6 =	vld [tilespmem:$0x140B0]  }
0x6f: {  	v7 =	vld [tilespmem:$0x140A0]  }
0x70: {  	v5 =	vld [tilespmem:$0x14150]  }
0x71: {  	v8 =	vld [tilespmem:$0x14130]  }
0x72: {  	v9 =	vld [tilespmem:$0x14120]  }
0x73: {  	v10 =	vld [tilespmem:$0x140F0]  }
0x74: {  	v11 =	vld [tilespmem:$0x14170]  }
0x75: {  	v12 =	vld [tilespmem:$0x14110];
	vm0 =	veq.s32 v5, v1  }
.Ltmp1:
0x76: {  	vm1 =	veq.s32 v8, v1;
	v8 =	vsel vm0, v4, v0;
	v4 =	vld [tilespmem:$0x14160];
	(pc) =	sbr.rel @p0 .LBB2_4-.Ltmp1, $4  }
0x77: {  	v5 =	vld [tilespmem:$0x14100];
	vm0 =	veq.s32 v9, v1;
	v6 =	vsel vm1, v6, v0;
	[tilespmem:$0x141D0] =	vst v8  }
0x78: {  	v8 =	vsel vm0, v7, v0;
	[tilespmem:$0x141B0] =	vst v6;
	v7 =	vld [tilespmem:$0x14140]  }
0x79: {  	[tilespmem:$0x141A0] =	vst v8;
	v6 =	vld [tilespmem:$0x140C0];
	vm1 =	veq.s32 v11, v1  }
0x7a: {  	v8 =	vld [tilespmem:$0x14090];
	vm0 =	veq.s32 v12, v1;
	v9 =	vsel vm1, v10, v0  }
0x7b: {  	v10 =	vld [tilespmem:$0x140E0]  }
0x7c: {  	vm1 =	veq.s32 v5, v1  }
0x7d: {  	[tilespmem:$0x141F0] =	vst v9;
	v3 =	vsel vm1, v3, v0;
	vm14 =	veq.s32 v7, v1  }
0x7e: {  	[tilespmem:$0x14180] =	vst v3;
	v3 =	vsel vm14, v6, v0  }
0x7f: {  	vm15 =	veq.s32 v4, v1;
	v63 =	vsel vm0, v8, v0;
	[tilespmem:$0x141C0] =	vst v3  }
0x80: {  	[tilespmem:$0x14190] =	vst v63;
	v3 =	vsel vm15, v10, v0  }
0x81: {  	[tilespmem:$0x141E0] =	vst v3  }
0x82: {  	[tilespmem:s15], [sflag:$0x1] =	stream.indirect.gather [hbm4b:s1+s20], $0x80, s17, s20, $0xb8;
	[tilespmem:$0x18200] =	vst v63  }
0x83: {  	_ =	swait.ge [sflag:s21], $0x4000  }
0x84: {  	[sflag:s21] =	ssyncset.done $0x0  }
0x85: {  	[sflag:s21] =	ssyncadd.s32 $0xFFFFC000  }
0x86: {  	[spmem:s3] =	stream.indirect.scatter.add.f32 [tilespmem:s15], [sflag:$0x2], $0x80, s22, s20, $0xb8;
	[tilespmem:$0x18200] =	vst v63  }
0x87: {  	_ =	swait.ge [sflag:s16], $0x4000  }
0x88: {  	s24 =	sshll.u32 s0, $0x6;
	s23 =	sadd.s32 $0x1, s23;
	[sflag:s16] =	ssyncset.done $0x0  }
0x89: {  	s25 =	sshrl.u32 s5, $0x3;
	p0 =	sne.s32 s23, s11;
	[sflag:s16] =	ssyncadd.s32 $0xFFFFC000  }
.Ltmp2:
0x8a: {  	s24 =	sor.u32 $0x1C02, s24;
	[bflag:$0x0] =	sbarrier.arrive $0xFFFF;
	(pc) =	sbr.rel @p0 .LBB2_1-.Ltmp2, $4  }
0x8b: {  	[hbm:s10], [sflag:s24] =	dma.local [spmem:s25], $0x2800  }
0x8c: {  	_ =	swait.ge [sflag:s16], $0x2800  }
0x8d: {  	[sflag:s16] =	ssyncset.done $0x0  }
0x8e: {  	[sflag:s16] =	ssyncadd.s32 $0xFFFFD800  }
0x8f: {  	_ =	sfence.sel $0x180000  }
0x90: {  	[bflag:$0x0] =	sbarrier.arrive $0xFFFF  }
0x91: {  	p0 =	sne.s32 s0, $0x0;
	_ =	strace $0x90000047  }
0x92: {  	s0 =	sadd.s32 @!p0 $0x100000, s2;
	[bflag:$0x2] =	sbarrier.arrive $0xFFFF  }
0x93: {  	[sflag:s0] =	ssyncadd.tile.s32 @!p0 $0x1;
	_ =	shalt  }
.Lfunc_end2:
_tile_overlayer_lowered:
.L_overlay_start_2:
0x94: {  	(tag) =	ssettag $0x2  }
0x95: {  	s0 =	rddreg [dreg:$0x0];
	s2 =	stileid.u32  }
0x96: {  	s1 =	rddreg [dreg:$0x1];
	p0 =	sne.s32 s2, $0x0  }
0x97: {  	s3 =	rddreg [dreg:$0x2];
	[bflag:$0x3] =	sbarrier.arrive $0xFFFF;
	s2 =	simm.s32 @!p0 $0x1C02  }
0x98: {  	[timem:s3], [sflag:s2] =	dma.local @!p0 [hbm:s0], s1  }
0x99: {  	s0 =	simm.s32 @!p0 $0x2  }
0x9a: {  	_ =	swait.ge @!p0 [sflag:s0], s1  }
0x9b: {  	s1 =	ssub.s32 @!p0 $0x0, s1;
	[sflag:s0] =	ssyncset.done @!p0 $0x0  }
0x9c: {  	[sflag:s0] =	ssyncadd.s32 @!p0 s1  }
0x9d: {  	[bflag:$0x3] =	sbarrier.arrive $0xFFFF  }
0x9e: {  	_ =	shalt  }

// kernel: kernel.14.cloned.1.call-start
scs
__scs_entry_jumppad:
0x0: {  	(pc) =	sbr.rel $0x88, $3  }
0x1: {  	(tag) =	ssettag $0x0;
	lr =	simm.s32 $0x1  }
0x2: {  	[smem:$0x3F96] =	sst lr;
	_ =	strace $0xD0000000  }
0x3: {  	_ = 	snop  }
0x4: {  	_ = 	snop  }
0x5: {  	_ = 	snop  }
0x6: {  	_ = 	snop  }
0x7: {  	_ = 	snop  }
__scs_overlays_trampoline_lowered:
0x8: {  	[smem:$0x3FA5] =	sst s0  }
0x9: {  	[smem:$0x3FA6] =	sst s1  }
0xa: {  	[smem:$0x3FA7] =	sst s2  }
0xb: {  	[smem:$0x3FA8] =	sst s3  }
0xc: {  	[smem:$0x3FA9] =	sst s4  }
0xd: {  	[smem:$0x3FAA] =	sst s5  }
0xe: {  	[smem:$0x3FAB] =	sst s6  }
0xf: {  	[smem:$0x3FAC] =	sst s7  }
0x10: {  	[smem:$0x3FAD] =	sst s8  }
0x11: {  	[smem:$0x3FAE] =	sst s9;
	s0 =	simm.s32 @!p0 $0x0  }
0x12: {  	s1 =	sld [smem:$0x3F94];
	s0 =	simm.s32 @p0 $0x1  }
0x13: {  	[smem:$0x3FAF] =	sst s0;
	s0 =	simm.s32 @!p1 $0x0  }
0x14: {  	s2 =	sld [smem:$0x3F93];
	s0 =	simm.s32 @p1 $0x1  }
0x15: {  	[smem:$0x3FB0] =	sst s0;
	s0 =	simm.s32 @!p2 $0x0  }
0x16: {  	s3 =	sld [smem:$0x3FDB];
	s0 =	simm.s32 @p2 $0x1  }
0x17: {  	s4 =	simm.s32 $0x1BF5;
	[smem:$0x3FB2] =	sst s0  }
0x18: {  	s0 =	sld [smem:$0x3F95];
	_ =	swait.ge [sflag:s4], $0x0  }
0x19: {  	s7 =	sld [smem:$0x3F96]  }
0x1a: {  	s8 =	sadd.s32 $0xFFFFE003, lr  }
0x1b: {  	s9 =	sadd.s32 $0xFFFFFEF7, lr;
	s5 =	simm.s32 $0xFFFFFFFF;
	p2 =	slt.u32 s8, $0xFFFFF086  }
0x1c: {  	p1 =	slt.u32 s9, $0xF7A;
	s5 =	simm.s32 @!p2 $0x0  }
0x1d: {  	s5 =	simm.s32 @p1 $0x1;
	p0 =	seq.s32 s7, s2  }
0x1e: {  	s7 =	smul.u32 @!p0 $0xF7A, s2;
	p2 =	seq.s32 @!p0 s5, $0x0  }
0x1f: {  	s9 =	smul.u32 $0xF7A, s1;
	s8 =	simm.s32 @!p0 $0x1BF5;
	p2 =	por !p2, p0  }
0x20: {  	[sflag:s8] =	ssyncset.s32 @!p0 $0xFFFFF086;
	s6 =	sadd.s32 @!p0 s3, s7;
	s7 =	simm.s32 @!p0 $0x108  }
0x21: {  	s3 =	sadd.s32 s3, s9;
	s6 =	sadd.s32 @!p0 $0x88, s6;
	s7 =	simm.s32 @p2 $0x1082  }
0x22: {  	[simem:s7], [sflag:s8] =	dma.local @!p0 [hbm:s6], $0xF7A  }
0x23: {  	s9 =	sor.u32 $0xD0000000, s2;
	s6 =	simm.s32 $0x108;
	_ =	swait.ge @!p0 [sflag:s8], $0x0  }
0x24: {  	s3 =	sadd.s32 $0x88, s3;
	s6 =	simm.s32 @!p1 $0x1082;
	[sflag:s4] =	ssyncset.s32 $0xFFFFF086  }
0x25: {  	[simem:s6], [sflag:s4] =	dma.local [hbm:s3], $0xF7A  }
0x26: {  	[smem:$0x3F96] =	sst s1;
	(tag) =	ssettag s2;
	_ =	strace s9  }
0x27: {  	s1 =	sld [smem:$0x3FA6]  }
0x28: {  	s2 =	sld [smem:$0x3FA7]  }
0x29: {  	s4 =	sld [smem:$0x3FA9]  }
0x2a: {  	p0 =	seq.s32 s5, $0x0;
	s5 =	sld [smem:$0x3FAA]  }
0x2b: {  	s6 =	sld [smem:$0x3FAB]  }
0x2c: {  	s7 =	sld [smem:$0x3FAC]  }
0x2d: {  	s3 =	simm.s32 $0x108;
	s8 =	sld [smem:$0x3FAD]  }
0x2e: {  	s3 =	simm.s32 @!p0 $0x1082;
	s9 =	sld [smem:$0x3FAE]  }
0x2f: {  	lr =	sadd.s32 s0, s3;
	s0 =	sld [smem:$0x3FA5]  }
0x30: {  	s3 =	sld [smem:$0x3FA8]  }
0x31: {  	[smem:$0x3FB1] =	sst s10  }
0x32: {  	s10 =	sld [smem:$0x3FAF];
	_ =	sdelay $0x3  }
0x33: {  	p0 =	seq.s32 s10, $0x1;
	s10 =	sld [smem:$0x3FB1];
	_ =	sdelay $0x3  }
0x34: {  	[smem:$0x3FB1] =	sst s10  }
0x35: {  	s10 =	sld [smem:$0x3FB0];
	_ =	sdelay $0x3  }
0x36: {  	p1 =	seq.s32 s10, $0x1;
	s10 =	sld [smem:$0x3FB1];
	_ =	sdelay $0x3  }
0x37: {  	[smem:$0x3FB1] =	sst s10  }
0x38: {  	s10 =	sld [smem:$0x3FB2]  }
0x39: {  	_ = 	snop;
	(pc) =	sbr.ind lr, $3  }
0x3a: {  	_ = 	snop  }
0x3b: {  	_ = 	snop  }
0x3c: {  	p2 =	seq.s32 s10, $0x1;
	s10 =	sld [smem:$0x3FB1]  }
0x3d: {  	_ =	shalt  }
0x3e: {  	_ =	shalt  }
0x3f: {  	_ =	shalt  }
0x40: {  	_ =	shalt  }
0x41: {  	_ =	shalt  }
0x42: {  	_ =	shalt  }
0x43: {  	_ =	shalt  }
0x44: {  	_ =	shalt  }
0x45: {  	_ =	shalt  }
0x46: {  	_ =	shalt  }
0x47: {  	_ =	shalt  }
0x48: {  	_ =	shalt  }
0x49: {  	_ =	shalt  }
0x4a: {  	_ =	shalt  }
0x4b: {  	_ =	shalt  }
0x4c: {  	_ =	shalt  }
0x4d: {  	_ =	shalt  }
0x4e: {  	_ =	shalt  }
0x4f: {  	_ =	shalt  }
0x50: {  	_ =	shalt  }
0x51: {  	_ =	shalt  }
0x52: {  	_ =	shalt  }
0x53: {  	_ =	shalt  }
0x54: {  	_ =	shalt  }
0x55: {  	_ =	shalt  }
0x56: {  	_ =	shalt  }
0x57: {  	_ =	shalt  }
0x58: {  	_ =	shalt  }
0x59: {  	_ =	shalt  }
0x5a: {  	_ =	shalt  }
0x5b: {  	_ =	shalt  }
0x5c: {  	_ =	shalt  }
0x5d: {  	_ =	shalt  }
0x5e: {  	_ =	shalt  }
0x5f: {  	_ =	shalt  }
0x60: {  	_ =	shalt  }
0x61: {  	_ =	shalt  }
0x62: {  	_ =	shalt  }
0x63: {  	_ =	shalt  }
0x64: {  	_ =	shalt  }
0x65: {  	_ =	shalt  }
0x66: {  	_ =	shalt  }
0x67: {  	_ =	shalt  }
0x68: {  	_ =	shalt  }
0x69: {  	_ =	shalt  }
0x6a: {  	_ =	shalt  }
0x6b: {  	_ =	shalt  }
0x6c: {  	_ =	shalt  }
0x6d: {  	_ =	shalt  }
0x6e: {  	_ =	shalt  }
0x6f: {  	_ =	shalt  }
0x70: {  	_ =	shalt  }
0x71: {  	_ =	shalt  }
0x72: {  	_ =	shalt  }
0x73: {  	_ =	shalt  }
0x74: {  	_ =	shalt  }
0x75: {  	_ =	shalt  }
0x76: {  	_ =	shalt  }
0x77: {  	_ =	shalt  }
0x78: {  	_ =	shalt  }
0x79: {  	_ =	shalt  }
0x7a: {  	_ =	shalt  }
0x7b: {  	_ =	shalt  }
0x7c: {  	_ =	shalt  }
0x7d: {  	_ =	shalt  }
0x7e: {  	_ =	shalt  }
0x7f: {  	_ =	shalt  }
0x80: {  	_ =	shalt  }
0x81: {  	_ =	shalt  }
0x82: {  	_ =	shalt  }
0x83: {  	_ =	shalt  }
0x84: {  	_ =	shalt  }
0x85: {  	_ =	shalt  }
0x86: {  	_ =	shalt  }
0x87: {  	_ =	shalt  }
.Lfunc_end0:
.L_simem_size_0:
called_computation.2_lowered:
.L_overlay_start_0:
0x88: {  	s2 =	sld [smem:$0x3FD9]  }
0x89: {  	s3 =	sld [smem:$0x3FFE];
	_ =	sdelay $0x1  }
0x8a: {  	s1 =	srdreg.scid  }
0x8b: {  	s0 =	sand.u32 $0x1, s1  }
0x8c: {  	s17 =	sshll.u32 s0, $0xA;
	s2 =	sadd.s32 s3, s2  }
0x8d: {  	s2 =	sadd.s32 s2, s17  }
0x8e: {  	[smem:$0x3FBD] =	sst s2  }
0x8f: {  	_ = 	snop  }
0x90: {  	s2 =	sld [smem:$0x3FD0];
	(tm) =	ssettm $0x1  }
0x91: {  	s18 =	sld [smem:$0x3FFB];
	_ =	sdelay $0x3  }
0x92: {  	_ =	strace s18  }
0x93: {  	s3 =	sld [smem:$0x3FFC];
	_ =	sdelay $0x3  }
0x94: {  	_ =	strace s3  }
0x95: {  	s3 =	sld [smem:$0x3FFD];
	_ =	sdelay $0x3  }
0x96: {  	_ =	strace s3  }
0x97: {  	_ =	strace $0x8FFFFFFF  }
0x98: {  	s19 =	sld [smem:$0x3FDB];
	_ =	sdelay $0x1  }
0x99: {  	s4 =	simm.s32 $_scs_section_size  }
0x9a: {  	s5 =	simm.s32 $_size__tile_overlayer_lowered;
	s6 =	simm.s32 $_tile_overlayer_lowered  }
0x9b: {  	s22 =	simm.s32 $0x1BFF;
	s21 =	sshll.u32 s6, $0x1;
	s3 =	sadd.s32 s4, s19  }
0x9c: {  	s7 =	simm.s32 $0x0;
	s20 =	sshll.u32 s5, $0x1;
	s5 =	sadd.s32 s21, s3  }
0x9d: {  	[timem:s7], [sflag:s22] =	dma.local [hbm:s5], s20  }
0x9e: {  	_ =	swait.ge [sflag:s22], s20  }
0x9f: {  	s4 =	ssub.s32 $0x0, s20;
	[sflag:s22] =	ssyncset.done $0x0  }
0xa0: {  	[sflag:s22] =	ssyncadd.s32 s4;
	_ =	sdelay $0x1  }
0xa1: {  	s23 =	simm.s32 $0x1B8B  }
0xa2: {  	_ =	swait.ge [sflag:s23], $0x1  }
0xa3: {  	[sflag:s23] =	ssyncset.done $0x0  }
0xa4: {  	s25 =	simm.s32 $0x1B8E;
	s24 =	sld [smem:$0x3FFE];
	[sflag:s23] =	ssyncadd.s32 $0xFFFFFFFF  }
0xa5: {  	s26 =	simm.s32 $execute0_lowered;
	[smem:$0x3FD2] =	sst s25  }
0xa6: {  	s5 =	sshll.u32 s26, $0x1;
	_ =	strace $0x8000004C;
	[dreg:$0x1] =	wrdreg $0xFFFFFFFF  }
0xa7: {  	s28 =	simm.s32 $_size_execute0_lowered;
	s3 =	sadd.s32 s3, s5;
	[dreg:$0x0] =	wrdreg $0x0  }
0xa8: {  	s5 =	sshll.u32 s28, $0x1;
	[dreg:$0x2] =	wrdreg s3  }
0xa9: {  	[dreg:$0x3] =	wrdreg s5  }
0xaa: {  	[dreg:$0x4] =	wrdreg $0xC0  }
0xab: {  	_ =	task [dreg:s7], $0x5FFFF  }
0xac: {  	[dreg:$0x1] =	wrdreg $0xFFFFFFFF  }
0xad: {  	[dreg:$0x0] =	wrdreg $0x60  }
0xae: {  	[dreg:$0x2] =	wrdreg s2  }
0xaf: {  	[dreg:$0x3] =	wrdreg s24  }
0xb0: {  	[dreg:$0x4] =	wrdreg $0x0  }
0xb1: {  	[dreg:$0x5] =	wrdreg $0x9  }
0xb2: {  	_ =	task.clear_ibuf [dreg:s7], $0x6FFFF;
	_ =	strace $0x9000004C  }
0xb3: {  	s29 =	simm.s32 $0x9;
	_ =	strace $0x8000004E  }
0xb4: {  	_ =	swait.ge [sflag:s29], $0x1  }
0xb5: {  	[sflag:s29] =	ssyncadd.s32 $0xFFFFFFFF  }
0xb6: {  	_ =	strace $0x9000004E  }
0xb7: {  	_ =	sfence  }
0xb8: {  	s30 =	sld [smem:$0x0];
	_ =	sdelay $0x2  }
0xb9: {  	s31 =	sshll.u32 s1, $0xD;
	s1 =	sshrl.u32 s1, $0x2  }
0xba: {  	s3 =	sand.u32 $0x4000, s31;
	s1 =	sadd.s32 s1, s30  }
0xbb: {  	s0 =	sor.u32 s3, s0;
	s1 =	sshll.u32 s1, $0x11  }
0xbc: {  	s0 =	sor.u32 s1, s0  }
0xbd: {  	s0 =	sadd.s32 $0x8F2B, s0  }
0xbe: {  	[sflag:s0] =	ssyncadd.remote.s32 $0x1  }
0xbf: {  	_ =	sfence.sel $0xFFFF  }
0xc0: {  	[dreg:$0x0] =	wrdreg $0xFFFFFFFF;
	(pc) =	sbr.abs _section_cstart, $3  }
0xc1: {  	[dreg:$0x1] =	wrdreg $0xFFFFFFFF  }
0xc2: {  	_ =	task.clear_ibuf [dreg:s7], $0x2FFFF;
	_ =	strace $0x9FFFFFFF  }
0xc3: {  	(tm) =	ssettm $0x7FFFFFFF  }
tec
execute0_lowered:
.L_overlay_start_1:
0x0: {  	(tag) =	ssettag $0x1  }
0x1: {  	s1 =	rddreg [dreg:$0x0];
	s0 =	stileid.u32  }
0x2: {  	s2 =	srdreg.scid;
	s5 =	rddreg [dreg:$0x1]  }
0x3: {  	s3 =	rddreg [dreg:$0x2];
	s4 =	simm.s32 $0x0;
	s15 =	simm.s32 $0x14200  }
0x4: {  	s16 =	simm.s32 $0x2;
	s17 =	simm.s32 $0x14000;
	s18 =	simm.s32 $0x14080  }
0x5: {  	s19 =	simm.s32 $0x14100;
	s20 =	simm.s32 $0x80;
	s6 =	smul.u32 $0x9D0, s0  }
0x6: {  	s21 =	sand.u32 $0x1, s2;
	s2 =	rddreg [dreg:$0x3];
	s8 =	smul.u32 $0x14000, s0  }
0x7: {  	s23 =	simm.s32 $0x0;
	[smem:$0x7FF] =	sst s4;
	s9 =	smul.u32 $0x50000, s0  }
0x8: {  	s12 =	sshll.u32 s0, $0x3;
	s7 =	smul.u32 $0x140000, s21;
	_ =	strace $0x8000004D  }
0x9: {  	v0 =	vlaneseq.u32;
	s29 =	ssub.s32 $0x2, s21;
	s22 =	sadd.s32 $0x2710, s12;
	v1 =	vmov s21;
	s21 =	simm.s32 $0x1  }
0xa: {  	v0 =	vand.u32 $0x7, v0;
	s14 =	sadd.s32 s6, s5;
	s30 =	sshrl.u32 s9, $0x2;
	s31 =	sshrl.u32 s29, $0x1  }
0xb: {  	v0 =	vor.u32 s22, v0;
	s22 =	simm.s32 $0x14180;
	s28 =	sadd.s32 s8, s7;
	s11 =	ssub.s32 s29, s31  }
0xc: {  	s12 =	sadd.s32 $0x16200, s14;
	s13 =	sadd.s32 $0x2600, s14;
	s6 =	sshrl.u32 s28, $0x3  }
0xd: {  	s14 =	sadd.s32 $0xC400, s14;
	s10 =	sadd.s32 s6, s5;
	s5 =	sadd.s32 s30, s3  }
0xe: {  	s11 =	smax.u32 s11, $0x1;
	s6 =	sadd.s32 $0x4000, s5;
	s7 =	sadd.s32 $0x8000, s5  }
0xf: {  	v2 =	vimm.f32 $0.0e+00;
	s8 =	sadd.s32 $0xC000, s5;
	s9 =	sadd.s32 $0x10000, s5;
	s10 =	sadd.s32 $0x20000, s10  }
.LBB2_1:
0x10: {  	s24 =	simm.s32 $0x0;
	s25 =	simm.s32 $0x200  }
.LBB2_2:
0x11: {  	p0 =	sne.s32 s25, $0xFE00;
	[tilespmem:s24+$0x14270] =	vst v2  }
0x12: {  	[tilespmem:s24+$0x14200] =	vst v2  }
0x13: {  	[tilespmem:s24+$0x14210] =	vst v2  }
.Ltmp0:
0x14: {  	[tilespmem:s24+$0x14220] =	vst v2;
	(pc) =	sbr.rel @p0 .LBB2_2-.Ltmp0, $4  }
0x15: {  	[tilespmem:s24+$0x14230] =	vst v2  }
0x16: {  	[tilespmem:s24+$0x14240] =	vst v2  }
0x17: {  	[tilespmem:s24+$0x14250] =	vst v2  }
0x18: {  	[tilespmem:s24+$0x14260] =	vst v2;
	s24 =	sshra.s32 s25, $0x2;
	s25 =	sadd.s32 $0x200, s25  }
0x19: {  	[tilespmem:s24+$0x14270] =	vst v2  }
0x1a: {  	[tilespmem:s24+$0x14200] =	vst v2  }
0x1b: {  	[tilespmem:s24+$0x14210] =	vst v2  }
0x1c: {  	[tilespmem:s24+$0x14220] =	vst v2  }
0x1d: {  	[tilespmem:s24+$0x14230] =	vst v2  }
0x1e: {  	[tilespmem:s24+$0x14240] =	vst v2  }
0x1f: {  	[tilespmem:s24+$0x14250] =	vst v2  }
0x20: {  	[tilespmem:s24+$0x14260] =	vst v2  }
0x21: {  	[spmem:s5] =	stream.linear.scatter [tilespmem:s15], [sflag:$0x2], $0x4000, $0x38;
	[tilespmem:$0x18200] =	vst v63  }
0x22: {  	_ =	swait.ge [sflag:s16], $0x4000  }
0x23: {  	[sflag:s16] =	ssyncset.done $0x0  }
0x24: {  	[sflag:s16] =	ssyncadd.s32 $0xFFFFC000  }
0x25: {  	[spmem:s6] =	stream.linear.scatter [tilespmem:s15], [sflag:$0x2], $0x4000, $0x38;
	[tilespmem:$0x18200] =	vst v63  }
0x26: {  	_ =	swait.ge [sflag:s16], $0x4000  }
0x27: {  	[sflag:s16] =	ssyncset.done $0x0  }
0x28: {  	[sflag:s16] =	ssyncadd.s32 $0xFFFFC000  }
0x29: {  	[spmem:s7] =	stream.linear.scatter [tilespmem:s15], [sflag:$0x2], $0x4000, $0x38;
	[tilespmem:$0x18200] =	vst v63  }
0x2a: {  	_ =	swait.ge [sflag:s16], $0x4000  }
0x2b: {  	[sflag:s16] =	ssyncset.done $0x0  }
0x2c: {  	[sflag:s16] =	ssyncadd.s32 $0xFFFFC000  }
0x2d: {  	[spmem:s8] =	stream.linear.scatter [tilespmem:s15], [sflag:$0x2], $0x4000, $0x38;
	[tilespmem:$0x18200] =	vst v63  }
0x2e: {  	_ =	swait.ge [sflag:s16], $0x4000  }
0x2f: {  	[sflag:s16] =	ssyncset.done $0x0  }
0x30: {  	[sflag:s16] =	ssyncadd.s32 $0xFFFFC000  }
0x31: {  	[spmem:s9] =	stream.linear.scatter [tilespmem:s15], [sflag:$0x2], $0x4000, $0x38;
	[tilespmem:$0x18200] =	vst v63  }
0x32: {  	_ =	swait.ge [sflag:s16], $0x4000  }
0x33: {  	[sflag:s16] =	ssyncset.done $0x0  }
0x34: {  	[sflag:s16] =	ssyncadd.s32 $0xFFFFC000  }
0x35: {  	s29 =	sadd.s32 $0x0, s14;
	[bflag:$0x0] =	sbarrier.arrive $0xFFFF  }
0x36: {  	[tilespmem:s17], [sflag:$0x2] =	stream.linear.gather [hbm4b:s29+s4], $0x80, $0x38;
	[tilespmem:$0x18200] =	vst v63  }
0x37: {  	_ =	swait.ge [sflag:s16], $0x80  }
0x38: {  	[sflag:s16] =	ssyncset.done $0x0  }
0x39: {  	s30 =	sadd.s32 $0x0, s13;
	[sflag:s16] =	ssyncadd.s32 $0xFFFFFF80  }
0x3a: {  	[tilespmem:s18], [sflag:$0x2] =	stream.linear.gather [hbm4b:s30+s4], $0x80, $0x38;
	[tilespmem:$0x18200] =	vst v63  }
0x3b: {  	_ =	swait.ge [sflag:s16], $0x80  }
0x3c: {  	[sflag:s16] =	ssyncset.done $0x0  }
0x3d: {  	s31 =	sadd.s32 $0x0, s12;
	[sflag:s16] =	ssyncadd.s32 $0xFFFFFF80  }
0x3e: {  	[tilespmem:s19], [sflag:$0x2] =	stream.linear.gather [hbm4b:s31+s4], $0x80, $0x38;
	[tilespmem:$0x18200] =	vst v63  }
0x3f: {  	_ =	swait.ge [sflag:s16], $0x80  }
0x40: {  	[sflag:s16] =	ssyncset.done $0x0  }
0x41: {  	[sflag:s16] =	ssyncadd.s32 $0xFFFFFF80  }
0x42: {  	v3 =	vld [tilespmem:$0x14080]  }
0x43: {  	v5 =	vld [tilespmem:$0x140D0]  }
0x44: {  	v6 =	vld [tilespmem:$0x140B0]  }
0x45: {  	v8 =	vld [tilespmem:$0x140A0]  }
0x46: {  	v4 =	vld [tilespmem:$0x14150]  }
0x47: {  	v7 =	vld [tilespmem:$0x14130]  }
0x48: {  	v9 =	vld [tilespmem:$0x14120]  }
0x49: {  	v10 =	vld [tilespmem:$0x140F0]  }
0x4a: {  	v11 =	vld [tilespmem:$0x14170]  }
0x4b: {  	v12 =	vld [tilespmem:$0x14110]  }
0x4c: {  	vm0 =	veq.s32 v4, v1;
	v4 =	vld [tilespmem:$0x14160]  }
0x4d: {  	vm1 =	veq.s32 v7, v1;
	v7 =	vsel vm0, v5, v0;
	v5 =	vld [tilespmem:$0x14100]  }
0x4e: {  	vm0 =	veq.s32 v9, v1;
	v6 =	vsel vm1, v6, v0;
	[tilespmem:$0x141D0] =	vst v7;
	v7 =	vld [tilespmem:$0x14140]  }
0x4f: {  	vm1 =	veq.s32 v11, v1;
	v8 =	vsel vm0, v8, v0;
	[tilespmem:$0x141B0] =	vst v6;
	v6 =	vld [tilespmem:$0x140C0]  }
0x50: {  	s24 =	simm.s32 $0x10;
	vm0 =	veq.s32 v12, v1;
	v9 =	vsel vm1, v10, v0;
	[tilespmem:$0x141A0] =	vst v8;
	v8 =	vld [tilespmem:$0x14090]  }
.LBB2_4:
0x51: {  	p0 =	sne.s32 s24, $0x9C0;
	v10 =	vld [tilespmem:$0x140E0];
	s25 =	smov.u32 s24;
	s24 =	sadd.s32 $0x10, s24  }
0x52: {  	vm1 =	veq.s32 v5, v1  }
0x53: {  	v3 =	vsel vm1, v3, v0;
	vm1 =	veq.s32 v7, v1;
	[tilespmem:$0x141F0] =	vst v9  }
0x54: {  	[tilespmem:$0x14180] =	vst v3;
	v3 =	vsel vm1, v6, v0  }
0x55: {  	v5 =	vsel vm0, v8, v0;
	[tilespmem:$0x141C0] =	vst v3;
	vm0 =	veq.s32 v4, v1  }
0x56: {  	[tilespmem:$0x14190] =	vst v5;
	v3 =	vsel vm0, v10, v0  }
0x57: {  	[tilespmem:$0x141E0] =	vst v3  }
0x58: {  	[tilespmem:s15], [sflag:$0x1] =	stream.indirect.gather [hbm4b:s1+s20], $0x80, s17, s20, $0xb8;
	[tilespmem:$0x18200] =	vst v63  }
0x59: {  	_ =	swait.ge [sflag:s21], $0x4000  }
0x5a: {  	[sflag:s21] =	ssyncset.done $0x0  }
0x5b: {  	[sflag:s21] =	ssyncadd.s32 $0xFFFFC000  }
0x5c: {  	[spmem:s3] =	stream.indirect.scatter.add.f32 [tilespmem:s15], [sflag:$0x2], $0x80, s22, s20, $0xb8;
	[tilespmem:$0x18200] =	vst v63  }
0x5d: {  	_ =	swait.ge [sflag:s16], $0x4000  }
0x5e: {  	[sflag:s16] =	ssyncset.done $0x0  }
0x5f: {  	s26 =	sadd.s32 s25, s14;
	[sflag:s16] =	ssyncadd.s32 $0xFFFFC000  }
0x60: {  	[tilespmem:s17], [sflag:$0x2] =	stream.linear.gather [hbm4b:s26+s4], $0x80, $0x38;
	[tilespmem:$0x18200] =	vst v63  }
0x61: {  	_ =	swait.ge [sflag:s16], $0x80  }
0x62: {  	[sflag:s16] =	ssyncset.done $0x0  }
0x63: {  	s26 =	sadd.s32 s25, s13;
	[sflag:s16] =	ssyncadd.s32 $0xFFFFFF80  }
0x64: {  	[tilespmem:s18], [sflag:$0x2] =	stream.linear.gather [hbm4b:s26+s4], $0x80, $0x38;
	[tilespmem:$0x18200] =	vst v63  }
0x65: {  	_ =	swait.ge [sflag:s16], $0x80  }
0x66: {  	[sflag:s16] =	ssyncset.done $0x0  }
0x67: {  	s25 =	sadd.s32 s25, s12;
	[sflag:s16] =	ssyncadd.s32 $0xFFFFFF80  }
0x68: {  	[tilespmem:s19], [sflag:$0x2] =	stream.linear.gather [hbm4b:s25+s4], $0x80, $0x38;
	[tilespmem:$0x18200] =	vst v63  }
0x69: {  	_ =	swait.ge [sflag:s16], $0x80  }
0x6a: {  	[sflag:s16] =	ssyncset.done $0x0  }
0x6b: {  	[sflag:s16] =	ssyncadd.s32 $0xFFFFFF80  }
0x6c: {  	v3 =	vld [tilespmem:$0x14080]  }
0x6d: {  	v4 =	vld [tilespmem:$0x140D0]  }
0x6e: {  	v6 =	vld [tilespmem:$0x140B0]  }
0x6f: {  	v7 =	vld [tilespmem:$0x140A0]  }
0x70: {  	v5 =	vld [tilespmem:$0x14150]  }
0x71: {  	v8 =	vld [tilespmem:$0x14130]  }
0x72: {  	v9 =	vld [tilespmem:$0x14120]  }
0x73: {  	v10 =	vld [tilespmem:$0x140F0]  }
0x74: {  	v11 =	vld [tilespmem:$0x14170]  }
0x75: {  	v12 =	vld [tilespmem:$0x14110];
	vm0 =	veq.s32 v5, v1  }
.Ltmp1:
0x76: {  	vm1 =	veq.s32 v8, v1;
	v8 =	vsel vm0, v4, v0;
	v4 =	vld [tilespmem:$0x14160];
	(pc) =	sbr.rel @p0 .LBB2_4-.Ltmp1, $4  }
0x77: {  	v5 =	vld [tilespmem:$0x14100];
	vm0 =	veq.s32 v9, v1;
	v6 =	vsel vm1, v6, v0;
	[tilespmem:$0x141D0] =	vst v8  }
0x78: {  	v8 =	vsel vm0, v7, v0;
	[tilespmem:$0x141B0] =	vst v6;
	v7 =	vld [tilespmem:$0x14140]  }
0x79: {  	[tilespmem:$0x141A0] =	vst v8;
	v6 =	vld [tilespmem:$0x140C0];
	vm1 =	veq.s32 v11, v1  }
0x7a: {  	v8 =	vld [tilespmem:$0x14090];
	vm0 =	veq.s32 v12, v1;
	v9 =	vsel vm1, v10, v0  }
0x7b: {  	v10 =	vld [tilespmem:$0x140E0]  }
0x7c: {  	vm1 =	veq.s32 v5, v1  }
0x7d: {  	[tilespmem:$0x141F0] =	vst v9;
	v3 =	vsel vm1, v3, v0;
	vm14 =	veq.s32 v7, v1  }
0x7e: {  	[tilespmem:$0x14180] =	vst v3;
	v3 =	vsel vm14, v6, v0  }
0x7f: {  	vm15 =	veq.s32 v4, v1;
	v63 =	vsel vm0, v8, v0;
	[tilespmem:$0x141C0] =	vst v3  }
0x80: {  	[tilespmem:$0x14190] =	vst v63;
	v3 =	vsel vm15, v10, v0  }
0x81: {  	[tilespmem:$0x141E0] =	vst v3  }
0x82: {  	[tilespmem:s15], [sflag:$0x1] =	stream.indirect.gather [hbm4b:s1+s20], $0x80, s17, s20, $0xb8;
	[tilespmem:$0x18200] =	vst v63  }
0x83: {  	_ =	swait.ge [sflag:s21], $0x4000  }
0x84: {  	[sflag:s21] =	ssyncset.done $0x0  }
0x85: {  	[sflag:s21] =	ssyncadd.s32 $0xFFFFC000  }
0x86: {  	[spmem:s3] =	stream.indirect.scatter.add.f32 [tilespmem:s15], [sflag:$0x2], $0x80, s22, s20, $0xb8;
	[tilespmem:$0x18200] =	vst v63  }
0x87: {  	_ =	swait.ge [sflag:s16], $0x4000  }
0x88: {  	s24 =	sshll.u32 s0, $0x6;
	s23 =	sadd.s32 $0x1, s23;
	[sflag:s16] =	ssyncset.done $0x0  }
0x89: {  	s25 =	sshrl.u32 s5, $0x3;
	p0 =	sne.s32 s23, s11;
	[sflag:s16] =	ssyncadd.s32 $0xFFFFC000  }
.Ltmp2:
0x8a: {  	s24 =	sor.u32 $0x1C02, s24;
	[bflag:$0x0] =	sbarrier.arrive $0xFFFF;
	(pc) =	sbr.rel @p0 .LBB2_1-.Ltmp2, $4  }
0x8b: {  	[hbm:s10], [sflag:s24] =	dma.local [spmem:s25], $0x2800  }
0x8c: {  	_ =	swait.ge [sflag:s16], $0x2800  }
0x8d: {  	[sflag:s16] =	ssyncset.done $0x0  }
0x8e: {  	[sflag:s16] =	ssyncadd.s32 $0xFFFFD800  }
0x8f: {  	_ =	sfence.sel $0x180000  }
0x90: {  	[bflag:$0x0] =	sbarrier.arrive $0xFFFF  }
0x91: {  	p0 =	sne.s32 s0, $0x0;
	_ =	strace $0x9000004D  }
0x92: {  	s0 =	sadd.s32 @!p0 $0x100000, s2;
	[bflag:$0x2] =	sbarrier.arrive $0xFFFF  }
0x93: {  	[sflag:s0] =	ssyncadd.tile.s32 @!p0 $0x1;
	_ =	shalt  }
.Lfunc_end2:
_tile_overlayer_lowered:
.L_overlay_start_2:
0x94: {  	(tag) =	ssettag $0x2  }
0x95: {  	s0 =	rddreg [dreg:$0x0];
	s2 =	stileid.u32  }
0x96: {  	s1 =	rddreg [dreg:$0x1];
	p0 =	sne.s32 s2, $0x0  }
0x97: {  	s3 =	rddreg [dreg:$0x2];
	[bflag:$0x3] =	sbarrier.arrive $0xFFFF;
	s2 =	simm.s32 @!p0 $0x1C02  }
0x98: {  	[timem:s3], [sflag:s2] =	dma.local @!p0 [hbm:s0], s1  }
0x99: {  	s0 =	simm.s32 @!p0 $0x2  }
0x9a: {  	_ =	swait.ge @!p0 [sflag:s0], s1  }
0x9b: {  	s1 =	ssub.s32 @!p0 $0x0, s1;
	[sflag:s0] =	ssyncset.done @!p0 $0x0  }
0x9c: {  	[sflag:s0] =	ssyncadd.s32 @!p0 s1  }
0x9d: {  	[bflag:$0x3] =	sbarrier.arrive $0xFFFF  }
0x9e: {  	_ =	shalt  }

// kernel: kernel.8.cloned.1.call-start
scs
__scs_entry_jumppad:
0x0: {  	(pc) =	sbr.rel $0x88, $3  }
0x1: {  	(tag) =	ssettag $0x0;
	lr =	simm.s32 $0x1  }
0x2: {  	[smem:$0x3F96] =	sst lr;
	_ =	strace $0xD0000000  }
0x3: {  	_ = 	snop  }
0x4: {  	_ = 	snop  }
0x5: {  	_ = 	snop  }
0x6: {  	_ = 	snop  }
0x7: {  	_ = 	snop  }
__scs_overlays_trampoline_lowered:
0x8: {  	[smem:$0x3FA5] =	sst s0  }
0x9: {  	[smem:$0x3FA6] =	sst s1  }
0xa: {  	[smem:$0x3FA7] =	sst s2  }
0xb: {  	[smem:$0x3FA8] =	sst s3  }
0xc: {  	[smem:$0x3FA9] =	sst s4  }
0xd: {  	[smem:$0x3FAA] =	sst s5  }
0xe: {  	[smem:$0x3FAB] =	sst s6  }
0xf: {  	[smem:$0x3FAC] =	sst s7  }
0x10: {  	[smem:$0x3FAD] =	sst s8  }
0x11: {  	[smem:$0x3FAE] =	sst s9;
	s0 =	simm.s32 @!p0 $0x0  }
0x12: {  	s1 =	sld [smem:$0x3F94];
	s0 =	simm.s32 @p0 $0x1  }
0x13: {  	[smem:$0x3FAF] =	sst s0;
	s0 =	simm.s32 @!p1 $0x0  }
0x14: {  	s2 =	sld [smem:$0x3F93];
	s0 =	simm.s32 @p1 $0x1  }
0x15: {  	[smem:$0x3FB0] =	sst s0;
	s0 =	simm.s32 @!p2 $0x0  }
0x16: {  	s3 =	sld [smem:$0x3FDB];
	s0 =	simm.s32 @p2 $0x1  }
0x17: {  	s4 =	simm.s32 $0x1BF5;
	[smem:$0x3FB2] =	sst s0  }
0x18: {  	s0 =	sld [smem:$0x3F95];
	_ =	swait.ge [sflag:s4], $0x0  }
0x19: {  	s7 =	sld [smem:$0x3F96]  }
0x1a: {  	s8 =	sadd.s32 $0xFFFFE003, lr  }
0x1b: {  	s9 =	sadd.s32 $0xFFFFFEF7, lr;
	s5 =	simm.s32 $0xFFFFFFFF;
	p2 =	slt.u32 s8, $0xFFFFF086  }
0x1c: {  	p1 =	slt.u32 s9, $0xF7A;
	s5 =	simm.s32 @!p2 $0x0  }
0x1d: {  	s5 =	simm.s32 @p1 $0x1;
	p0 =	seq.s32 s7, s2  }
0x1e: {  	s7 =	smul.u32 @!p0 $0xF7A, s2;
	p2 =	seq.s32 @!p0 s5, $0x0  }
0x1f: {  	s9 =	smul.u32 $0xF7A, s1;
	s8 =	simm.s32 @!p0 $0x1BF5;
	p2 =	por !p2, p0  }
0x20: {  	[sflag:s8] =	ssyncset.s32 @!p0 $0xFFFFF086;
	s6 =	sadd.s32 @!p0 s3, s7;
	s7 =	simm.s32 @!p0 $0x108  }
0x21: {  	s3 =	sadd.s32 s3, s9;
	s6 =	sadd.s32 @!p0 $0x88, s6;
	s7 =	simm.s32 @p2 $0x1082  }
0x22: {  	[simem:s7], [sflag:s8] =	dma.local @!p0 [hbm:s6], $0xF7A  }
0x23: {  	s9 =	sor.u32 $0xD0000000, s2;
	s6 =	simm.s32 $0x108;
	_ =	swait.ge @!p0 [sflag:s8], $0x0  }
0x24: {  	s3 =	sadd.s32 $0x88, s3;
	s6 =	simm.s32 @!p1 $0x1082;
	[sflag:s4] =	ssyncset.s32 $0xFFFFF086  }
0x25: {  	[simem:s6], [sflag:s4] =	dma.local [hbm:s3], $0xF7A  }
0x26: {  	[smem:$0x3F96] =	sst s1;
	(tag) =	ssettag s2;
	_ =	strace s9  }
0x27: {  	s1 =	sld [smem:$0x3FA6]  }
0x28: {  	s2 =	sld [smem:$0x3FA7]  }
0x29: {  	s4 =	sld [smem:$0x3FA9]  }
0x2a: {  	p0 =	seq.s32 s5, $0x0;
	s5 =	sld [smem:$0x3FAA]  }
0x2b: {  	s6 =	sld [smem:$0x3FAB]  }
0x2c: {  	s7 =	sld [smem:$0x3FAC]  }
0x2d: {  	s3 =	simm.s32 $0x108;
	s8 =	sld [smem:$0x3FAD]  }
0x2e: {  	s3 =	simm.s32 @!p0 $0x1082;
	s9 =	sld [smem:$0x3FAE]  }
0x2f: {  	lr =	sadd.s32 s0, s3;
	s0 =	sld [smem:$0x3FA5]  }
0x30: {  	s3 =	sld [smem:$0x3FA8]  }
0x31: {  	[smem:$0x3FB1] =	sst s10  }
0x32: {  	s10 =	sld [smem:$0x3FAF];
	_ =	sdelay $0x3  }
0x33: {  	p0 =	seq.s32 s10, $0x1;
	s10 =	sld [smem:$0x3FB1];
	_ =	sdelay $0x3  }
0x34: {  	[smem:$0x3FB1] =	sst s10  }
0x35: {  	s10 =	sld [smem:$0x3FB0];
	_ =	sdelay $0x3  }
0x36: {  	p1 =	seq.s32 s10, $0x1;
	s10 =	sld [smem:$0x3FB1];
	_ =	sdelay $0x3  }
0x37: {  	[smem:$0x3FB1] =	sst s10  }
0x38: {  	s10 =	sld [smem:$0x3FB2]  }
0x39: {  	_ = 	snop;
	(pc) =	sbr.ind lr, $3  }
0x3a: {  	_ = 	snop  }
0x3b: {  	_ = 	snop  }
0x3c: {  	p2 =	seq.s32 s10, $0x1;
	s10 =	sld [smem:$0x3FB1]  }
0x3d: {  	_ =	shalt  }
0x3e: {  	_ =	shalt  }
0x3f: {  	_ =	shalt  }
0x40: {  	_ =	shalt  }
0x41: {  	_ =	shalt  }
0x42: {  	_ =	shalt  }
0x43: {  	_ =	shalt  }
0x44: {  	_ =	shalt  }
0x45: {  	_ =	shalt  }
0x46: {  	_ =	shalt  }
0x47: {  	_ =	shalt  }
0x48: {  	_ =	shalt  }
0x49: {  	_ =	shalt  }
0x4a: {  	_ =	shalt  }
0x4b: {  	_ =	shalt  }
0x4c: {  	_ =	shalt  }
0x4d: {  	_ =	shalt  }
0x4e: {  	_ =	shalt  }
0x4f: {  	_ =	shalt  }
0x50: {  	_ =	shalt  }
0x51: {  	_ =	shalt  }
0x52: {  	_ =	shalt  }
0x53: {  	_ =	shalt  }
0x54: {  	_ =	shalt  }
0x55: {  	_ =	shalt  }
0x56: {  	_ =	shalt  }
0x57: {  	_ =	shalt  }
0x58: {  	_ =	shalt  }
0x59: {  	_ =	shalt  }
0x5a: {  	_ =	shalt  }
0x5b: {  	_ =	shalt  }
0x5c: {  	_ =	shalt  }
0x5d: {  	_ =	shalt  }
0x5e: {  	_ =	shalt  }
0x5f: {  	_ =	shalt  }
0x60: {  	_ =	shalt  }
0x61: {  	_ =	shalt  }
0x62: {  	_ =	shalt  }
0x63: {  	_ =	shalt  }
0x64: {  	_ =	shalt  }
0x65: {  	_ =	shalt  }
0x66: {  	_ =	shalt  }
0x67: {  	_ =	shalt  }
0x68: {  	_ =	shalt  }
0x69: {  	_ =	shalt  }
0x6a: {  	_ =	shalt  }
0x6b: {  	_ =	shalt  }
0x6c: {  	_ =	shalt  }
0x6d: {  	_ =	shalt  }
0x6e: {  	_ =	shalt  }
0x6f: {  	_ =	shalt  }
0x70: {  	_ =	shalt  }
0x71: {  	_ =	shalt  }
0x72: {  	_ =	shalt  }
0x73: {  	_ =	shalt  }
0x74: {  	_ =	shalt  }
0x75: {  	_ =	shalt  }
0x76: {  	_ =	shalt  }
0x77: {  	_ =	shalt  }
0x78: {  	_ =	shalt  }
0x79: {  	_ =	shalt  }
0x7a: {  	_ =	shalt  }
0x7b: {  	_ =	shalt  }
0x7c: {  	_ =	shalt  }
0x7d: {  	_ =	shalt  }
0x7e: {  	_ =	shalt  }
0x7f: {  	_ =	shalt  }
0x80: {  	_ =	shalt  }
0x81: {  	_ =	shalt  }
0x82: {  	_ =	shalt  }
0x83: {  	_ =	shalt  }
0x84: {  	_ =	shalt  }
0x85: {  	_ =	shalt  }
0x86: {  	_ =	shalt  }
0x87: {  	_ =	shalt  }
.Lfunc_end0:
.L_simem_size_0:
called_computation_lowered:
.L_overlay_start_0:
0x88: {  	s2 =	sld [smem:$0x3FD9]  }
0x89: {  	s3 =	sld [smem:$0x3FFE];
	_ =	sdelay $0x1  }
0x8a: {  	s1 =	srdreg.scid  }
0x8b: {  	s0 =	sand.u32 $0x1, s1  }
0x8c: {  	s17 =	sshll.u32 s0, $0xA;
	s2 =	sadd.s32 s3, s2  }
0x8d: {  	s2 =	sadd.s32 s2, s17  }
0x8e: {  	[smem:$0x3FBD] =	sst s2  }
0x8f: {  	_ = 	snop  }
0x90: {  	(tm) =	ssettm $0x1  }
0x91: {  	s18 =	sld [smem:$0x3FFB];
	_ =	sdelay $0x3  }
0x92: {  	_ =	strace s18  }
0x93: {  	s2 =	sld [smem:$0x3FFC];
	_ =	sdelay $0x3  }
0x94: {  	_ =	strace s2  }
0x95: {  	s2 =	sld [smem:$0x3FFD];
	_ =	sdelay $0x3  }
0x96: {  	_ =	strace s2  }
0x97: {  	_ =	strace $0x8FFFFFFF  }
0x98: {  	s19 =	sld [smem:$0x3FDB];
	_ =	sdelay $0x1  }
0x99: {  	s20 =	simm.s32 $_scs_section_size  }
0x9a: {  	s4 =	simm.s32 $_size__tile_overlayer_lowered;
	s5 =	simm.s32 $_tile_overlayer_lowered  }
0x9b: {  	s6 =	simm.s32 $0x1BFF;
	s21 =	sshll.u32 s5, $0x1;
	s3 =	sadd.s32 s20, s19  }
0x9c: {  	s22 =	simm.s32 $0x0;
	s4 =	sshll.u32 s4, $0x1;
	s5 =	sadd.s32 s21, s3  }
0x9d: {  	[timem:s22], [sflag:s6] =	dma.local [hbm:s5], s4  }
0x9e: {  	_ =	swait.ge [sflag:s6], s4  }
0x9f: {  	s4 =	ssub.s32 $0x0, s4;
	[sflag:s6] =	ssyncset.done $0x0  }
0xa0: {  	[sflag:s6] =	ssyncadd.s32 s4;
	_ =	sdelay $0x1  }
0xa1: {  	s23 =	simm.s32 $0x1B8B  }
0xa2: {  	_ =	swait.ge [sflag:s23], $0x1  }
0xa3: {  	[sflag:s23] =	ssyncset.done $0x0  }
0xa4: {  	[sflag:s23] =	ssyncadd.s32 $0xFFFFFFFF  }
0xa5: {  	s4 =	sld [smem:$0x0]  }
0xa6: {  	s5 =	sand.u32 $0xFFFFFFFE, s1  }
0xa7: {  	p0 =	sne.s32 s1, s5  }
0xa8: {  	s5 =	sshll.u32 @p0 s5, $0xE  }
0xa9: {  	s5 =	sadd.s32 @p0 $0x11B8D, s5;
	s6 =	sshll.u32 @p0 s4, $0x11  }
0xaa: {  	s5 =	sor.u32 @p0 s6, s5  }
0xab: {  	[sflag:s5] =	ssyncadd.remote.s32 @p0 $0x1;
	_ =	sdelay $0x1  }
0xac: {  	s5 =	simm.s32 @p0 $0x1B8D  }
0xad: {  	_ =	swait.eq @p0 [sflag:s5], $0x1  }
0xae: {  	[sflag:s5] =	ssyncadd.s32 @p0 $0xFFFFFFFF  }
0xaf: {  	s6 =	sshll.u32 @!p0 s1, $0xE  }
0xb0: {  	s6 =	sor.u32 @!p0 $0x4000, s6;
	s5 =	simm.s32 @!p0 $0x1B8D  }
0xb1: {  	s4 =	sshll.u32 @!p0 s4, $0x11;
	s6 =	sadd.s32 @!p0 $0x11B8D, s6;
	_ =	swait.eq @!p0 [sflag:s5], $0x1  }
0xb2: {  	s4 =	sor.u32 @!p0 s4, s6;
	[sflag:s5] =	ssyncadd.s32 @!p0 $0xFFFFFFFF  }
0xb3: {  	s25 =	simm.s32 $0x1B8E;
	s24 =	sld [smem:$0x3FFE];
	[sflag:s4] =	ssyncadd.remote.s32 @!p0 $0x1  }
0xb4: {  	s26 =	simm.s32 $execute0_lowered;
	[smem:$0x3FD2] =	sst s25  }
0xb5: {  	s5 =	sshll.u32 s26, $0x1;
	_ =	strace $0x80000049;
	[dreg:$0x1] =	wrdreg $0xFFFFFFFF  }
0xb6: {  	s28 =	simm.s32 $_size_execute0_lowered;
	s3 =	sadd.s32 s3, s5;
	[dreg:$0x0] =	wrdreg $0x0  }
0xb7: {  	s5 =	sshll.u32 s28, $0x1;
	[dreg:$0x2] =	wrdreg s3  }
0xb8: {  	[dreg:$0x3] =	wrdreg s5  }
0xb9: {  	[dreg:$0x4] =	wrdreg $0xC0  }
0xba: {  	_ =	task [dreg:s22], $0x5FFFF  }
0xbb: {  	[dreg:$0x1] =	wrdreg $0xFFFFFFFF  }
0xbc: {  	[dreg:$0x0] =	wrdreg $0x60  }
0xbd: {  	[dreg:$0x2] =	wrdreg s24  }
0xbe: {  	[dreg:$0x3] =	wrdreg $0x0  }
0xbf: {  	[dreg:$0x4] =	wrdreg $0x9  }
0xc0: {  	_ =	task.clear_ibuf [dreg:s22], $0x5FFFF;
	_ =	strace $0x90000049  }
0xc1: {  	s29 =	simm.s32 $0x9;
	_ =	strace $0x8000004B  }
0xc2: {  	_ =	swait.ge [sflag:s29], $0x1  }
0xc3: {  	[sflag:s29] =	ssyncadd.s32 $0xFFFFFFFF  }
0xc4: {  	_ =	strace $0x9000004B  }
0xc5: {  	_ =	sfence  }
0xc6: {  	s30 =	sld [smem:$0x0];
	_ =	sdelay $0x2  }
0xc7: {  	s31 =	sshll.u32 s1, $0xD;
	s1 =	sshrl.u32 s1, $0x2  }
0xc8: {  	s4 =	sand.u32 $0x4000, s31;
	s1 =	sadd.s32 s1, s30  }
0xc9: {  	s0 =	sor.u32 s4, s0;
	s1 =	sshll.u32 s1, $0x11  }
0xca: {  	s0 =	sor.u32 s1, s0  }
0xcb: {  	s0 =	sadd.s32 $0x8F2B, s0  }
0xcc: {  	[sflag:s0] =	ssyncadd.remote.s32 $0x1  }
0xcd: {  	_ =	sfence.sel $0xFFFF  }
0xce: {  	[dreg:$0x0] =	wrdreg $0xFFFFFFFF;
	(pc) =	sbr.abs _section_cstart, $3  }
0xcf: {  	[dreg:$0x1] =	wrdreg $0xFFFFFFFF  }
0xd0: {  	_ =	task.clear_ibuf [dreg:s22], $0x2FFFF;
	_ =	strace $0x9FFFFFFF  }
0xd1: {  	(tm) =	ssettm $0x7FFFFFFF  }
tec
execute0_lowered:
.L_overlay_start_1:
0x0: {  	(tag) =	ssettag $0x1  }
0x1: {  	s0 =	stileid.u32  }
0x2: {  	s1 =	srdreg.scid;
	s4 =	rddreg [dreg:$0x0]  }
0x3: {  	s2 =	rddreg [dreg:$0x1];
	s3 =	simm.s32 $0x0;
	s13 =	simm.s32 $0x14180  }
0x4: {  	s14 =	simm.s32 $0x1;
	s15 =	simm.s32 $0x14000;
	s16 =	simm.s32 $0x14080  }
0x5: {  	s18 =	simm.s32 $0x14100;
	s21 =	simm.s32 $0x0;
	s5 =	smul.u32 $0x9D0, s0  }
0x6: {  	s19 =	sand.u32 $0x1, s1;
	s1 =	rddreg [dreg:$0x2];
	s7 =	smul.u32 $0x14000, s0  }
0x7: {  	[smem:$0x7FF] =	sst s3;
	s8 =	smul.u32 $0x50000, s0;
	s11 =	sshll.u32 s0, $0x3  }
0x8: {  	s20 =	sshll.u32 s0, $0x6;
	s6 =	smul.u32 $0x140000, s19;
	_ =	strace $0x8000004A  }
0x9: {  	v0 =	vlaneseq.u32;
	s29 =	ssub.s32 $0x2, s19;
	s17 =	sadd.s32 $0x2710, s11;
	v1 =	vmov s19;
	s19 =	sor.u32 $0x1C01, s20  }
0xa: {  	v0 =	vand.u32 $0x7, v0;
	s12 =	sadd.s32 s5, s4;
	s30 =	sshrl.u32 s8, $0x2;
	s31 =	sshrl.u32 s29, $0x1  }
0xb: {  	v0 =	vor.u32 s17, v0;
	s17 =	simm.s32 $0x80;
	s28 =	sadd.s32 s7, s6;
	s10 =	ssub.s32 s29, s31  }
0xc: {  	s11 =	sadd.s32 $0x16200, s12;
	s12 =	sadd.s32 $0x2600, s12;
	s5 =	sshrl.u32 s28, $0x3  }
0xd: {  	s10 =	smax.u32 s10, $0x1;
	s9 =	sadd.s32 s5, s4;
	s4 =	sadd.s32 s30, s2  }
0xe: {  	s5 =	sadd.s32 $0x4000, s4;
	s6 =	sadd.s32 $0x8000, s4;
	s7 =	sadd.s32 $0xC000, s4  }
0xf: {  	v2 =	vimm.f32 $0.0e+00;
	v3 =	vimm.f32 $1.000000000e+00;
	s8 =	sadd.s32 $0x10000, s4;
	s9 =	sadd.s32 $0x70000, s9;
	s20 =	sshrl.u32 s4, $0x3  }
.LBB2_1:
0x10: {  	s22 =	simm.s32 $0x0;
	s23 =	simm.s32 $0x200  }
.LBB2_2:
0x11: {  	p0 =	sne.s32 s23, $0xFE00;
	[tilespmem:s22+$0x141F0] =	vst v2  }
0x12: {  	[tilespmem:s22+$0x14180] =	vst v2  }
0x13: {  	[tilespmem:s22+$0x14190] =	vst v2  }
.Ltmp0:
0x14: {  	[tilespmem:s22+$0x141A0] =	vst v2;
	(pc) =	sbr.rel @p0 .LBB2_2-.Ltmp0, $4  }
0x15: {  	[tilespmem:s22+$0x141B0] =	vst v2  }
0x16: {  	[tilespmem:s22+$0x141C0] =	vst v2  }
0x17: {  	[tilespmem:s22+$0x141D0] =	vst v2  }
0x18: {  	[tilespmem:s22+$0x141E0] =	vst v2;
	s22 =	sshra.s32 s23, $0x2;
	s23 =	sadd.s32 $0x200, s23  }
0x19: {  	[tilespmem:s22+$0x141F0] =	vst v2  }
0x1a: {  	[tilespmem:s22+$0x14180] =	vst v2  }
0x1b: {  	[tilespmem:s22+$0x14190] =	vst v2  }
0x1c: {  	[tilespmem:s22+$0x141A0] =	vst v2  }
0x1d: {  	[tilespmem:s22+$0x141B0] =	vst v2  }
0x1e: {  	[tilespmem:s22+$0x141C0] =	vst v2  }
0x1f: {  	[tilespmem:s22+$0x141D0] =	vst v2  }
0x20: {  	[tilespmem:s22+$0x141E0] =	vst v2  }
0x21: {  	[spmem:s4] =	stream.linear.scatter [tilespmem:s13], [sflag:$0x1], $0x4000, $0x38;
	[tilespmem:$0x18180] =	vst v63  }
0x22: {  	_ =	swait.ge [sflag:s14], $0x4000  }
0x23: {  	[sflag:s14] =	ssyncset.done $0x0  }
0x24: {  	[sflag:s14] =	ssyncadd.s32 $0xFFFFC000  }
0x25: {  	[spmem:s5] =	stream.linear.scatter [tilespmem:s13], [sflag:$0x1], $0x4000, $0x38;
	[tilespmem:$0x18180] =	vst v63  }
0x26: {  	_ =	swait.ge [sflag:s14], $0x4000  }
0x27: {  	[sflag:s14] =	ssyncset.done $0x0  }
0x28: {  	[sflag:s14] =	ssyncadd.s32 $0xFFFFC000  }
0x29: {  	[spmem:s6] =	stream.linear.scatter [tilespmem:s13], [sflag:$0x1], $0x4000, $0x38;
	[tilespmem:$0x18180] =	vst v63  }
0x2a: {  	_ =	swait.ge [sflag:s14], $0x4000  }
0x2b: {  	[sflag:s14] =	ssyncset.done $0x0  }
0x2c: {  	[sflag:s14] =	ssyncadd.s32 $0xFFFFC000  }
0x2d: {  	[spmem:s7] =	stream.linear.scatter [tilespmem:s13], [sflag:$0x1], $0x4000, $0x38;
	[tilespmem:$0x18180] =	vst v63  }
0x2e: {  	_ =	swait.ge [sflag:s14], $0x4000  }
0x2f: {  	[sflag:s14] =	ssyncset.done $0x0  }
0x30: {  	[sflag:s14] =	ssyncadd.s32 $0xFFFFC000  }
0x31: {  	[spmem:s8] =	stream.linear.scatter [tilespmem:s13], [sflag:$0x1], $0x4000, $0x38;
	[tilespmem:$0x18180] =	vst v63  }
0x32: {  	_ =	swait.ge [sflag:s14], $0x4000  }
0x33: {  	[sflag:s14] =	ssyncset.done $0x0  }
0x34: {  	[sflag:s14] =	ssyncadd.s32 $0xFFFFC000  }
0x35: {  	s22 =	simm.s32 $0x0;
	s23 =	simm.s32 $0x200;
	[bflag:$0x0] =	sbarrier.arrive $0xFFFF  }
.LBB2_4:
0x36: {  	p0 =	sne.s32 s23, $0xFE00;
	[tilespmem:s22+$0x141F0] =	vst v3  }
0x37: {  	[tilespmem:s22+$0x14180] =	vst v3  }
0x38: {  	[tilespmem:s22+$0x14190] =	vst v3  }
.Ltmp1:
0x39: {  	[tilespmem:s22+$0x141A0] =	vst v3;
	(pc) =	sbr.rel @p0 .LBB2_4-.Ltmp1, $4  }
0x3a: {  	[tilespmem:s22+$0x141B0] =	vst v3  }
0x3b: {  	[tilespmem:s22+$0x141C0] =	vst v3  }
0x3c: {  	[tilespmem:s22+$0x141D0] =	vst v3  }
0x3d: {  	[tilespmem:s22+$0x141E0] =	vst v3;
	s22 =	sshra.s32 s23, $0x2;
	s23 =	sadd.s32 $0x200, s23  }
0x3e: {  	[tilespmem:s22+$0x141F0] =	vst v3  }
0x3f: {  	[tilespmem:s22+$0x14180] =	vst v3  }
0x40: {  	[tilespmem:s22+$0x14190] =	vst v3  }
0x41: {  	[tilespmem:s22+$0x141A0] =	vst v3  }
0x42: {  	[tilespmem:s22+$0x141B0] =	vst v3  }
0x43: {  	[tilespmem:s22+$0x141C0] =	vst v3  }
0x44: {  	[tilespmem:s22+$0x141D0] =	vst v3  }
0x45: {  	[tilespmem:s22+$0x141E0] =	vst v3;
	s30 =	sadd.s32 $0x0, s12  }
0x46: {  	[tilespmem:s15], [sflag:$0x1] =	stream.linear.gather [hbm4b:s30+s3], $0x80, $0x38;
	[tilespmem:$0x18180] =	vst v63  }
0x47: {  	_ =	swait.ge [sflag:s14], $0x80  }
0x48: {  	[sflag:s14] =	ssyncset.done $0x0  }
0x49: {  	s31 =	sadd.s32 $0x0, s11;
	[sflag:s14] =	ssyncadd.s32 $0xFFFFFF80  }
0x4a: {  	[tilespmem:s16], [sflag:$0x1] =	stream.linear.gather [hbm4b:s31+s3], $0x80, $0x38;
	[tilespmem:$0x18180] =	vst v63  }
0x4b: {  	_ =	swait.ge [sflag:s14], $0x80  }
0x4c: {  	[sflag:s14] =	ssyncset.done $0x0  }
0x4d: {  	[sflag:s14] =	ssyncadd.s32 $0xFFFFFF80  }
0x4e: {  	v4 =	vld [tilespmem:$0x14000]  }
0x4f: {  	v6 =	vld [tilespmem:$0x14030]  }
0x50: {  	v7 =	vld [tilespmem:$0x14020]  }
0x51: {  	s22 =	simm.s32 $0x10;
	v5 =	vld [tilespmem:$0x14060]  }
.LBB2_6:
0x52: {  	p0 =	sne.s32 s22, $0x9C0;
	v8 =	vld [tilespmem:$0x140B0];
	s23 =	smov.u32 s22;
	s22 =	sadd.s32 $0x10, s22  }
0x53: {  	v9 =	vld [tilespmem:$0x14010]  }
0x54: {  	v10 =	vld [tilespmem:$0x14050]  }
0x55: {  	v11 =	vld [tilespmem:$0x140A0]  }
0x56: {  	v12 =	vld [tilespmem:$0x140D0]  }
0x57: {  	v13 =	vld [tilespmem:$0x14070]  }
0x58: {  	v14 =	vld [tilespmem:$0x140F0]  }
0x59: {  	v15 =	vld [tilespmem:$0x14090]  }
0x5a: {  	vm0 =	veq.s32 v11, v1;
	v11 =	vld [tilespmem:$0x140E0]  }
0x5b: {  	v16 =	vld [tilespmem:$0x14080];
	v7 =	vsel vm0, v7, v0;
	vm0 =	veq.s32 v12, v1  }
0x5c: {  	vm1 =	veq.s32 v8, v1;
	[tilespmem:$0x14120] =	vst v7;
	v7 =	vld [tilespmem:$0x140C0];
	v8 =	vsel vm0, v10, v0  }
0x5d: {  	v6 =	vsel vm1, v6, v0;
	v10 =	vld [tilespmem:$0x14040];
	[tilespmem:$0x14150] =	vst v8;
	vm0 =	veq.s32 v14, v1  }
0x5e: {  	vm1 =	veq.s32 v15, v1;
	[tilespmem:$0x14130] =	vst v6;
	v6 =	vsel vm0, v13, v0  }
0x5f: {  	v8 =	vsel vm1, v9, v0;
	vm0 =	veq.s32 v11, v1;
	[tilespmem:$0x14170] =	vst v6  }
0x60: {  	vm1 =	veq.s32 v16, v1;
	[tilespmem:$0x14110] =	vst v8;
	v5 =	vsel vm0, v5, v0  }
0x61: {  	v4 =	vsel vm1, v4, v0;
	vm0 =	veq.s32 v7, v1;
	[tilespmem:$0x14160] =	vst v5  }
0x62: {  	[tilespmem:$0x14100] =	vst v4;
	v4 =	vsel vm0, v10, v0  }
0x63: {  	[tilespmem:$0x14140] =	vst v4  }
0x64: {  	[spmem:s2] =	stream.indirect.scatter.add.f32 [tilespmem:s13], [sflag:$0x1], $0x80, s18, s17, $0xb8;
	[tilespmem:$0x18180] =	vst v63  }
0x65: {  	_ =	swait.ge [sflag:s14], $0x4000  }
0x66: {  	[sflag:s14] =	ssyncset.done $0x0  }
0x67: {  	s24 =	sadd.s32 s23, s12;
	[sflag:s14] =	ssyncadd.s32 $0xFFFFC000  }
0x68: {  	[tilespmem:s15], [sflag:$0x1] =	stream.linear.gather [hbm4b:s24+s3], $0x80, $0x38;
	[tilespmem:$0x18180] =	vst v63  }
0x69: {  	_ =	swait.ge [sflag:s14], $0x80  }
0x6a: {  	[sflag:s14] =	ssyncset.done $0x0  }
0x6b: {  	s23 =	sadd.s32 s23, s11;
	[sflag:s14] =	ssyncadd.s32 $0xFFFFFF80  }
0x6c: {  	[tilespmem:s16], [sflag:$0x1] =	stream.linear.gather [hbm4b:s23+s3], $0x80, $0x38;
	[tilespmem:$0x18180] =	vst v63  }
0x6d: {  	_ =	swait.ge [sflag:s14], $0x80  }
0x6e: {  	[sflag:s14] =	ssyncset.done $0x0  }
.Ltmp2:
0x6f: {  	[sflag:s14] =	ssyncadd.s32 $0xFFFFFF80;
	(pc) =	sbr.rel @p0 .LBB2_6-.Ltmp2, $4  }
0x70: {  	v4 =	vld [tilespmem:$0x14000]  }
0x71: {  	v6 =	vld [tilespmem:$0x14030]  }
0x72: {  	v7 =	vld [tilespmem:$0x14020]  }
0x73: {  	v5 =	vld [tilespmem:$0x14060]  }
0x74: {  	v8 =	vld [tilespmem:$0x140B0]  }
0x75: {  	v9 =	vld [tilespmem:$0x14010]  }
0x76: {  	v10 =	vld [tilespmem:$0x14050]  }
0x77: {  	v11 =	vld [tilespmem:$0x140A0]  }
0x78: {  	v12 =	vld [tilespmem:$0x140D0]  }
0x79: {  	v13 =	vld [tilespmem:$0x14070]  }
0x7a: {  	v14 =	vld [tilespmem:$0x140F0]  }
0x7b: {  	v15 =	vld [tilespmem:$0x14090]  }
0x7c: {  	v58 =	vld [tilespmem:$0x140E0];
	vm0 =	veq.s32 v11, v1  }
0x7d: {  	v16 =	vld [tilespmem:$0x14080];
	vm10 =	veq.s32 v12, v1;
	v7 =	vsel vm0, v7, v0  }
0x7e: {  	v59 =	vld [tilespmem:$0x140C0];
	vm1 =	veq.s32 v8, v1;
	v60 =	vsel vm10, v10, v0;
	[tilespmem:$0x14120] =	vst v7  }
0x7f: {  	v61 =	vld [tilespmem:$0x14040];
	vm11 =	veq.s32 v14, v1;
	v6 =	vsel vm1, v6, v0;
	[tilespmem:$0x14150] =	vst v60  }
0x80: {  	vm12 =	veq.s32 v15, v1;
	v62 =	vsel vm11, v13, v0;
	[tilespmem:$0x14130] =	vst v6  }
0x81: {  	vm13 =	veq.s32 v58, v1;
	v63 =	vsel vm12, v9, v0;
	[tilespmem:$0x14170] =	vst v62  }
0x82: {  	vm14 =	veq.s32 v16, v1;
	v5 =	vsel vm13, v5, v0;
	[tilespmem:$0x14110] =	vst v63  }
0x83: {  	vm15 =	veq.s32 v59, v1;
	v4 =	vsel vm14, v4, v0;
	[tilespmem:$0x14160] =	vst v5  }
0x84: {  	[tilespmem:$0x14100] =	vst v4;
	v4 =	vsel vm15, v61, v0  }
0x85: {  	[tilespmem:$0x14140] =	vst v4  }
0x86: {  	[spmem:s2] =	stream.indirect.scatter.add.f32 [tilespmem:s13], [sflag:$0x1], $0x80, s18, s17, $0xb8;
	[tilespmem:$0x18180] =	vst v63  }
0x87: {  	_ =	swait.ge [sflag:s14], $0x4000  }
0x88: {  	s21 =	sadd.s32 $0x1, s21;
	[sflag:s14] =	ssyncset.done $0x0  }
0x89: {  	p0 =	sne.s32 s21, s10;
	[sflag:s14] =	ssyncadd.s32 $0xFFFFC000  }
.Ltmp3:
0x8a: {  	[bflag:$0x0] =	sbarrier.arrive $0xFFFF;
	(pc) =	sbr.rel @p0 .LBB2_1-.Ltmp3, $4  }
0x8b: {  	[hbm:s9], [sflag:s19] =	dma.local [spmem:s20], $0x2800  }
0x8c: {  	_ =	swait.ge [sflag:s14], $0x2800  }
0x8d: {  	[sflag:s14] =	ssyncset.done $0x0  }
0x8e: {  	[sflag:s14] =	ssyncadd.s32 $0xFFFFD800  }
0x8f: {  	_ =	sfence.sel $0x180000  }
0x90: {  	[bflag:$0x0] =	sbarrier.arrive $0xFFFF  }
0x91: {  	p0 =	sne.s32 s0, $0x0;
	_ =	strace $0x9000004A  }
0x92: {  	s0 =	sadd.s32 @!p0 $0x100000, s1;
	[bflag:$0x2] =	sbarrier.arrive $0xFFFF  }
0x93: {  	[sflag:s0] =	ssyncadd.tile.s32 @!p0 $0x1;
	_ =	shalt  }
.Lfunc_end2:
_tile_overlayer_lowered:
.L_overlay_start_2:
0x94: {  	(tag) =	ssettag $0x2  }
0x95: {  	s0 =	rddreg [dreg:$0x0];
	s2 =	stileid.u32  }
0x96: {  	s1 =	rddreg [dreg:$0x1];
	p0 =	sne.s32 s2, $0x0  }
0x97: {  	s3 =	rddreg [dreg:$0x2];
	[bflag:$0x3] =	sbarrier.arrive $0xFFFF;
	s2 =	simm.s32 @!p0 $0x1C01  }
0x98: {  	[timem:s3], [sflag:s2] =	dma.local @!p0 [hbm:s0], s1  }
0x99: {  	s0 =	simm.s32 @!p0 $0x1  }
0x9a: {  	_ =	swait.ge @!p0 [sflag:s0], s1  }
0x9b: {  	s1 =	ssub.s32 @!p0 $0x0, s1;
	[sflag:s0] =	ssyncset.done @!p0 $0x0  }
0x9c: {  	[sflag:s0] =	ssyncadd.s32 @!p0 s1  }
0x9d: {  	[bflag:$0x3] =	sbarrier.arrive $0xFFFF  }
0x9e: {  	_ =	shalt  }

</sc_bundles>
